<compile_context>
chip_gen: v7x
topology: tpu7x:2x2x1
jax: 0.10.2.dev20260603
libtpu: 0.0.44.dev20260713+nightly
codegen_flags: <defaults>
</compile_context>

<pallas_src>
import functools

import jax
import jax.numpy as jnp
from jax import lax
from jax.experimental import pallas as pl
from jax.experimental.pallas import tpu as pltpu
from jax.experimental.pallas import tpu_sc as plsc

_NUM_E = 512
_DIM = 64
_G = 8
_NCHUNK = 4


def _idx_body(x_ref, e_ref, o_ref):
    ee = e_ref[...]
    es = jnp.sum(ee * ee, axis=1)[None, :] * 0.25
    for g in range(_G):
        xb = x_ref[g]

        prod2 = jax.lax.dot_general(
            xb, ee, (((0,), (1,)), ((), ())),
            preferred_element_type=jnp.float32)
        zs = jnp.sum(xb * xb, axis=0)[:, None]
        dist = (zs + es) + prod2

        m = jnp.min(dist, axis=1, keepdims=True)
        iota = jax.lax.broadcasted_iota(jnp.int32, dist.shape, 1)
        idx = jnp.min(jnp.where(dist == m, iota, _NUM_E - 1), axis=1)
        o_ref[g] = idx


def _tc_indices(xc, e2, cb):
    B, C, P = xc.shape
    CB = B // _NCHUNK
    return pl.pallas_call(
        _idx_body,
        grid=(CB // _G,),
        in_specs=[
            pl.BlockSpec((_G, C, P), lambda i, cb=cb: (i + cb * (CB // _G), 0, 0)),
            pl.BlockSpec((_NUM_E, _DIM), lambda i: (0, 0)),
        ],
        out_specs=pl.BlockSpec((_G, P), lambda i: (i, 0)),
        out_shape=jax.ShapeDtypeStruct((CB, P), jnp.int32),
        compiler_params=pltpu.CompilerParams(dimension_semantics=("arbitrary",)),
    )(xc, e2)


def _sc_gather(idx_chunk, et_flat, P):
    CB = idx_chunk.shape[0]
    info = plsc.get_sparse_core_info()
    nw = info.num_cores * info.num_subcores
    bpw = CB // nw
    mesh = plsc.VectorSubcoreMesh(core_axis_name="c", subcore_axis_name="s")

    @functools.partial(
        pl.kernel, mesh=mesh,
        out_type=jax.ShapeDtypeStruct((CB, _DIM * P), jnp.float32),
        compiler_params=pltpu.CompilerParams(needs_layout_passes=False),
        scratch_types=[
            pltpu.VMEM((_DIM * _NUM_E,), jnp.float32),
            pltpu.VMEM((P,), jnp.int32),
            pltpu.VMEM((_DIM * P,), jnp.float32),
        ],
    )
    def k(et_hbm, idx_hbm, out_hbm, et_v, idx_v, out_v):
        wid = lax.axis_index("s") * info.num_cores + lax.axis_index("c")
        pltpu.sync_copy(et_hbm, et_v)
        for bl in range(bpw):
            b = wid * bpw + bl
            pltpu.sync_copy(idx_hbm.at[b], idx_v)

            nk = P // 16

            @plsc.parallel_loop(0, _DIM * nk, unroll=8)
            def _gather_loop(i):
                c = lax.shift_right_logical(i, 6)
                kk = lax.bitwise_and(i, nk - 1)
                a = idx_v[pl.ds(kk * 16, 16)] + c * _NUM_E
                vec = plsc.load_gather(et_v, [a])
                out_v[pl.ds(i * 16, 16)] = vec
            pltpu.sync_copy(out_v, out_hbm.at[b])

    return k(et_flat, idx_chunk)


def kernel(x, e):
    B, C, H, W = x.shape
    P = H * W
    xr = x.reshape(B, C, P)
    e2 = -2.0 * e
    et_flat = e.T.reshape(-1)
    chunks = []
    for cb in range(_NCHUNK):
        idx_c = _tc_indices(xr, e2, cb)
        chunks.append(_sc_gather(idx_c, et_flat, P))
    out = jnp.concatenate(chunks, axis=0)
    return out.reshape(B, C, H, W)

# --- scband reference (transcript-rebuilt; emitter-appended) ---
"""Pipeline reference for scband-quantizer-59081570125221 (READ-ONLY COPY).

The authoritative reference and input builder live on the scoring server;
editing this copy changes nothing except your own understanding.
"""

import jax, jax.numpy as jnp
import numpy as np

NUM_EMBEDDINGS = 512
EMBEDDING_DIM = 64


def setup_inputs(seed: int = 0) -> dict:
    key = jax.random.key(seed)
    k1, k2 = jax.random.split(key)
    x = jax.random.normal(k1, (256, 64, 32, 32), dtype=jnp.float32)
    e = jax.random.normal(k2, (NUM_EMBEDDINGS, EMBEDDING_DIM), dtype=jnp.float32)
    return {"x": x, "e": e}


def reference(x, e):
    B, C, H, W = x.shape
    z_e_flat = jnp.transpose(x, (0, 2, 3, 1)).reshape(-1, EMBEDDING_DIM)
    # distance computation is under no_grad in the original module
    zf = jax.lax.stop_gradient(z_e_flat)
    ef = jax.lax.stop_gradient(e)
    dist = (jnp.sum(zf * zf, axis=1, keepdims=True)
            + jnp.sum(ef * ef, axis=1)[None, :]
            - 2.0 * (zf @ ef.T))
    indices_flat = jnp.argmin(dist, axis=1)
    z_q = jnp.take(e, indices_flat, axis=0).reshape(B, H, W, EMBEDDING_DIM)
    return jnp.transpose(z_q, (0, 3, 1, 2))

if __name__ == "__main__":
    import jax
    _d = setup_inputs()
    print(jax.jit(kernel)(*tuple(_d.values())))

</pallas_src>

<mosaic_0001>
#map = affine_map<(d0, d1) -> (0)>
#map1 = affine_map<(d0, d1) -> (0, 0)>
module attributes {stable_mosaic.version = 14 : i64} {
  func.func @k(%arg0: i32, %arg1: i32, %arg2: memref<32768xf32, #tpu.memory_space<hbm>>, %arg3: memref<64x1024xi32, #tpu.memory_space<hbm>>, %arg4: memref<64x65536xf32, #tpu.memory_space<hbm>>, %arg5: memref<32768xf32, #tpu.memory_space<vmem>>, %arg6: memref<1024xi32, #tpu.memory_space<vmem>>, %arg7: memref<65536xf32, #tpu.memory_space<vmem>>) attributes {dimension_semantics = [#tpu.dimension_semantics<core_parallel>, #tpu.dimension_semantics<subcore_parallel>], iteration_bounds = array<i64: 2, 16>, scalar_prefetch = 0 : i64, scratch_operands = 3 : i64, tpu.core_type = #tpu.core_type<sc_vector_subcore>, window_params = [{transform_indices = #map}, {transform_indices = #map1}, {transform_indices = #map1}]} {
    %mul3A = arith.constant 2 : i32
    %mul3A_0 = arith.muli %arg1, %mul3A : i32
    %add3A = arith.addi %mul3A_0, %arg0 : i32
    "tpu.region"() ({
      %run_scoped3A = tpu.sem_alloc : memref<!tpu.dma_semaphore, #tpu.memory_space<semaphore_mem>>
      tpu.enqueue_dma source(%arg2 : memref<32768xf32, #tpu.memory_space<hbm>>) target(%arg5 : memref<32768xf32, #tpu.memory_space<vmem>>) target_semaphore(%run_scoped3A : memref<!tpu.dma_semaphore, #tpu.memory_space<semaphore_mem>>)
      tpu.wait_dma2 semaphore(%run_scoped3A : memref<!tpu.dma_semaphore, #tpu.memory_space<semaphore_mem>>) src(%arg2 : memref<32768xf32, #tpu.memory_space<hbm>>) dst(%arg5 : memref<32768xf32, #tpu.memory_space<vmem>>)
      tpu.yield
    }) : () -> ()
    %mul3A_1 = arith.constant 2 : i32
    %mul3A_2 = arith.muli %add3A, %mul3A_1 : i32
    %add3A_3 = arith.constant 0 : i32
    %add3A_4 = arith.addi %mul3A_2, %add3A_3 : i32
    "tpu.region"() ({
      %run_scoped3A = tpu.sem_alloc : memref<!tpu.dma_semaphore, #tpu.memory_space<semaphore_mem>>
      %dma_start3A = arith.constant 0 : i32
      %dma_start3A_14 = tpu.memref_slice %arg3[%add3A_4, %dma_start3A] : memref<64x1024xi32, #tpu.memory_space<hbm>> -> memref<1x1024xi32, #tpu.memory_space<hbm>>
      %dma_start3A_15 = tpu.memref_squeeze %dma_start3A_14 : memref<1x1024xi32, #tpu.memory_space<hbm>> -> memref<1024xi32, #tpu.memory_space<hbm>>
      %dma_start3A_16 = arith.constant 0 : i32
      %dma_start3A_17 = tpu.memref_slice %arg3[%add3A_4, %dma_start3A_16] : memref<64x1024xi32, #tpu.memory_space<hbm>> -> memref<1x1024xi32, #tpu.memory_space<hbm>>
      %dma_start3A_18 = tpu.memref_squeeze %dma_start3A_17 : memref<1x1024xi32, #tpu.memory_space<hbm>> -> memref<1024xi32, #tpu.memory_space<hbm>>
      tpu.enqueue_dma source(%dma_start3A_18 : memref<1024xi32, #tpu.memory_space<hbm>>) target(%arg6 : memref<1024xi32, #tpu.memory_space<vmem>>) target_semaphore(%run_scoped3A : memref<!tpu.dma_semaphore, #tpu.memory_space<semaphore_mem>>)
      %dma_wait3A = arith.constant 0 : i32
      %dma_wait3A_19 = tpu.memref_slice %arg3[%add3A_4, %dma_wait3A] : memref<64x1024xi32, #tpu.memory_space<hbm>> -> memref<1x1024xi32, #tpu.memory_space<hbm>>
      %dma_wait3A_20 = tpu.memref_squeeze %dma_wait3A_19 : memref<1x1024xi32, #tpu.memory_space<hbm>> -> memref<1024xi32, #tpu.memory_space<hbm>>
      %dma_wait3A_21 = arith.constant 0 : i32
      %dma_wait3A_22 = tpu.memref_slice %arg3[%add3A_4, %dma_wait3A_21] : memref<64x1024xi32, #tpu.memory_space<hbm>> -> memref<1x1024xi32, #tpu.memory_space<hbm>>
      %dma_wait3A_23 = tpu.memref_squeeze %dma_wait3A_22 : memref<1x1024xi32, #tpu.memory_space<hbm>> -> memref<1024xi32, #tpu.memory_space<hbm>>
      tpu.wait_dma2 semaphore(%run_scoped3A : memref<!tpu.dma_semaphore, #tpu.memory_space<semaphore_mem>>) src(%dma_wait3A_23 : memref<1024xi32, #tpu.memory_space<hbm>>) dst(%arg6 : memref<1024xi32, #tpu.memory_space<vmem>>)
      tpu.yield
    }) : () -> ()
    %parallel_loop3A = arith.constant 0 : i32
    %parallel_loop3A_5 = arith.constant 4096 : i32
    %parallel_loop3A_6 = arith.constant 1 : i32
    scf.for %parallel_loop3A_14 = %parallel_loop3A to %parallel_loop3A_5 step %parallel_loop3A_6  : i32 {
      %parallel_loop3A_15 = arith.constant 6 : i32
      %parallel_loop3A_16 = arith.shrui %parallel_loop3A_14, %parallel_loop3A_15 : i32
      %parallel_loop3A_17 = arith.constant 63 : i32
      %parallel_loop3A_18 = arith.andi %parallel_loop3A_14, %parallel_loop3A_17 : i32
      %parallel_loop3A_19 = arith.constant 16 : i32
      %parallel_loop3A_20 = arith.muli %parallel_loop3A_18, %parallel_loop3A_19 : i32
      %parallel_loop3A_21 = arith.index_cast %parallel_loop3A_20 : i32 to index
      %parallel_loop3A_22 = tpu.vector_load %arg6[%parallel_loop3A_21] {strides = array<i32>} : memref<1024xi32, #tpu.memory_space<vmem>>, vector<16xi32>,
      %parallel_loop3A_23 = arith.constant 512 : i32
      %parallel_loop3A_24 = arith.muli %parallel_loop3A_16, %parallel_loop3A_23 : i32
      %parallel_loop3A_25 = vector.broadcast %parallel_loop3A_24 : i32 to vector<16xi32>
      %parallel_loop3A_26 = arith.addi %parallel_loop3A_22, %parallel_loop3A_25 : vector<16xi32>
      %parallel_loop3A_27 = tpu.vector_load_idx %arg5[%parallel_loop3A_26] : memref<32768xf32, #tpu.memory_space<vmem>>[vector<16xi32>], vector<16xf32>,
      %parallel_loop3A_28 = arith.constant 16 : i32
      %parallel_loop3A_29 = arith.muli %parallel_loop3A_14, %parallel_loop3A_28 : i32
      %parallel_loop3A_30 = arith.index_cast %parallel_loop3A_29 : i32 to index
      %parallel_loop3A_31 = tpu.vector_load %arg7[%parallel_loop3A_30] {strides = array<i32>} : memref<65536xf32, #tpu.memory_space<vmem>>, vector<16xf32>,
      tpu.vector_store %arg7[%parallel_loop3A_30], %parallel_loop3A_27 {strides = array<i32>} : memref<65536xf32, #tpu.memory_space<vmem>>, vector<16xf32>,
    } {sc.loop_unroll_factor = 8 : i64, sc.parallel_access}
    "tpu.region"() ({
      %run_scoped3A = tpu.sem_alloc : memref<!tpu.dma_semaphore, #tpu.memory_space<semaphore_mem>>
      %dma_start3A = arith.constant 0 : i32
      %dma_start3A_14 = tpu.memref_slice %arg4[%add3A_4, %dma_start3A] : memref<64x65536xf32, #tpu.memory_space<hbm>> -> memref<1x65536xf32, #tpu.memory_space<hbm>>
      %dma_start3A_15 = tpu.memref_squeeze %dma_start3A_14 : memref<1x65536xf32, #tpu.memory_space<hbm>> -> memref<65536xf32, #tpu.memory_space<hbm>>
      %dma_start3A_16 = arith.constant 0 : i32
      %dma_start3A_17 = tpu.memref_slice %arg4[%add3A_4, %dma_start3A_16] : memref<64x65536xf32, #tpu.memory_space<hbm>> -> memref<1x65536xf32, #tpu.memory_space<hbm>>
      %dma_start3A_18 = tpu.memref_squeeze %dma_start3A_17 : memref<1x65536xf32, #tpu.memory_space<hbm>> -> memref<65536xf32, #tpu.memory_space<hbm>>
      tpu.enqueue_dma source(%arg7 : memref<65536xf32, #tpu.memory_space<vmem>>) target(%dma_start3A_18 : memref<65536xf32, #tpu.memory_space<hbm>>) target_semaphore(%run_scoped3A : memref<!tpu.dma_semaphore, #tpu.memory_space<semaphore_mem>>)
      %dma_wait3A = arith.constant 0 : i32
      %dma_wait3A_19 = tpu.memref_slice %arg4[%add3A_4, %dma_wait3A] : memref<64x65536xf32, #tpu.memory_space<hbm>> -> memref<1x65536xf32, #tpu.memory_space<hbm>>
      %dma_wait3A_20 = tpu.memref_squeeze %dma_wait3A_19 : memref<1x65536xf32, #tpu.memory_space<hbm>> -> memref<65536xf32, #tpu.memory_space<hbm>>
      %dma_wait3A_21 = arith.constant 0 : i32
      %dma_wait3A_22 = tpu.memref_slice %arg4[%add3A_4, %dma_wait3A_21] : memref<64x65536xf32, #tpu.memory_space<hbm>> -> memref<1x65536xf32, #tpu.memory_space<hbm>>
      %dma_wait3A_23 = tpu.memref_squeeze %dma_wait3A_22 : memref<1x65536xf32, #tpu.memory_space<hbm>> -> memref<65536xf32, #tpu.memory_space<hbm>>
      tpu.wait_dma2 semaphore(%run_scoped3A : memref<!tpu.dma_semaphore, #tpu.memory_space<semaphore_mem>>) src(%arg7 : memref<65536xf32, #tpu.memory_space<vmem>>) dst(%dma_wait3A_23 : memref<65536xf32, #tpu.memory_space<hbm>>)
      tpu.yield
    }) : () -> ()
    %mul3A_7 = arith.constant 2 : i32
    %mul3A_8 = arith.muli %add3A, %mul3A_7 : i32
    %add3A_9 = arith.constant 1 : i32
    %add3A_10 = arith.addi %mul3A_8, %add3A_9 : i32
    "tpu.region"() ({
      %run_scoped3A = tpu.sem_alloc : memref<!tpu.dma_semaphore, #tpu.memory_space<semaphore_mem>>
      %dma_start3A = arith.constant 0 : i32
      %dma_start3A_14 = tpu.memref_slice %arg3[%add3A_10, %dma_start3A] : memref<64x1024xi32, #tpu.memory_space<hbm>> -> memref<1x1024xi32, #tpu.memory_space<hbm>>
      %dma_start3A_15 = tpu.memref_squeeze %dma_start3A_14 : memref<1x1024xi32, #tpu.memory_space<hbm>> -> memref<1024xi32, #tpu.memory_space<hbm>>
      %dma_start3A_16 = arith.constant 0 : i32
      %dma_start3A_17 = tpu.memref_slice %arg3[%add3A_10, %dma_start3A_16] : memref<64x1024xi32, #tpu.memory_space<hbm>> -> memref<1x1024xi32, #tpu.memory_space<hbm>>
      %dma_start3A_18 = tpu.memref_squeeze %dma_start3A_17 : memref<1x1024xi32, #tpu.memory_space<hbm>> -> memref<1024xi32, #tpu.memory_space<hbm>>
      tpu.enqueue_dma source(%dma_start3A_18 : memref<1024xi32, #tpu.memory_space<hbm>>) target(%arg6 : memref<1024xi32, #tpu.memory_space<vmem>>) target_semaphore(%run_scoped3A : memref<!tpu.dma_semaphore, #tpu.memory_space<semaphore_mem>>)
      %dma_wait3A = arith.constant 0 : i32
      %dma_wait3A_19 = tpu.memref_slice %arg3[%add3A_10, %dma_wait3A] : memref<64x1024xi32, #tpu.memory_space<hbm>> -> memref<1x1024xi32, #tpu.memory_space<hbm>>
      %dma_wait3A_20 = tpu.memref_squeeze %dma_wait3A_19 : memref<1x1024xi32, #tpu.memory_space<hbm>> -> memref<1024xi32, #tpu.memory_space<hbm>>
      %dma_wait3A_21 = arith.constant 0 : i32
      %dma_wait3A_22 = tpu.memref_slice %arg3[%add3A_10, %dma_wait3A_21] : memref<64x1024xi32, #tpu.memory_space<hbm>> -> memref<1x1024xi32, #tpu.memory_space<hbm>>
      %dma_wait3A_23 = tpu.memref_squeeze %dma_wait3A_22 : memref<1x1024xi32, #tpu.memory_space<hbm>> -> memref<1024xi32, #tpu.memory_space<hbm>>
      tpu.wait_dma2 semaphore(%run_scoped3A : memref<!tpu.dma_semaphore, #tpu.memory_space<semaphore_mem>>) src(%dma_wait3A_23 : memref<1024xi32, #tpu.memory_space<hbm>>) dst(%arg6 : memref<1024xi32, #tpu.memory_space<vmem>>)
      tpu.yield
    }) : () -> ()
    %parallel_loop3A_11 = arith.constant 0 : i32
    %parallel_loop3A_12 = arith.constant 4096 : i32
    %parallel_loop3A_13 = arith.constant 1 : i32
    scf.for %parallel_loop3A_14 = %parallel_loop3A_11 to %parallel_loop3A_12 step %parallel_loop3A_13  : i32 {
      %parallel_loop3A_15 = arith.constant 6 : i32
      %parallel_loop3A_16 = arith.shrui %parallel_loop3A_14, %parallel_loop3A_15 : i32
      %parallel_loop3A_17 = arith.constant 63 : i32
      %parallel_loop3A_18 = arith.andi %parallel_loop3A_14, %parallel_loop3A_17 : i32
      %parallel_loop3A_19 = arith.constant 16 : i32
      %parallel_loop3A_20 = arith.muli %parallel_loop3A_18, %parallel_loop3A_19 : i32
      %parallel_loop3A_21 = arith.index_cast %parallel_loop3A_20 : i32 to index
      %parallel_loop3A_22 = tpu.vector_load %arg6[%parallel_loop3A_21] {strides = array<i32>} : memref<1024xi32, #tpu.memory_space<vmem>>, vector<16xi32>,
      %parallel_loop3A_23 = arith.constant 512 : i32
      %parallel_loop3A_24 = arith.muli %parallel_loop3A_16, %parallel_loop3A_23 : i32
      %parallel_loop3A_25 = vector.broadcast %parallel_loop3A_24 : i32 to vector<16xi32>
      %parallel_loop3A_26 = arith.addi %parallel_loop3A_22, %parallel_loop3A_25 : vector<16xi32>
      %parallel_loop3A_27 = tpu.vector_load_idx %arg5[%parallel_loop3A_26] : memref<32768xf32, #tpu.memory_space<vmem>>[vector<16xi32>], vector<16xf32>,
      %parallel_loop3A_28 = arith.constant 16 : i32
      %parallel_loop3A_29 = arith.muli %parallel_loop3A_14, %parallel_loop3A_28 : i32
      %parallel_loop3A_30 = arith.index_cast %parallel_loop3A_29 : i32 to index
      %parallel_loop3A_31 = tpu.vector_load %arg7[%parallel_loop3A_30] {strides = array<i32>} : memref<65536xf32, #tpu.memory_space<vmem>>, vector<16xf32>,
      tpu.vector_store %arg7[%parallel_loop3A_30], %parallel_loop3A_27 {strides = array<i32>} : memref<65536xf32, #tpu.memory_space<vmem>>, vector<16xf32>,
    } {sc.loop_unroll_factor = 8 : i64, sc.parallel_access}
    "tpu.region"() ({
      %run_scoped3A = tpu.sem_alloc : memref<!tpu.dma_semaphore, #tpu.memory_space<semaphore_mem>>
      %dma_start3A = arith.constant 0 : i32
      %dma_start3A_14 = tpu.memref_slice %arg4[%add3A_10, %dma_start3A] : memref<64x65536xf32, #tpu.memory_space<hbm>> -> memref<1x65536xf32, #tpu.memory_space<hbm>>
      %dma_start3A_15 = tpu.memref_squeeze %dma_start3A_14 : memref<1x65536xf32, #tpu.memory_space<hbm>> -> memref<65536xf32, #tpu.memory_space<hbm>>
      %dma_start3A_16 = arith.constant 0 : i32
      %dma_start3A_17 = tpu.memref_slice %arg4[%add3A_10, %dma_start3A_16] : memref<64x65536xf32, #tpu.memory_space<hbm>> -> memref<1x65536xf32, #tpu.memory_space<hbm>>
      %dma_start3A_18 = tpu.memref_squeeze %dma_start3A_17 : memref<1x65536xf32, #tpu.memory_space<hbm>> -> memref<65536xf32, #tpu.memory_space<hbm>>
      tpu.enqueue_dma source(%arg7 : memref<65536xf32, #tpu.memory_space<vmem>>) target(%dma_start3A_18 : memref<65536xf32, #tpu.memory_space<hbm>>) target_semaphore(%run_scoped3A : memref<!tpu.dma_semaphore, #tpu.memory_space<semaphore_mem>>)
      %dma_wait3A = arith.constant 0 : i32
      %dma_wait3A_19 = tpu.memref_slice %arg4[%add3A_10, %dma_wait3A] : memref<64x65536xf32, #tpu.memory_space<hbm>> -> memref<1x65536xf32, #tpu.memory_space<hbm>>
      %dma_wait3A_20 = tpu.memref_squeeze %dma_wait3A_19 : memref<1x65536xf32, #tpu.memory_space<hbm>> -> memref<65536xf32, #tpu.memory_space<hbm>>
      %dma_wait3A_21 = arith.constant 0 : i32
      %dma_wait3A_22 = tpu.memref_slice %arg4[%add3A_10, %dma_wait3A_21] : memref<64x65536xf32, #tpu.memory_space<hbm>> -> memref<1x65536xf32, #tpu.memory_space<hbm>>
      %dma_wait3A_23 = tpu.memref_squeeze %dma_wait3A_22 : memref<1x65536xf32, #tpu.memory_space<hbm>> -> memref<65536xf32, #tpu.memory_space<hbm>>
      tpu.wait_dma2 semaphore(%run_scoped3A : memref<!tpu.dma_semaphore, #tpu.memory_space<semaphore_mem>>) src(%arg7 : memref<65536xf32, #tpu.memory_space<vmem>>) dst(%dma_wait3A_23 : memref<65536xf32, #tpu.memory_space<hbm>>)
      tpu.yield
    }) : () -> ()
    return
  }
}

#map = affine_map<(d0, d1) -> (0)>
#map1 = affine_map<(d0, d1) -> (0, 0)>
module attributes {stable_mosaic.version = 14 : i64} {
  func.func @k(%arg0: i32, %arg1: i32, %arg2: memref<32768xf32, #tpu.memory_space<hbm>>, %arg3: memref<64x1024xi32, #tpu.memory_space<hbm>>, %arg4: memref<64x65536xf32, #tpu.memory_space<hbm>>, %arg5: memref<32768xf32, #tpu.memory_space<vmem>>, %arg6: memref<1024xi32, #tpu.memory_space<vmem>>, %arg7: memref<65536xf32, #tpu.memory_space<vmem>>) attributes {dimension_semantics = [#tpu.dimension_semantics<core_parallel>, #tpu.dimension_semantics<subcore_parallel>], iteration_bounds = array<i64: 2, 16>, scalar_prefetch = 0 : i64, scratch_operands = 3 : i64, tpu.core_type = #tpu.core_type<sc_vector_subcore>, window_params = [{transform_indices = #map}, {transform_indices = #map1}, {transform_indices = #map1}]} {
    %mul3A = arith.constant 2 : i32
    %mul3A_0 = arith.muli %arg1, %mul3A : i32
    %add3A = arith.addi %mul3A_0, %arg0 : i32
    "tpu.region"() ({
      %run_scoped3A = tpu.sem_alloc : memref<!tpu.dma_semaphore, #tpu.memory_space<semaphore_mem>>
      tpu.enqueue_dma source(%arg2 : memref<32768xf32, #tpu.memory_space<hbm>>) target(%arg5 : memref<32768xf32, #tpu.memory_space<vmem>>) target_semaphore(%run_scoped3A : memref<!tpu.dma_semaphore, #tpu.memory_space<semaphore_mem>>)
      tpu.wait_dma2 semaphore(%run_scoped3A : memref<!tpu.dma_semaphore, #tpu.memory_space<semaphore_mem>>) src(%arg2 : memref<32768xf32, #tpu.memory_space<hbm>>) dst(%arg5 : memref<32768xf32, #tpu.memory_space<vmem>>)
      tpu.yield
    }) : () -> ()
    %mul3A_1 = arith.constant 2 : i32
    %mul3A_2 = arith.muli %add3A, %mul3A_1 : i32
    %add3A_3 = arith.constant 0 : i32
    %add3A_4 = arith.addi %mul3A_2, %add3A_3 : i32
    "tpu.region"() ({
      %run_scoped3A = tpu.sem_alloc : memref<!tpu.dma_semaphore, #tpu.memory_space<semaphore_mem>>
      %dma_start3A = arith.constant 0 : i32
      %dma_start3A_14 = tpu.memref_slice %arg3[%add3A_4, %dma_start3A] : memref<64x1024xi32, #tpu.memory_space<hbm>> -> memref<1x1024xi32, #tpu.memory_space<hbm>>
      %dma_start3A_15 = tpu.memref_squeeze %dma_start3A_14 : memref<1x1024xi32, #tpu.memory_space<hbm>> -> memref<1024xi32, #tpu.memory_space<hbm>>
      %dma_start3A_16 = arith.constant 0 : i32
      %dma_start3A_17 = tpu.memref_slice %arg3[%add3A_4, %dma_start3A_16] : memref<64x1024xi32, #tpu.memory_space<hbm>> -> memref<1x1024xi32, #tpu.memory_space<hbm>>
      %dma_start3A_18 = tpu.memref_squeeze %dma_start3A_17 : memref<1x1024xi32, #tpu.memory_space<hbm>> -> memref<1024xi32, #tpu.memory_space<hbm>>
      tpu.enqueue_dma source(%dma_start3A_18 : memref<1024xi32, #tpu.memory_space<hbm>>) target(%arg6 : memref<1024xi32, #tpu.memory_space<vmem>>) target_semaphore(%run_scoped3A : memref<!tpu.dma_semaphore, #tpu.memory_space<semaphore_mem>>)
      %dma_wait3A = arith.constant 0 : i32
      %dma_wait3A_19 = tpu.memref_slice %arg3[%add3A_4, %dma_wait3A] : memref<64x1024xi32, #tpu.memory_space<hbm>> -> memref<1x1024xi32, #tpu.memory_space<hbm>>
      %dma_wait3A_20 = tpu.memref_squeeze %dma_wait3A_19 : memref<1x1024xi32, #tpu.memory_space<hbm>> -> memref<1024xi32, #tpu.memory_space<hbm>>
      %dma_wait3A_21 = arith.constant 0 : i32
      %dma_wait3A_22 = tpu.memref_slice %arg3[%add3A_4, %dma_wait3A_21] : memref<64x1024xi32, #tpu.memory_space<hbm>> -> memref<1x1024xi32, #tpu.memory_space<hbm>>
      %dma_wait3A_23 = tpu.memref_squeeze %dma_wait3A_22 : memref<1x1024xi32, #tpu.memory_space<hbm>> -> memref<1024xi32, #tpu.memory_space<hbm>>
      tpu.wait_dma2 semaphore(%run_scoped3A : memref<!tpu.dma_semaphore, #tpu.memory_space<semaphore_mem>>) src(%dma_wait3A_23 : memref<1024xi32, #tpu.memory_space<hbm>>) dst(%arg6 : memref<1024xi32, #tpu.memory_space<vmem>>)
      tpu.yield
    }) : () -> ()
    %parallel_loop3A = arith.constant 0 : i32
    %parallel_loop3A_5 = arith.constant 4096 : i32
    %parallel_loop3A_6 = arith.constant 1 : i32
    scf.for %parallel_loop3A_14 = %parallel_loop3A to %parallel_loop3A_5 step %parallel_loop3A_6  : i32 {
      %parallel_loop3A_15 = arith.constant 6 : i32
      %parallel_loop3A_16 = arith.shrui %parallel_loop3A_14, %parallel_loop3A_15 : i32
      %parallel_loop3A_17 = arith.constant 63 : i32
      %parallel_loop3A_18 = arith.andi %parallel_loop3A_14, %parallel_loop3A_17 : i32
      %parallel_loop3A_19 = arith.constant 16 : i32
      %parallel_loop3A_20 = arith.muli %parallel_loop3A_18, %parallel_loop3A_19 : i32
      %parallel_loop3A_21 = arith.index_cast %parallel_loop3A_20 : i32 to index
      %parallel_loop3A_22 = tpu.vector_load %arg6[%parallel_loop3A_21] {strides = array<i32>} : memref<1024xi32, #tpu.memory_space<vmem>>, vector<16xi32>,
      %parallel_loop3A_23 = arith.constant 512 : i32
      %parallel_loop3A_24 = arith.muli %parallel_loop3A_16, %parallel_loop3A_23 : i32
      %parallel_loop3A_25 = vector.broadcast %parallel_loop3A_24 : i32 to vector<16xi32>
      %parallel_loop3A_26 = arith.addi %parallel_loop3A_22, %parallel_loop3A_25 : vector<16xi32>
      %parallel_loop3A_27 = tpu.vector_load_idx %arg5[%parallel_loop3A_26] : memref<32768xf32, #tpu.memory_space<vmem>>[vector<16xi32>], vector<16xf32>,
      %parallel_loop3A_28 = arith.constant 16 : i32
      %parallel_loop3A_29 = arith.muli %parallel_loop3A_14, %parallel_loop3A_28 : i32
      %parallel_loop3A_30 = arith.index_cast %parallel_loop3A_29 : i32 to index
      %parallel_loop3A_31 = tpu.vector_load %arg7[%parallel_loop3A_30] {strides = array<i32>} : memref<65536xf32, #tpu.memory_space<vmem>>, vector<16xf32>,
      tpu.vector_store %arg7[%parallel_loop3A_30], %parallel_loop3A_27 {strides = array<i32>} : memref<65536xf32, #tpu.memory_space<vmem>>, vector<16xf32>,
    } {sc.loop_unroll_factor = 8 : i64, sc.parallel_access}
    "tpu.region"() ({
      %run_scoped3A = tpu.sem_alloc : memref<!tpu.dma_semaphore, #tpu.memory_space<semaphore_mem>>
      %dma_start3A = arith.constant 0 : i32
      %dma_start3A_14 = tpu.memref_slice %arg4[%add3A_4, %dma_start3A] : memref<64x65536xf32, #tpu.memory_space<hbm>> -> memref<1x65536xf32, #tpu.memory_space<hbm>>
      %dma_start3A_15 = tpu.memref_squeeze %dma_start3A_14 : memref<1x65536xf32, #tpu.memory_space<hbm>> -> memref<65536xf32, #tpu.memory_space<hbm>>
      %dma_start3A_16 = arith.constant 0 : i32
      %dma_start3A_17 = tpu.memref_slice %arg4[%add3A_4, %dma_start3A_16] : memref<64x65536xf32, #tpu.memory_space<hbm>> -> memref<1x65536xf32, #tpu.memory_space<hbm>>
      %dma_start3A_18 = tpu.memref_squeeze %dma_start3A_17 : memref<1x65536xf32, #tpu.memory_space<hbm>> -> memref<65536xf32, #tpu.memory_space<hbm>>
      tpu.enqueue_dma source(%arg7 : memref<65536xf32, #tpu.memory_space<vmem>>) target(%dma_start3A_18 : memref<65536xf32, #tpu.memory_space<hbm>>) target_semaphore(%run_scoped3A : memref<!tpu.dma_semaphore, #tpu.memory_space<semaphore_mem>>)
      %dma_wait3A = arith.constant 0 : i32
      %dma_wait3A_19 = tpu.memref_slice %arg4[%add3A_4, %dma_wait3A] : memref<64x65536xf32, #tpu.memory_space<hbm>> -> memref<1x65536xf32, #tpu.memory_space<hbm>>
      %dma_wait3A_20 = tpu.memref_squeeze %dma_wait3A_19 : memref<1x65536xf32, #tpu.memory_space<hbm>> -> memref<65536xf32, #tpu.memory_space<hbm>>
      %dma_wait3A_21 = arith.constant 0 : i32
      %dma_wait3A_22 = tpu.memref_slice %arg4[%add3A_4, %dma_wait3A_21] : memref<64x65536xf32, #tpu.memory_space<hbm>> -> memref<1x65536xf32, #tpu.memory_space<hbm>>
      %dma_wait3A_23 = tpu.memref_squeeze %dma_wait3A_22 : memref<1x65536xf32, #tpu.memory_space<hbm>> -> memref<65536xf32, #tpu.memory_space<hbm>>
      tpu.wait_dma2 semaphore(%run_scoped3A : memref<!tpu.dma_semaphore, #tpu.memory_space<semaphore_mem>>) src(%arg7 : memref<65536xf32, #tpu.memory_space<vmem>>) dst(%dma_wait3A_23 : memref<65536xf32, #tpu.memory_space<hbm>>)
      tpu.yield
    }) : () -> ()
    %mul3A_7 = arith.constant 2 : i32
    %mul3A_8 = arith.muli %add3A, %mul3A_7 : i32
    %add3A_9 = arith.constant 1 : i32
    %add3A_10 = arith.addi %mul3A_8, %add3A_9 : i32
    "tpu.region"() ({
      %run_scoped3A = tpu.sem_alloc : memref<!tpu.dma_semaphore, #tpu.memory_space<semaphore_mem>>
      %dma_start3A = arith.constant 0 : i32
      %dma_start3A_14 = tpu.memref_slice %arg3[%add3A_10, %dma_start3A] : memref<64x1024xi32, #tpu.memory_space<hbm>> -> memref<1x1024xi32, #tpu.memory_space<hbm>>
      %dma_start3A_15 = tpu.memref_squeeze %dma_start3A_14 : memref<1x1024xi32, #tpu.memory_space<hbm>> -> memref<1024xi32, #tpu.memory_space<hbm>>
      %dma_start3A_16 = arith.constant 0 : i32
      %dma_start3A_17 = tpu.memref_slice %arg3[%add3A_10, %dma_start3A_16] : memref<64x1024xi32, #tpu.memory_space<hbm>> -> memref<1x1024xi32, #tpu.memory_space<hbm>>
      %dma_start3A_18 = tpu.memref_squeeze %dma_start3A_17 : memref<1x1024xi32, #tpu.memory_space<hbm>> -> memref<1024xi32, #tpu.memory_space<hbm>>
      tpu.enqueue_dma source(%dma_start3A_18 : memref<1024xi32, #tpu.memory_space<hbm>>) target(%arg6 : memref<1024xi32, #tpu.memory_space<vmem>>) target_semaphore(%run_scoped3A : memref<!tpu.dma_semaphore, #tpu.memory_space<semaphore_mem>>)
      %dma_wait3A = arith.constant 0 : i32
      %dma_wait3A_19 = tpu.memref_slice %arg3[%add3A_10, %dma_wait3A] : memref<64x1024xi32, #tpu.memory_space<hbm>> -> memref<1x1024xi32, #tpu.memory_space<hbm>>
      %dma_wait3A_20 = tpu.memref_squeeze %dma_wait3A_19 : memref<1x1024xi32, #tpu.memory_space<hbm>> -> memref<1024xi32, #tpu.memory_space<hbm>>
      %dma_wait3A_21 = arith.constant 0 : i32
      %dma_wait3A_22 = tpu.memref_slice %arg3[%add3A_10, %dma_wait3A_21] : memref<64x1024xi32, #tpu.memory_space<hbm>> -> memref<1x1024xi32, #tpu.memory_space<hbm>>
      %dma_wait3A_23 = tpu.memref_squeeze %dma_wait3A_22 : memref<1x1024xi32, #tpu.memory_space<hbm>> -> memref<1024xi32, #tpu.memory_space<hbm>>
      tpu.wait_dma2 semaphore(%run_scoped3A : memref<!tpu.dma_semaphore, #tpu.memory_space<semaphore_mem>>) src(%dma_wait3A_23 : memref<1024xi32, #tpu.memory_space<hbm>>) dst(%arg6 : memref<1024xi32, #tpu.memory_space<vmem>>)
      tpu.yield
    }) : () -> ()
    %parallel_loop3A_11 = arith.constant 0 : i32
    %parallel_loop3A_12 = arith.constant 4096 : i32
    %parallel_loop3A_13 = arith.constant 1 : i32
    scf.for %parallel_loop3A_14 = %parallel_loop3A_11 to %parallel_loop3A_12 step %parallel_loop3A_13  : i32 {
      %parallel_loop3A_15 = arith.constant 6 : i32
      %parallel_loop3A_16 = arith.shrui %parallel_loop3A_14, %parallel_loop3A_15 : i32
      %parallel_loop3A_17 = arith.constant 63 : i32
      %parallel_loop3A_18 = arith.andi %parallel_loop3A_14, %parallel_loop3A_17 : i32
      %parallel_loop3A_19 = arith.constant 16 : i32
      %parallel_loop3A_20 = arith.muli %parallel_loop3A_18, %parallel_loop3A_19 : i32
      %parallel_loop3A_21 = arith.index_cast %parallel_loop3A_20 : i32 to index
      %parallel_loop3A_22 = tpu.vector_load %arg6[%parallel_loop3A_21] {strides = array<i32>} : memref<1024xi32, #tpu.memory_space<vmem>>, vector<16xi32>,
      %parallel_loop3A_23 = arith.constant 512 : i32
      %parallel_loop3A_24 = arith.muli %parallel_loop3A_16, %parallel_loop3A_23 : i32
      %parallel_loop3A_25 = vector.broadcast %parallel_loop3A_24 : i32 to vector<16xi32>
      %parallel_loop3A_26 = arith.addi %parallel_loop3A_22, %parallel_loop3A_25 : vector<16xi32>
      %parallel_loop3A_27 = tpu.vector_load_idx %arg5[%parallel_loop3A_26] : memref<32768xf32, #tpu.memory_space<vmem>>[vector<16xi32>], vector<16xf32>,
      %parallel_loop3A_28 = arith.constant 16 : i32
      %parallel_loop3A_29 = arith.muli %parallel_loop3A_14, %parallel_loop3A_28 : i32
      %parallel_loop3A_30 = arith.index_cast %parallel_loop3A_29 : i32 to index
      %parallel_loop3A_31 = tpu.vector_load %arg7[%parallel_loop3A_30] {strides = array<i32>} : memref<65536xf32, #tpu.memory_space<vmem>>, vector<16xf32>,
      tpu.vector_store %arg7[%parallel_loop3A_30], %parallel_loop3A_27 {strides = array<i32>} : memref<65536xf32, #tpu.memory_space<vmem>>, vector<16xf32>,
    } {sc.loop_unroll_factor = 8 : i64, sc.parallel_access}
    "tpu.region"() ({
      %run_scoped3A = tpu.sem_alloc : memref<!tpu.dma_semaphore, #tpu.memory_space<semaphore_mem>>
      %dma_start3A = arith.constant 0 : i32
      %dma_start3A_14 = tpu.memref_slice %arg4[%add3A_10, %dma_start3A] : memref<64x65536xf32, #tpu.memory_space<hbm>> -> memref<1x65536xf32, #tpu.memory_space<hbm>>
      %dma_start3A_15 = tpu.memref_squeeze %dma_start3A_14 : memref<1x65536xf32, #tpu.memory_space<hbm>> -> memref<65536xf32, #tpu.memory_space<hbm>>
      %dma_start3A_16 = arith.constant 0 : i32
      %dma_start3A_17 = tpu.memref_slice %arg4[%add3A_10, %dma_start3A_16] : memref<64x65536xf32, #tpu.memory_space<hbm>> -> memref<1x65536xf32, #tpu.memory_space<hbm>>
      %dma_start3A_18 = tpu.memref_squeeze %dma_start3A_17 : memref<1x65536xf32, #tpu.memory_space<hbm>> -> memref<65536xf32, #tpu.memory_space<hbm>>
      tpu.enqueue_dma source(%arg7 : memref<65536xf32, #tpu.memory_space<vmem>>) target(%dma_start3A_18 : memref<65536xf32, #tpu.memory_space<hbm>>) target_semaphore(%run_scoped3A : memref<!tpu.dma_semaphore, #tpu.memory_space<semaphore_mem>>)
      %dma_wait3A = arith.constant 0 : i32
      %dma_wait3A_19 = tpu.memref_slice %arg4[%add3A_10, %dma_wait3A] : memref<64x65536xf32, #tpu.memory_space<hbm>> -> memref<1x65536xf32, #tpu.memory_space<hbm>>
      %dma_wait3A_20 = tpu.memref_squeeze %dma_wait3A_19 : memref<1x65536xf32, #tpu.memory_space<hbm>> -> memref<65536xf32, #tpu.memory_space<hbm>>
      %dma_wait3A_21 = arith.constant 0 : i32
      %dma_wait3A_22 = tpu.memref_slice %arg4[%add3A_10, %dma_wait3A_21] : memref<64x65536xf32, #tpu.memory_space<hbm>> -> memref<1x65536xf32, #tpu.memory_space<hbm>>
      %dma_wait3A_23 = tpu.memref_squeeze %dma_wait3A_22 : memref<1x65536xf32, #tpu.memory_space<hbm>> -> memref<65536xf32, #tpu.memory_space<hbm>>
      tpu.wait_dma2 semaphore(%run_scoped3A : memref<!tpu.dma_semaphore, #tpu.memory_space<semaphore_mem>>) src(%arg7 : memref<65536xf32, #tpu.memory_space<vmem>>) dst(%dma_wait3A_23 : memref<65536xf32, #tpu.memory_space<hbm>>)
      tpu.yield
    }) : () -> ()
    return
  }
}

#map = affine_map<(d0, d1) -> (0)>
#map1 = affine_map<(d0, d1) -> (0, 0)>
module attributes {stable_mosaic.version = 14 : i64} {
  func.func @k(%arg0: i32, %arg1: i32, %arg2: memref<32768xf32, #tpu.memory_space<hbm>>, %arg3: memref<64x1024xi32, #tpu.memory_space<hbm>>, %arg4: memref<64x65536xf32, #tpu.memory_space<hbm>>, %arg5: memref<32768xf32, #tpu.memory_space<vmem>>, %arg6: memref<1024xi32, #tpu.memory_space<vmem>>, %arg7: memref<65536xf32, #tpu.memory_space<vmem>>) attributes {dimension_semantics = [#tpu.dimension_semantics<core_parallel>, #tpu.dimension_semantics<subcore_parallel>], iteration_bounds = array<i64: 2, 16>, scalar_prefetch = 0 : i64, scratch_operands = 3 : i64, tpu.core_type = #tpu.core_type<sc_vector_subcore>, window_params = [{transform_indices = #map}, {transform_indices = #map1}, {transform_indices = #map1}]} {
    %mul3A = arith.constant 2 : i32
    %mul3A_0 = arith.muli %arg1, %mul3A : i32
    %add3A = arith.addi %mul3A_0, %arg0 : i32
    "tpu.region"() ({
      %run_scoped3A = tpu.sem_alloc : memref<!tpu.dma_semaphore, #tpu.memory_space<semaphore_mem>>
      tpu.enqueue_dma source(%arg2 : memref<32768xf32, #tpu.memory_space<hbm>>) target(%arg5 : memref<32768xf32, #tpu.memory_space<vmem>>) target_semaphore(%run_scoped3A : memref<!tpu.dma_semaphore, #tpu.memory_space<semaphore_mem>>)
      tpu.wait_dma2 semaphore(%run_scoped3A : memref<!tpu.dma_semaphore, #tpu.memory_space<semaphore_mem>>) src(%arg2 : memref<32768xf32, #tpu.memory_space<hbm>>) dst(%arg5 : memref<32768xf32, #tpu.memory_space<vmem>>)
      tpu.yield
    }) : () -> ()
    %mul3A_1 = arith.constant 2 : i32
    %mul3A_2 = arith.muli %add3A, %mul3A_1 : i32
    %add3A_3 = arith.constant 0 : i32
    %add3A_4 = arith.addi %mul3A_2, %add3A_3 : i32
    "tpu.region"() ({
      %run_scoped3A = tpu.sem_alloc : memref<!tpu.dma_semaphore, #tpu.memory_space<semaphore_mem>>
      %dma_start3A = arith.constant 0 : i32
      %dma_start3A_14 = tpu.memref_slice %arg3[%add3A_4, %dma_start3A] : memref<64x1024xi32, #tpu.memory_space<hbm>> -> memref<1x1024xi32, #tpu.memory_space<hbm>>
      %dma_start3A_15 = tpu.memref_squeeze %dma_start3A_14 : memref<1x1024xi32, #tpu.memory_space<hbm>> -> memref<1024xi32, #tpu.memory_space<hbm>>
      %dma_start3A_16 = arith.constant 0 : i32
      %dma_start3A_17 = tpu.memref_slice %arg3[%add3A_4, %dma_start3A_16] : memref<64x1024xi32, #tpu.memory_space<hbm>> -> memref<1x1024xi32, #tpu.memory_space<hbm>>
      %dma_start3A_18 = tpu.memref_squeeze %dma_start3A_17 : memref<1x1024xi32, #tpu.memory_space<hbm>> -> memref<1024xi32, #tpu.memory_space<hbm>>
      tpu.enqueue_dma source(%dma_start3A_18 : memref<1024xi32, #tpu.memory_space<hbm>>) target(%arg6 : memref<1024xi32, #tpu.memory_space<vmem>>) target_semaphore(%run_scoped3A : memref<!tpu.dma_semaphore, #tpu.memory_space<semaphore_mem>>)
      %dma_wait3A = arith.constant 0 : i32
      %dma_wait3A_19 = tpu.memref_slice %arg3[%add3A_4, %dma_wait3A] : memref<64x1024xi32, #tpu.memory_space<hbm>> -> memref<1x1024xi32, #tpu.memory_space<hbm>>
      %dma_wait3A_20 = tpu.memref_squeeze %dma_wait3A_19 : memref<1x1024xi32, #tpu.memory_space<hbm>> -> memref<1024xi32, #tpu.memory_space<hbm>>
      %dma_wait3A_21 = arith.constant 0 : i32
      %dma_wait3A_22 = tpu.memref_slice %arg3[%add3A_4, %dma_wait3A_21] : memref<64x1024xi32, #tpu.memory_space<hbm>> -> memref<1x1024xi32, #tpu.memory_space<hbm>>
      %dma_wait3A_23 = tpu.memref_squeeze %dma_wait3A_22 : memref<1x1024xi32, #tpu.memory_space<hbm>> -> memref<1024xi32, #tpu.memory_space<hbm>>
      tpu.wait_dma2 semaphore(%run_scoped3A : memref<!tpu.dma_semaphore, #tpu.memory_space<semaphore_mem>>) src(%dma_wait3A_23 : memref<1024xi32, #tpu.memory_space<hbm>>) dst(%arg6 : memref<1024xi32, #tpu.memory_space<vmem>>)
      tpu.yield
    }) : () -> ()
    %parallel_loop3A = arith.constant 0 : i32
    %parallel_loop3A_5 = arith.constant 4096 : i32
    %parallel_loop3A_6 = arith.constant 1 : i32
    scf.for %parallel_loop3A_14 = %parallel_loop3A to %parallel_loop3A_5 step %parallel_loop3A_6  : i32 {
      %parallel_loop3A_15 = arith.constant 6 : i32
      %parallel_loop3A_16 = arith.shrui %parallel_loop3A_14, %parallel_loop3A_15 : i32
      %parallel_loop3A_17 = arith.constant 63 : i32
      %parallel_loop3A_18 = arith.andi %parallel_loop3A_14, %parallel_loop3A_17 : i32
      %parallel_loop3A_19 = arith.constant 16 : i32
      %parallel_loop3A_20 = arith.muli %parallel_loop3A_18, %parallel_loop3A_19 : i32
      %parallel_loop3A_21 = arith.index_cast %parallel_loop3A_20 : i32 to index
      %parallel_loop3A_22 = tpu.vector_load %arg6[%parallel_loop3A_21] {strides = array<i32>} : memref<1024xi32, #tpu.memory_space<vmem>>, vector<16xi32>,
      %parallel_loop3A_23 = arith.constant 512 : i32
      %parallel_loop3A_24 = arith.muli %parallel_loop3A_16, %parallel_loop3A_23 : i32
      %parallel_loop3A_25 = vector.broadcast %parallel_loop3A_24 : i32 to vector<16xi32>
      %parallel_loop3A_26 = arith.addi %parallel_loop3A_22, %parallel_loop3A_25 : vector<16xi32>
      %parallel_loop3A_27 = tpu.vector_load_idx %arg5[%parallel_loop3A_26] : memref<32768xf32, #tpu.memory_space<vmem>>[vector<16xi32>], vector<16xf32>,
      %parallel_loop3A_28 = arith.constant 16 : i32
      %parallel_loop3A_29 = arith.muli %parallel_loop3A_14, %parallel_loop3A_28 : i32
      %parallel_loop3A_30 = arith.index_cast %parallel_loop3A_29 : i32 to index
      %parallel_loop3A_31 = tpu.vector_load %arg7[%parallel_loop3A_30] {strides = array<i32>} : memref<65536xf32, #tpu.memory_space<vmem>>, vector<16xf32>,
      tpu.vector_store %arg7[%parallel_loop3A_30], %parallel_loop3A_27 {strides = array<i32>} : memref<65536xf32, #tpu.memory_space<vmem>>, vector<16xf32>,
    } {sc.loop_unroll_factor = 8 : i64, sc.parallel_access}
    "tpu.region"() ({
      %run_scoped3A = tpu.sem_alloc : memref<!tpu.dma_semaphore, #tpu.memory_space<semaphore_mem>>
      %dma_start3A = arith.constant 0 : i32
      %dma_start3A_14 = tpu.memref_slice %arg4[%add3A_4, %dma_start3A] : memref<64x65536xf32, #tpu.memory_space<hbm>> -> memref<1x65536xf32, #tpu.memory_space<hbm>>
      %dma_start3A_15 = tpu.memref_squeeze %dma_start3A_14 : memref<1x65536xf32, #tpu.memory_space<hbm>> -> memref<65536xf32, #tpu.memory_space<hbm>>
      %dma_start3A_16 = arith.constant 0 : i32
      %dma_start3A_17 = tpu.memref_slice %arg4[%add3A_4, %dma_start3A_16] : memref<64x65536xf32, #tpu.memory_space<hbm>> -> memref<1x65536xf32, #tpu.memory_space<hbm>>
      %dma_start3A_18 = tpu.memref_squeeze %dma_start3A_17 : memref<1x65536xf32, #tpu.memory_space<hbm>> -> memref<65536xf32, #tpu.memory_space<hbm>>
      tpu.enqueue_dma source(%arg7 : memref<65536xf32, #tpu.memory_space<vmem>>) target(%dma_start3A_18 : memref<65536xf32, #tpu.memory_space<hbm>>) target_semaphore(%run_scoped3A : memref<!tpu.dma_semaphore, #tpu.memory_space<semaphore_mem>>)
      %dma_wait3A = arith.constant 0 : i32
      %dma_wait3A_19 = tpu.memref_slice %arg4[%add3A_4, %dma_wait3A] : memref<64x65536xf32, #tpu.memory_space<hbm>> -> memref<1x65536xf32, #tpu.memory_space<hbm>>
      %dma_wait3A_20 = tpu.memref_squeeze %dma_wait3A_19 : memref<1x65536xf32, #tpu.memory_space<hbm>> -> memref<65536xf32, #tpu.memory_space<hbm>>
      %dma_wait3A_21 = arith.constant 0 : i32
      %dma_wait3A_22 = tpu.memref_slice %arg4[%add3A_4, %dma_wait3A_21] : memref<64x65536xf32, #tpu.memory_space<hbm>> -> memref<1x65536xf32, #tpu.memory_space<hbm>>
      %dma_wait3A_23 = tpu.memref_squeeze %dma_wait3A_22 : memref<1x65536xf32, #tpu.memory_space<hbm>> -> memref<65536xf32, #tpu.memory_space<hbm>>
      tpu.wait_dma2 semaphore(%run_scoped3A : memref<!tpu.dma_semaphore, #tpu.memory_space<semaphore_mem>>) src(%arg7 : memref<65536xf32, #tpu.memory_space<vmem>>) dst(%dma_wait3A_23 : memref<65536xf32, #tpu.memory_space<hbm>>)
      tpu.yield
    }) : () -> ()
    %mul3A_7 = arith.constant 2 : i32
    %mul3A_8 = arith.muli %add3A, %mul3A_7 : i32
    %add3A_9 = arith.constant 1 : i32
    %add3A_10 = arith.addi %mul3A_8, %add3A_9 : i32
    "tpu.region"() ({
      %run_scoped3A = tpu.sem_alloc : memref<!tpu.dma_semaphore, #tpu.memory_space<semaphore_mem>>
      %dma_start3A = arith.constant 0 : i32
      %dma_start3A_14 = tpu.memref_slice %arg3[%add3A_10, %dma_start3A] : memref<64x1024xi32, #tpu.memory_space<hbm>> -> memref<1x1024xi32, #tpu.memory_space<hbm>>
      %dma_start3A_15 = tpu.memref_squeeze %dma_start3A_14 : memref<1x1024xi32, #tpu.memory_space<hbm>> -> memref<1024xi32, #tpu.memory_space<hbm>>
      %dma_start3A_16 = arith.constant 0 : i32
      %dma_start3A_17 = tpu.memref_slice %arg3[%add3A_10, %dma_start3A_16] : memref<64x1024xi32, #tpu.memory_space<hbm>> -> memref<1x1024xi32, #tpu.memory_space<hbm>>
      %dma_start3A_18 = tpu.memref_squeeze %dma_start3A_17 : memref<1x1024xi32, #tpu.memory_space<hbm>> -> memref<1024xi32, #tpu.memory_space<hbm>>
      tpu.enqueue_dma source(%dma_start3A_18 : memref<1024xi32, #tpu.memory_space<hbm>>) target(%arg6 : memref<1024xi32, #tpu.memory_space<vmem>>) target_semaphore(%run_scoped3A : memref<!tpu.dma_semaphore, #tpu.memory_space<semaphore_mem>>)
      %dma_wait3A = arith.constant 0 : i32
      %dma_wait3A_19 = tpu.memref_slice %arg3[%add3A_10, %dma_wait3A] : memref<64x1024xi32, #tpu.memory_space<hbm>> -> memref<1x1024xi32, #tpu.memory_space<hbm>>
      %dma_wait3A_20 = tpu.memref_squeeze %dma_wait3A_19 : memref<1x1024xi32, #tpu.memory_space<hbm>> -> memref<1024xi32, #tpu.memory_space<hbm>>
      %dma_wait3A_21 = arith.constant 0 : i32
      %dma_wait3A_22 = tpu.memref_slice %arg3[%add3A_10, %dma_wait3A_21] : memref<64x1024xi32, #tpu.memory_space<hbm>> -> memref<1x1024xi32, #tpu.memory_space<hbm>>
      %dma_wait3A_23 = tpu.memref_squeeze %dma_wait3A_22 : memref<1x1024xi32, #tpu.memory_space<hbm>> -> memref<1024xi32, #tpu.memory_space<hbm>>
      tpu.wait_dma2 semaphore(%run_scoped3A : memref<!tpu.dma_semaphore, #tpu.memory_space<semaphore_mem>>) src(%dma_wait3A_23 : memref<1024xi32, #tpu.memory_space<hbm>>) dst(%arg6 : memref<1024xi32, #tpu.memory_space<vmem>>)
      tpu.yield
    }) : () -> ()
    %parallel_loop3A_11 = arith.constant 0 : i32
    %parallel_loop3A_12 = arith.constant 4096 : i32
    %parallel_loop3A_13 = arith.constant 1 : i32
    scf.for %parallel_loop3A_14 = %parallel_loop3A_11 to %parallel_loop3A_12 step %parallel_loop3A_13  : i32 {
      %parallel_loop3A_15 = arith.constant 6 : i32
      %parallel_loop3A_16 = arith.shrui %parallel_loop3A_14, %parallel_loop3A_15 : i32
      %parallel_loop3A_17 = arith.constant 63 : i32
      %parallel_loop3A_18 = arith.andi %parallel_loop3A_14, %parallel_loop3A_17 : i32
      %parallel_loop3A_19 = arith.constant 16 : i32
      %parallel_loop3A_20 = arith.muli %parallel_loop3A_18, %parallel_loop3A_19 : i32
      %parallel_loop3A_21 = arith.index_cast %parallel_loop3A_20 : i32 to index
      %parallel_loop3A_22 = tpu.vector_load %arg6[%parallel_loop3A_21] {strides = array<i32>} : memref<1024xi32, #tpu.memory_space<vmem>>, vector<16xi32>,
      %parallel_loop3A_23 = arith.constant 512 : i32
      %parallel_loop3A_24 = arith.muli %parallel_loop3A_16, %parallel_loop3A_23 : i32
      %parallel_loop3A_25 = vector.broadcast %parallel_loop3A_24 : i32 to vector<16xi32>
      %parallel_loop3A_26 = arith.addi %parallel_loop3A_22, %parallel_loop3A_25 : vector<16xi32>
      %parallel_loop3A_27 = tpu.vector_load_idx %arg5[%parallel_loop3A_26] : memref<32768xf32, #tpu.memory_space<vmem>>[vector<16xi32>], vector<16xf32>,
      %parallel_loop3A_28 = arith.constant 16 : i32
      %parallel_loop3A_29 = arith.muli %parallel_loop3A_14, %parallel_loop3A_28 : i32
      %parallel_loop3A_30 = arith.index_cast %parallel_loop3A_29 : i32 to index
      %parallel_loop3A_31 = tpu.vector_load %arg7[%parallel_loop3A_30] {strides = array<i32>} : memref<65536xf32, #tpu.memory_space<vmem>>, vector<16xf32>,
      tpu.vector_store %arg7[%parallel_loop3A_30], %parallel_loop3A_27 {strides = array<i32>} : memref<65536xf32, #tpu.memory_space<vmem>>, vector<16xf32>,
    } {sc.loop_unroll_factor = 8 : i64, sc.parallel_access}
    "tpu.region"() ({
      %run_scoped3A = tpu.sem_alloc : memref<!tpu.dma_semaphore, #tpu.memory_space<semaphore_mem>>
      %dma_start3A = arith.constant 0 : i32
      %dma_start3A_14 = tpu.memref_slice %arg4[%add3A_10, %dma_start3A] : memref<64x65536xf32, #tpu.memory_space<hbm>> -> memref<1x65536xf32, #tpu.memory_space<hbm>>
      %dma_start3A_15 = tpu.memref_squeeze %dma_start3A_14 : memref<1x65536xf32, #tpu.memory_space<hbm>> -> memref<65536xf32, #tpu.memory_space<hbm>>
      %dma_start3A_16 = arith.constant 0 : i32
      %dma_start3A_17 = tpu.memref_slice %arg4[%add3A_10, %dma_start3A_16] : memref<64x65536xf32, #tpu.memory_space<hbm>> -> memref<1x65536xf32, #tpu.memory_space<hbm>>
      %dma_start3A_18 = tpu.memref_squeeze %dma_start3A_17 : memref<1x65536xf32, #tpu.memory_space<hbm>> -> memref<65536xf32, #tpu.memory_space<hbm>>
      tpu.enqueue_dma source(%arg7 : memref<65536xf32, #tpu.memory_space<vmem>>) target(%dma_start3A_18 : memref<65536xf32, #tpu.memory_space<hbm>>) target_semaphore(%run_scoped3A : memref<!tpu.dma_semaphore, #tpu.memory_space<semaphore_mem>>)
      %dma_wait3A = arith.constant 0 : i32
      %dma_wait3A_19 = tpu.memref_slice %arg4[%add3A_10, %dma_wait3A] : memref<64x65536xf32, #tpu.memory_space<hbm>> -> memref<1x65536xf32, #tpu.memory_space<hbm>>
      %dma_wait3A_20 = tpu.memref_squeeze %dma_wait3A_19 : memref<1x65536xf32, #tpu.memory_space<hbm>> -> memref<65536xf32, #tpu.memory_space<hbm>>
      %dma_wait3A_21 = arith.constant 0 : i32
      %dma_wait3A_22 = tpu.memref_slice %arg4[%add3A_10, %dma_wait3A_21] : memref<64x65536xf32, #tpu.memory_space<hbm>> -> memref<1x65536xf32, #tpu.memory_space<hbm>>
      %dma_wait3A_23 = tpu.memref_squeeze %dma_wait3A_22 : memref<1x65536xf32, #tpu.memory_space<hbm>> -> memref<65536xf32, #tpu.memory_space<hbm>>
      tpu.wait_dma2 semaphore(%run_scoped3A : memref<!tpu.dma_semaphore, #tpu.memory_space<semaphore_mem>>) src(%arg7 : memref<65536xf32, #tpu.memory_space<vmem>>) dst(%dma_wait3A_23 : memref<65536xf32, #tpu.memory_space<hbm>>)
      tpu.yield
    }) : () -> ()
    return
  }
}

#map = affine_map<(d0, d1) -> (0)>
#map1 = affine_map<(d0, d1) -> (0, 0)>
module attributes {stable_mosaic.version = 14 : i64} {
  func.func @k(%arg0: i32, %arg1: i32, %arg2: memref<32768xf32, #tpu.memory_space<hbm>>, %arg3: memref<64x1024xi32, #tpu.memory_space<hbm>>, %arg4: memref<64x65536xf32, #tpu.memory_space<hbm>>, %arg5: memref<32768xf32, #tpu.memory_space<vmem>>, %arg6: memref<1024xi32, #tpu.memory_space<vmem>>, %arg7: memref<65536xf32, #tpu.memory_space<vmem>>) attributes {dimension_semantics = [#tpu.dimension_semantics<core_parallel>, #tpu.dimension_semantics<subcore_parallel>], iteration_bounds = array<i64: 2, 16>, scalar_prefetch = 0 : i64, scratch_operands = 3 : i64, tpu.core_type = #tpu.core_type<sc_vector_subcore>, window_params = [{transform_indices = #map}, {transform_indices = #map1}, {transform_indices = #map1}]} {
    %mul3A = arith.constant 2 : i32
    %mul3A_0 = arith.muli %arg1, %mul3A : i32
    %add3A = arith.addi %mul3A_0, %arg0 : i32
    "tpu.region"() ({
      %run_scoped3A = tpu.sem_alloc : memref<!tpu.dma_semaphore, #tpu.memory_space<semaphore_mem>>
      tpu.enqueue_dma source(%arg2 : memref<32768xf32, #tpu.memory_space<hbm>>) target(%arg5 : memref<32768xf32, #tpu.memory_space<vmem>>) target_semaphore(%run_scoped3A : memref<!tpu.dma_semaphore, #tpu.memory_space<semaphore_mem>>)
      tpu.wait_dma2 semaphore(%run_scoped3A : memref<!tpu.dma_semaphore, #tpu.memory_space<semaphore_mem>>) src(%arg2 : memref<32768xf32, #tpu.memory_space<hbm>>) dst(%arg5 : memref<32768xf32, #tpu.memory_space<vmem>>)
      tpu.yield
    }) : () -> ()
    %mul3A_1 = arith.constant 2 : i32
    %mul3A_2 = arith.muli %add3A, %mul3A_1 : i32
    %add3A_3 = arith.constant 0 : i32
    %add3A_4 = arith.addi %mul3A_2, %add3A_3 : i32
    "tpu.region"() ({
      %run_scoped3A = tpu.sem_alloc : memref<!tpu.dma_semaphore, #tpu.memory_space<semaphore_mem>>
      %dma_start3A = arith.constant 0 : i32
      %dma_start3A_14 = tpu.memref_slice %arg3[%add3A_4, %dma_start3A] : memref<64x1024xi32, #tpu.memory_space<hbm>> -> memref<1x1024xi32, #tpu.memory_space<hbm>>
      %dma_start3A_15 = tpu.memref_squeeze %dma_start3A_14 : memref<1x1024xi32, #tpu.memory_space<hbm>> -> memref<1024xi32, #tpu.memory_space<hbm>>
      %dma_start3A_16 = arith.constant 0 : i32
      %dma_start3A_17 = tpu.memref_slice %arg3[%add3A_4, %dma_start3A_16] : memref<64x1024xi32, #tpu.memory_space<hbm>> -> memref<1x1024xi32, #tpu.memory_space<hbm>>
      %dma_start3A_18 = tpu.memref_squeeze %dma_start3A_17 : memref<1x1024xi32, #tpu.memory_space<hbm>> -> memref<1024xi32, #tpu.memory_space<hbm>>
      tpu.enqueue_dma source(%dma_start3A_18 : memref<1024xi32, #tpu.memory_space<hbm>>) target(%arg6 : memref<1024xi32, #tpu.memory_space<vmem>>) target_semaphore(%run_scoped3A : memref<!tpu.dma_semaphore, #tpu.memory_space<semaphore_mem>>)
      %dma_wait3A = arith.constant 0 : i32
      %dma_wait3A_19 = tpu.memref_slice %arg3[%add3A_4, %dma_wait3A] : memref<64x1024xi32, #tpu.memory_space<hbm>> -> memref<1x1024xi32, #tpu.memory_space<hbm>>
      %dma_wait3A_20 = tpu.memref_squeeze %dma_wait3A_19 : memref<1x1024xi32, #tpu.memory_space<hbm>> -> memref<1024xi32, #tpu.memory_space<hbm>>
      %dma_wait3A_21 = arith.constant 0 : i32
      %dma_wait3A_22 = tpu.memref_slice %arg3[%add3A_4, %dma_wait3A_21] : memref<64x1024xi32, #tpu.memory_space<hbm>> -> memref<1x1024xi32, #tpu.memory_space<hbm>>
      %dma_wait3A_23 = tpu.memref_squeeze %dma_wait3A_22 : memref<1x1024xi32, #tpu.memory_space<hbm>> -> memref<1024xi32, #tpu.memory_space<hbm>>
      tpu.wait_dma2 semaphore(%run_scoped3A : memref<!tpu.dma_semaphore, #tpu.memory_space<semaphore_mem>>) src(%dma_wait3A_23 : memref<1024xi32, #tpu.memory_space<hbm>>) dst(%arg6 : memref<1024xi32, #tpu.memory_space<vmem>>)
      tpu.yield
    }) : () -> ()
    %parallel_loop3A = arith.constant 0 : i32
    %parallel_loop3A_5 = arith.constant 4096 : i32
    %parallel_loop3A_6 = arith.constant 1 : i32
    scf.for %parallel_loop3A_14 = %parallel_loop3A to %parallel_loop3A_5 step %parallel_loop3A_6  : i32 {
      %parallel_loop3A_15 = arith.constant 6 : i32
      %parallel_loop3A_16 = arith.shrui %parallel_loop3A_14, %parallel_loop3A_15 : i32
      %parallel_loop3A_17 = arith.constant 63 : i32
      %parallel_loop3A_18 = arith.andi %parallel_loop3A_14, %parallel_loop3A_17 : i32
      %parallel_loop3A_19 = arith.constant 16 : i32
      %parallel_loop3A_20 = arith.muli %parallel_loop3A_18, %parallel_loop3A_19 : i32
      %parallel_loop3A_21 = arith.index_cast %parallel_loop3A_20 : i32 to index
      %parallel_loop3A_22 = tpu.vector_load %arg6[%parallel_loop3A_21] {strides = array<i32>} : memref<1024xi32, #tpu.memory_space<vmem>>, vector<16xi32>,
      %parallel_loop3A_23 = arith.constant 512 : i32
      %parallel_loop3A_24 = arith.muli %parallel_loop3A_16, %parallel_loop3A_23 : i32
      %parallel_loop3A_25 = vector.broadcast %parallel_loop3A_24 : i32 to vector<16xi32>
      %parallel_loop3A_26 = arith.addi %parallel_loop3A_22, %parallel_loop3A_25 : vector<16xi32>
      %parallel_loop3A_27 = tpu.vector_load_idx %arg5[%parallel_loop3A_26] : memref<32768xf32, #tpu.memory_space<vmem>>[vector<16xi32>], vector<16xf32>,
      %parallel_loop3A_28 = arith.constant 16 : i32
      %parallel_loop3A_29 = arith.muli %parallel_loop3A_14, %parallel_loop3A_28 : i32
      %parallel_loop3A_30 = arith.index_cast %parallel_loop3A_29 : i32 to index
      %parallel_loop3A_31 = tpu.vector_load %arg7[%parallel_loop3A_30] {strides = array<i32>} : memref<65536xf32, #tpu.memory_space<vmem>>, vector<16xf32>,
      tpu.vector_store %arg7[%parallel_loop3A_30], %parallel_loop3A_27 {strides = array<i32>} : memref<65536xf32, #tpu.memory_space<vmem>>, vector<16xf32>,
    } {sc.loop_unroll_factor = 8 : i64, sc.parallel_access}
    "tpu.region"() ({
      %run_scoped3A = tpu.sem_alloc : memref<!tpu.dma_semaphore, #tpu.memory_space<semaphore_mem>>
      %dma_start3A = arith.constant 0 : i32
      %dma_start3A_14 = tpu.memref_slice %arg4[%add3A_4, %dma_start3A] : memref<64x65536xf32, #tpu.memory_space<hbm>> -> memref<1x65536xf32, #tpu.memory_space<hbm>>
      %dma_start3A_15 = tpu.memref_squeeze %dma_start3A_14 : memref<1x65536xf32, #tpu.memory_space<hbm>> -> memref<65536xf32, #tpu.memory_space<hbm>>
      %dma_start3A_16 = arith.constant 0 : i32
      %dma_start3A_17 = tpu.memref_slice %arg4[%add3A_4, %dma_start3A_16] : memref<64x65536xf32, #tpu.memory_space<hbm>> -> memref<1x65536xf32, #tpu.memory_space<hbm>>
      %dma_start3A_18 = tpu.memref_squeeze %dma_start3A_17 : memref<1x65536xf32, #tpu.memory_space<hbm>> -> memref<65536xf32, #tpu.memory_space<hbm>>
      tpu.enqueue_dma source(%arg7 : memref<65536xf32, #tpu.memory_space<vmem>>) target(%dma_start3A_18 : memref<65536xf32, #tpu.memory_space<hbm>>) target_semaphore(%run_scoped3A : memref<!tpu.dma_semaphore, #tpu.memory_space<semaphore_mem>>)
      %dma_wait3A = arith.constant 0 : i32
      %dma_wait3A_19 = tpu.memref_slice %arg4[%add3A_4, %dma_wait3A] : memref<64x65536xf32, #tpu.memory_space<hbm>> -> memref<1x65536xf32, #tpu.memory_space<hbm>>
      %dma_wait3A_20 = tpu.memref_squeeze %dma_wait3A_19 : memref<1x65536xf32, #tpu.memory_space<hbm>> -> memref<65536xf32, #tpu.memory_space<hbm>>
      %dma_wait3A_21 = arith.constant 0 : i32
      %dma_wait3A_22 = tpu.memref_slice %arg4[%add3A_4, %dma_wait3A_21] : memref<64x65536xf32, #tpu.memory_space<hbm>> -> memref<1x65536xf32, #tpu.memory_space<hbm>>
      %dma_wait3A_23 = tpu.memref_squeeze %dma_wait3A_22 : memref<1x65536xf32, #tpu.memory_space<hbm>> -> memref<65536xf32, #tpu.memory_space<hbm>>
      tpu.wait_dma2 semaphore(%run_scoped3A : memref<!tpu.dma_semaphore, #tpu.memory_space<semaphore_mem>>) src(%arg7 : memref<65536xf32, #tpu.memory_space<vmem>>) dst(%dma_wait3A_23 : memref<65536xf32, #tpu.memory_space<hbm>>)
      tpu.yield
    }) : () -> ()
    %mul3A_7 = arith.constant 2 : i32
    %mul3A_8 = arith.muli %add3A, %mul3A_7 : i32
    %add3A_9 = arith.constant 1 : i32
    %add3A_10 = arith.addi %mul3A_8, %add3A_9 : i32
    "tpu.region"() ({
      %run_scoped3A = tpu.sem_alloc : memref<!tpu.dma_semaphore, #tpu.memory_space<semaphore_mem>>
      %dma_start3A = arith.constant 0 : i32
      %dma_start3A_14 = tpu.memref_slice %arg3[%add3A_10, %dma_start3A] : memref<64x1024xi32, #tpu.memory_space<hbm>> -> memref<1x1024xi32, #tpu.memory_space<hbm>>
      %dma_start3A_15 = tpu.memref_squeeze %dma_start3A_14 : memref<1x1024xi32, #tpu.memory_space<hbm>> -> memref<1024xi32, #tpu.memory_space<hbm>>
      %dma_start3A_16 = arith.constant 0 : i32
      %dma_start3A_17 = tpu.memref_slice %arg3[%add3A_10, %dma_start3A_16] : memref<64x1024xi32, #tpu.memory_space<hbm>> -> memref<1x1024xi32, #tpu.memory_space<hbm>>
      %dma_start3A_18 = tpu.memref_squeeze %dma_start3A_17 : memref<1x1024xi32, #tpu.memory_space<hbm>> -> memref<1024xi32, #tpu.memory_space<hbm>>
      tpu.enqueue_dma source(%dma_start3A_18 : memref<1024xi32, #tpu.memory_space<hbm>>) target(%arg6 : memref<1024xi32, #tpu.memory_space<vmem>>) target_semaphore(%run_scoped3A : memref<!tpu.dma_semaphore, #tpu.memory_space<semaphore_mem>>)
      %dma_wait3A = arith.constant 0 : i32
      %dma_wait3A_19 = tpu.memref_slice %arg3[%add3A_10, %dma_wait3A] : memref<64x1024xi32, #tpu.memory_space<hbm>> -> memref<1x1024xi32, #tpu.memory_space<hbm>>
      %dma_wait3A_20 = tpu.memref_squeeze %dma_wait3A_19 : memref<1x1024xi32, #tpu.memory_space<hbm>> -> memref<1024xi32, #tpu.memory_space<hbm>>
      %dma_wait3A_21 = arith.constant 0 : i32
      %dma_wait3A_22 = tpu.memref_slice %arg3[%add3A_10, %dma_wait3A_21] : memref<64x1024xi32, #tpu.memory_space<hbm>> -> memref<1x1024xi32, #tpu.memory_space<hbm>>
      %dma_wait3A_23 = tpu.memref_squeeze %dma_wait3A_22 : memref<1x1024xi32, #tpu.memory_space<hbm>> -> memref<1024xi32, #tpu.memory_space<hbm>>
      tpu.wait_dma2 semaphore(%run_scoped3A : memref<!tpu.dma_semaphore, #tpu.memory_space<semaphore_mem>>) src(%dma_wait3A_23 : memref<1024xi32, #tpu.memory_space<hbm>>) dst(%arg6 : memref<1024xi32, #tpu.memory_space<vmem>>)
      tpu.yield
    }) : () -> ()
    %parallel_loop3A_11 = arith.constant 0 : i32
    %parallel_loop3A_12 = arith.constant 4096 : i32
    %parallel_loop3A_13 = arith.constant 1 : i32
    scf.for %parallel_loop3A_14 = %parallel_loop3A_11 to %parallel_loop3A_12 step %parallel_loop3A_13  : i32 {
      %parallel_loop3A_15 = arith.constant 6 : i32
      %parallel_loop3A_16 = arith.shrui %parallel_loop3A_14, %parallel_loop3A_15 : i32
      %parallel_loop3A_17 = arith.constant 63 : i32
      %parallel_loop3A_18 = arith.andi %parallel_loop3A_14, %parallel_loop3A_17 : i32
      %parallel_loop3A_19 = arith.constant 16 : i32
      %parallel_loop3A_20 = arith.muli %parallel_loop3A_18, %parallel_loop3A_19 : i32
      %parallel_loop3A_21 = arith.index_cast %parallel_loop3A_20 : i32 to index
      %parallel_loop3A_22 = tpu.vector_load %arg6[%parallel_loop3A_21] {strides = array<i32>} : memref<1024xi32, #tpu.memory_space<vmem>>, vector<16xi32>,
      %parallel_loop3A_23 = arith.constant 512 : i32
      %parallel_loop3A_24 = arith.muli %parallel_loop3A_16, %parallel_loop3A_23 : i32
      %parallel_loop3A_25 = vector.broadcast %parallel_loop3A_24 : i32 to vector<16xi32>
      %parallel_loop3A_26 = arith.addi %parallel_loop3A_22, %parallel_loop3A_25 : vector<16xi32>
      %parallel_loop3A_27 = tpu.vector_load_idx %arg5[%parallel_loop3A_26] : memref<32768xf32, #tpu.memory_space<vmem>>[vector<16xi32>], vector<16xf32>,
      %parallel_loop3A_28 = arith.constant 16 : i32
      %parallel_loop3A_29 = arith.muli %parallel_loop3A_14, %parallel_loop3A_28 : i32
      %parallel_loop3A_30 = arith.index_cast %parallel_loop3A_29 : i32 to index
      %parallel_loop3A_31 = tpu.vector_load %arg7[%parallel_loop3A_30] {strides = array<i32>} : memref<65536xf32, #tpu.memory_space<vmem>>, vector<16xf32>,
      tpu.vector_store %arg7[%parallel_loop3A_30], %parallel_loop3A_27 {strides = array<i32>} : memref<65536xf32, #tpu.memory_space<vmem>>, vector<16xf32>,
    } {sc.loop_unroll_factor = 8 : i64, sc.parallel_access}
    "tpu.region"() ({
      %run_scoped3A = tpu.sem_alloc : memref<!tpu.dma_semaphore, #tpu.memory_space<semaphore_mem>>
      %dma_start3A = arith.constant 0 : i32
      %dma_start3A_14 = tpu.memref_slice %arg4[%add3A_10, %dma_start3A] : memref<64x65536xf32, #tpu.memory_space<hbm>> -> memref<1x65536xf32, #tpu.memory_space<hbm>>
      %dma_start3A_15 = tpu.memref_squeeze %dma_start3A_14 : memref<1x65536xf32, #tpu.memory_space<hbm>> -> memref<65536xf32, #tpu.memory_space<hbm>>
      %dma_start3A_16 = arith.constant 0 : i32
      %dma_start3A_17 = tpu.memref_slice %arg4[%add3A_10, %dma_start3A_16] : memref<64x65536xf32, #tpu.memory_space<hbm>> -> memref<1x65536xf32, #tpu.memory_space<hbm>>
      %dma_start3A_18 = tpu.memref_squeeze %dma_start3A_17 : memref<1x65536xf32, #tpu.memory_space<hbm>> -> memref<65536xf32, #tpu.memory_space<hbm>>
      tpu.enqueue_dma source(%arg7 : memref<65536xf32, #tpu.memory_space<vmem>>) target(%dma_start3A_18 : memref<65536xf32, #tpu.memory_space<hbm>>) target_semaphore(%run_scoped3A : memref<!tpu.dma_semaphore, #tpu.memory_space<semaphore_mem>>)
      %dma_wait3A = arith.constant 0 : i32
      %dma_wait3A_19 = tpu.memref_slice %arg4[%add3A_10, %dma_wait3A] : memref<64x65536xf32, #tpu.memory_space<hbm>> -> memref<1x65536xf32, #tpu.memory_space<hbm>>
      %dma_wait3A_20 = tpu.memref_squeeze %dma_wait3A_19 : memref<1x65536xf32, #tpu.memory_space<hbm>> -> memref<65536xf32, #tpu.memory_space<hbm>>
      %dma_wait3A_21 = arith.constant 0 : i32
      %dma_wait3A_22 = tpu.memref_slice %arg4[%add3A_10, %dma_wait3A_21] : memref<64x65536xf32, #tpu.memory_space<hbm>> -> memref<1x65536xf32, #tpu.memory_space<hbm>>
      %dma_wait3A_23 = tpu.memref_squeeze %dma_wait3A_22 : memref<1x65536xf32, #tpu.memory_space<hbm>> -> memref<65536xf32, #tpu.memory_space<hbm>>
      tpu.wait_dma2 semaphore(%run_scoped3A : memref<!tpu.dma_semaphore, #tpu.memory_space<semaphore_mem>>) src(%arg7 : memref<65536xf32, #tpu.memory_space<vmem>>) dst(%dma_wait3A_23 : memref<65536xf32, #tpu.memory_space<hbm>>)
      tpu.yield
    }) : () -> ()
    return
  }
}

module attributes {stable_mosaic.version = 14 : i64} {
  func.func @_idx_body(%arg0: i32, %arg1: memref<8x64x1024xf32, #tpu.memory_space<vmem>>, %arg2: memref<512x64xf32, #tpu.memory_space<vmem>>, %arg3: memref<8x1024xi32, #tpu.memory_space<vmem>>) attributes {dimension_semantics = [#tpu.dimension_semantics<arbitrary>], iteration_bounds = array<i64: 8>, scalar_prefetch = 0 : i64, scratch_operands = 0 : i64, tpu.core_type = #tpu.core_type<tc>, window_params = [{transform_indices = @transform_0, window_bounds = array<i64: 8, 64, 1024>}, {pipeline_mode = #tpu.pipeline_mode<synchronous>, transform_indices = @transform_1, window_bounds = array<i64: 512, 64>}, {transform_indices = @transform_2, window_bounds = array<i64: 8, 1024>}]} {
    %get3A = arith.constant 0 : index
    %get3A_0 = arith.constant 0 : index
    %get3A_1 = vector.load %arg2[%get3A, %get3A_0] : memref<512x64xf32, #tpu.memory_space<vmem>>, vector<512x64xf32>
    %mul3A = arith.mulf %get3A_1, %get3A_1 : vector<512x64xf32>
    %reduce_sum3A = arith.constant dense<0.000000e+00> : vector<512xf32>
    %reduce_sum3A_2 = vector.multi_reduction <add>, %mul3A, %reduce_sum3A [1] : vector<512x64xf32> to vector<512xf32>
    %broadcast_in_dim3A = vector.shape_cast %reduce_sum3A_2 : vector<512xf32> to vector<1x512xf32>
    %mul3A_3 = arith.constant 2.500000e-01 : f32
    %mul3A_4 = vector.broadcast %mul3A_3 : f32 to vector<1x512xf32>
    %mul3A_5 = arith.mulf %broadcast_in_dim3A, %mul3A_4 : vector<1x512xf32>
    %get3A_6 = arith.constant 0 : index
    %get3A_7 = arith.constant 0 : index
    %get3A_8 = arith.constant 0 : index
    %get3A_9 = vector.load %arg1[%get3A_6, %get3A_7, %get3A_8] : memref<8x64x1024xf32, #tpu.memory_space<vmem>>, vector<1x64x1024xf32>
    %get3A_10 = vector.shape_cast %get3A_9 : vector<1x64x1024xf32> to vector<64x1024xf32>
    %dot_general3A = arith.constant dense<0.000000e+00> : vector<1024x512xf32>
    %dot_general3A_11 = tpu.matmul %get3A_10, %get3A_1, %dot_general3A {dimension_numbers = #tpu.dot_dimension_numbers<[0], [1], [1], [0], [0, 1, 1, 0], [], []>, transpose_lhs_hint = false} : vector<64x1024xf32>, vector<512x64xf32>, vector<1024x512xf32> -> vector<1024x512xf32>
    %mul3A_12 = arith.mulf %get3A_10, %get3A_10 : vector<64x1024xf32>
    %reduce_sum3A_13 = arith.constant dense<0.000000e+00> : vector<1024xf32>
    %reduce_sum3A_14 = vector.multi_reduction <add>, %mul3A_12, %reduce_sum3A_13 [0] : vector<64x1024xf32> to vector<1024xf32>
    %broadcast_in_dim3A_15 = vector.shape_cast %reduce_sum3A_14 : vector<1024xf32> to vector<1024x1xf32>
    %add3A = vector.broadcast %broadcast_in_dim3A_15 : vector<1024x1xf32> to vector<1024x512xf32>
    %add3A_16 = vector.broadcast %mul3A_5 : vector<1x512xf32> to vector<1024x512xf32>
    %add3A_17 = arith.addf %add3A, %add3A_16 : vector<1024x512xf32>
    %add3A_18 = arith.addf %add3A_17, %dot_general3A_11 : vector<1024x512xf32>
    %reduce_min3A = arith.constant dense<0x7F800000> : vector<1024xf32>
    %reduce_min3A_19 = vector.multi_reduction <minimumf>, %add3A_18, %reduce_min3A [1] : vector<1024x512xf32> to vector<1024xf32>
    %broadcast_in_dim3A_20 = vector.shape_cast %reduce_min3A_19 : vector<1024xf32> to vector<1024x1xf32>
    %iota3A = tpu.iota {dimensions = array<i32: 1>} : vector<1024x512xi32>
    %eq3A = vector.broadcast %broadcast_in_dim3A_20 : vector<1024x1xf32> to vector<1024x512xf32>
    %eq3A_21 = arith.cmpf oeq, %add3A_18, %eq3A : vector<1024x512xf32>
    %jit3A = arith.constant 511 : i32
    %broadcast_in_dim3A_22 = vector.broadcast %jit3A : i32 to vector<1024x512xi32>
    %select_n3A = arith.select %eq3A_21, %iota3A, %broadcast_in_dim3A_22 : vector<1024x512xi1>, vector<1024x512xi32>
    %reduce_min3A_23 = arith.constant dense<2147483647> : vector<1024xi32>
    %reduce_min3A_24 = vector.multi_reduction <minsi>, %select_n3A, %reduce_min3A_23 [1] : vector<1024x512xi32> to vector<1024xi32>
    %swap3A = arith.constant 0 : index
    %swap3A_25 = arith.constant 0 : index
    %swap3A_26 = vector.load %arg3[%swap3A, %swap3A_25] : memref<8x1024xi32, #tpu.memory_space<vmem>>, vector<1x1024xi32>
    %swap3A_27 = vector.shape_cast %swap3A_26 : vector<1x1024xi32> to vector<1024xi32>
    %swap3A_28 = vector.shape_cast %reduce_min3A_24 : vector<1024xi32> to vector<1x1024xi32>
    tpu.vector_store %arg3[%swap3A, %swap3A_25], %swap3A_28 {strides = array<i32>} : memref<8x1024xi32, #tpu.memory_space<vmem>>, vector<1x1024xi32>,
    %get3A_29 = arith.constant 1 : index
    %get3A_30 = arith.constant 0 : index
    %get3A_31 = arith.constant 0 : index
    %get3A_32 = vector.load %arg1[%get3A_29, %get3A_30, %get3A_31] : memref<8x64x1024xf32, #tpu.memory_space<vmem>>, vector<1x64x1024xf32>
    %get3A_33 = vector.shape_cast %get3A_32 : vector<1x64x1024xf32> to vector<64x1024xf32>
    %dot_general3A_34 = arith.constant dense<0.000000e+00> : vector<1024x512xf32>
    %dot_general3A_35 = tpu.matmul %get3A_33, %get3A_1, %dot_general3A_34 {dimension_numbers = #tpu.dot_dimension_numbers<[0], [1], [1], [0], [0, 1, 1, 0], [], []>, transpose_lhs_hint = false} : vector<64x1024xf32>, vector<512x64xf32>, vector<1024x512xf32> -> vector<1024x512xf32>
    %mul3A_36 = arith.mulf %get3A_33, %get3A_33 : vector<64x1024xf32>
    %reduce_sum3A_37 = arith.constant dense<0.000000e+00> : vector<1024xf32>
    %reduce_sum3A_38 = vector.multi_reduction <add>, %mul3A_36, %reduce_sum3A_37 [0] : vector<64x1024xf32> to vector<1024xf32>
    %broadcast_in_dim3A_39 = vector.shape_cast %reduce_sum3A_38 : vector<1024xf32> to vector<1024x1xf32>
    %add3A_40 = vector.broadcast %broadcast_in_dim3A_39 : vector<1024x1xf32> to vector<1024x512xf32>
    %add3A_41 = vector.broadcast %mul3A_5 : vector<1x512xf32> to vector<1024x512xf32>
    %add3A_42 = arith.addf %add3A_40, %add3A_41 : vector<1024x512xf32>
    %add3A_43 = arith.addf %add3A_42, %dot_general3A_35 : vector<1024x512xf32>
    %reduce_min3A_44 = arith.constant dense<0x7F800000> : vector<1024xf32>
    %reduce_min3A_45 = vector.multi_reduction <minimumf>, %add3A_43, %reduce_min3A_44 [1] : vector<1024x512xf32> to vector<1024xf32>
    %broadcast_in_dim3A_46 = vector.shape_cast %reduce_min3A_45 : vector<1024xf32> to vector<1024x1xf32>
    %iota3A_47 = tpu.iota {dimensions = array<i32: 1>} : vector<1024x512xi32>
    %eq3A_48 = vector.broadcast %broadcast_in_dim3A_46 : vector<1024x1xf32> to vector<1024x512xf32>
    %eq3A_49 = arith.cmpf oeq, %add3A_43, %eq3A_48 : vector<1024x512xf32>
    %jit3A_50 = arith.constant 511 : i32
    %broadcast_in_dim3A_51 = vector.broadcast %jit3A_50 : i32 to vector<1024x512xi32>
    %select_n3A_52 = arith.select %eq3A_49, %iota3A_47, %broadcast_in_dim3A_51 : vector<1024x512xi1>, vector<1024x512xi32>
    %reduce_min3A_53 = arith.constant dense<2147483647> : vector<1024xi32>
    %reduce_min3A_54 = vector.multi_reduction <minsi>, %select_n3A_52, %reduce_min3A_53 [1] : vector<1024x512xi32> to vector<1024xi32>
    %swap3A_55 = arith.constant 1 : index
    %swap3A_56 = arith.constant 0 : index
    %swap3A_57 = vector.load %arg3[%swap3A_55, %swap3A_56] : memref<8x1024xi32, #tpu.memory_space<vmem>>, vector<1x1024xi32>
    %swap3A_58 = vector.shape_cast %swap3A_57 : vector<1x1024xi32> to vector<1024xi32>
    %swap3A_59 = vector.shape_cast %reduce_min3A_54 : vector<1024xi32> to vector<1x1024xi32>
    tpu.vector_store %arg3[%swap3A_55, %swap3A_56], %swap3A_59 {strides = array<i32>} : memref<8x1024xi32, #tpu.memory_space<vmem>>, vector<1x1024xi32>,
    %get3A_60 = arith.constant 2 : index
    %get3A_61 = arith.constant 0 : index
    %get3A_62 = arith.constant 0 : index
    %get3A_63 = vector.load %arg1[%get3A_60, %get3A_61, %get3A_62] : memref<8x64x1024xf32, #tpu.memory_space<vmem>>, vector<1x64x1024xf32>
    %get3A_64 = vector.shape_cast %get3A_63 : vector<1x64x1024xf32> to vector<64x1024xf32>
    %dot_general3A_65 = arith.constant dense<0.000000e+00> : vector<1024x512xf32>
    %dot_general3A_66 = tpu.matmul %get3A_64, %get3A_1, %dot_general3A_65 {dimension_numbers = #tpu.dot_dimension_numbers<[0], [1], [1], [0], [0, 1, 1, 0], [], []>, transpose_lhs_hint = false} : vector<64x1024xf32>, vector<512x64xf32>, vector<1024x512xf32> -> vector<1024x512xf32>
    %mul3A_67 = arith.mulf %get3A_64, %get3A_64 : vector<64x1024xf32>
    %reduce_sum3A_68 = arith.constant dense<0.000000e+00> : vector<1024xf32>
    %reduce_sum3A_69 = vector.multi_reduction <add>, %mul3A_67, %reduce_sum3A_68 [0] : vector<64x1024xf32> to vector<1024xf32>
    %broadcast_in_dim3A_70 = vector.shape_cast %reduce_sum3A_69 : vector<1024xf32> to vector<1024x1xf32>
    %add3A_71 = vector.broadcast %broadcast_in_dim3A_70 : vector<1024x1xf32> to vector<1024x512xf32>
    %add3A_72 = vector.broadcast %mul3A_5 : vector<1x512xf32> to vector<1024x512xf32>
    %add3A_73 = arith.addf %add3A_71, %add3A_72 : vector<1024x512xf32>
    %add3A_74 = arith.addf %add3A_73, %dot_general3A_66 : vector<1024x512xf32>
    %reduce_min3A_75 = arith.constant dense<0x7F800000> : vector<1024xf32>
    %reduce_min3A_76 = vector.multi_reduction <minimumf>, %add3A_74, %reduce_min3A_75 [1] : vector<1024x512xf32> to vector<1024xf32>
    %broadcast_in_dim3A_77 = vector.shape_cast %reduce_min3A_76 : vector<1024xf32> to vector<1024x1xf32>
    %iota3A_78 = tpu.iota {dimensions = array<i32: 1>} : vector<1024x512xi32>
    %eq3A_79 = vector.broadcast %broadcast_in_dim3A_77 : vector<1024x1xf32> to vector<1024x512xf32>
    %eq3A_80 = arith.cmpf oeq, %add3A_74, %eq3A_79 : vector<1024x512xf32>
    %jit3A_81 = arith.constant 511 : i32
    %broadcast_in_dim3A_82 = vector.broadcast %jit3A_81 : i32 to vector<1024x512xi32>
    %select_n3A_83 = arith.select %eq3A_80, %iota3A_78, %broadcast_in_dim3A_82 : vector<1024x512xi1>, vector<1024x512xi32>
    %reduce_min3A_84 = arith.constant dense<2147483647> : vector<1024xi32>
    %reduce_min3A_85 = vector.multi_reduction <minsi>, %select_n3A_83, %reduce_min3A_84 [1] : vector<1024x512xi32> to vector<1024xi32>
    %swap3A_86 = arith.constant 2 : index
    %swap3A_87 = arith.constant 0 : index
    %swap3A_88 = vector.load %arg3[%swap3A_86, %swap3A_87] : memref<8x1024xi32, #tpu.memory_space<vmem>>, vector<1x1024xi32>
    %swap3A_89 = vector.shape_cast %swap3A_88 : vector<1x1024xi32> to vector<1024xi32>
    %swap3A_90 = vector.shape_cast %reduce_min3A_85 : vector<1024xi32> to vector<1x1024xi32>
    tpu.vector_store %arg3[%swap3A_86, %swap3A_87], %swap3A_90 {strides = array<i32>} : memref<8x1024xi32, #tpu.memory_space<vmem>>, vector<1x1024xi32>,
    %get3A_91 = arith.constant 3 : index
    %get3A_92 = arith.constant 0 : index
    %get3A_93 = arith.constant 0 : index
    %get3A_94 = vector.load %arg1[%get3A_91, %get3A_92, %get3A_93] : memref<8x64x1024xf32, #tpu.memory_space<vmem>>, vector<1x64x1024xf32>
    %get3A_95 = vector.shape_cast %get3A_94 : vector<1x64x1024xf32> to vector<64x1024xf32>
    %dot_general3A_96 = arith.constant dense<0.000000e+00> : vector<1024x512xf32>
    %dot_general3A_97 = tpu.matmul %get3A_95, %get3A_1, %dot_general3A_96 {dimension_numbers = #tpu.dot_dimension_numbers<[0], [1], [1], [0], [0, 1, 1, 0], [], []>, transpose_lhs_hint = false} : vector<64x1024xf32>, vector<512x64xf32>, vector<1024x512xf32> -> vector<1024x512xf32>
    %mul3A_98 = arith.mulf %get3A_95, %get3A_95 : vector<64x1024xf32>
    %reduce_sum3A_99 = arith.constant dense<0.000000e+00> : vector<1024xf32>
    %reduce_sum3A_100 = vector.multi_reduction <add>, %mul3A_98, %reduce_sum3A_99 [0] : vector<64x1024xf32> to vector<1024xf32>
    %broadcast_in_dim3A_101 = vector.shape_cast %reduce_sum3A_100 : vector<1024xf32> to vector<1024x1xf32>
    %add3A_102 = vector.broadcast %broadcast_in_dim3A_101 : vector<1024x1xf32> to vector<1024x512xf32>
    %add3A_103 = vector.broadcast %mul3A_5 : vector<1x512xf32> to vector<1024x512xf32>
    %add3A_104 = arith.addf %add3A_102, %add3A_103 : vector<1024x512xf32>
    %add3A_105 = arith.addf %add3A_104, %dot_general3A_97 : vector<1024x512xf32>
    %reduce_min3A_106 = arith.constant dense<0x7F800000> : vector<1024xf32>
    %reduce_min3A_107 = vector.multi_reduction <minimumf>, %add3A_105, %reduce_min3A_106 [1] : vector<1024x512xf32> to vector<1024xf32>
    %broadcast_in_dim3A_108 = vector.shape_cast %reduce_min3A_107 : vector<1024xf32> to vector<1024x1xf32>
    %iota3A_109 = tpu.iota {dimensions = array<i32: 1>} : vector<1024x512xi32>
    %eq3A_110 = vector.broadcast %broadcast_in_dim3A_108 : vector<1024x1xf32> to vector<1024x512xf32>
    %eq3A_111 = arith.cmpf oeq, %add3A_105, %eq3A_110 : vector<1024x512xf32>
    %jit3A_112 = arith.constant 511 : i32
    %broadcast_in_dim3A_113 = vector.broadcast %jit3A_112 : i32 to vector<1024x512xi32>
    %select_n3A_114 = arith.select %eq3A_111, %iota3A_109, %broadcast_in_dim3A_113 : vector<1024x512xi1>, vector<1024x512xi32>
    %reduce_min3A_115 = arith.constant dense<2147483647> : vector<1024xi32>
    %reduce_min3A_116 = vector.multi_reduction <minsi>, %select_n3A_114, %reduce_min3A_115 [1] : vector<1024x512xi32> to vector<1024xi32>
    %swap3A_117 = arith.constant 3 : index
    %swap3A_118 = arith.constant 0 : index
    %swap3A_119 = vector.load %arg3[%swap3A_117, %swap3A_118] : memref<8x1024xi32, #tpu.memory_space<vmem>>, vector<1x1024xi32>
    %swap3A_120 = vector.shape_cast %swap3A_119 : vector<1x1024xi32> to vector<1024xi32>
    %swap3A_121 = vector.shape_cast %reduce_min3A_116 : vector<1024xi32> to vector<1x1024xi32>
    tpu.vector_store %arg3[%swap3A_117, %swap3A_118], %swap3A_121 {strides = array<i32>} : memref<8x1024xi32, #tpu.memory_space<vmem>>, vector<1x1024xi32>,
    %get3A_122 = arith.constant 4 : index
    %get3A_123 = arith.constant 0 : index
    %get3A_124 = arith.constant 0 : index
    %get3A_125 = vector.load %arg1[%get3A_122, %get3A_123, %get3A_124] : memref<8x64x1024xf32, #tpu.memory_space<vmem>>, vector<1x64x1024xf32>
    %get3A_126 = vector.shape_cast %get3A_125 : vector<1x64x1024xf32> to vector<64x1024xf32>
    %dot_general3A_127 = arith.constant dense<0.000000e+00> : vector<1024x512xf32>
    %dot_general3A_128 = tpu.matmul %get3A_126, %get3A_1, %dot_general3A_127 {dimension_numbers = #tpu.dot_dimension_numbers<[0], [1], [1], [0], [0, 1, 1, 0], [], []>, transpose_lhs_hint = false} : vector<64x1024xf32>, vector<512x64xf32>, vector<1024x512xf32> -> vector<1024x512xf32>
    %mul3A_129 = arith.mulf %get3A_126, %get3A_126 : vector<64x1024xf32>
    %reduce_sum3A_130 = arith.constant dense<0.000000e+00> : vector<1024xf32>
    %reduce_sum3A_131 = vector.multi_reduction <add>, %mul3A_129, %reduce_sum3A_130 [0] : vector<64x1024xf32> to vector<1024xf32>
    %broadcast_in_dim3A_132 = vector.shape_cast %reduce_sum3A_131 : vector<1024xf32> to vector<1024x1xf32>
    %add3A_133 = vector.broadcast %broadcast_in_dim3A_132 : vector<1024x1xf32> to vector<1024x512xf32>
    %add3A_134 = vector.broadcast %mul3A_5 : vector<1x512xf32> to vector<1024x512xf32>
    %add3A_135 = arith.addf %add3A_133, %add3A_134 : vector<1024x512xf32>
    %add3A_136 = arith.addf %add3A_135, %dot_general3A_128 : vector<1024x512xf32>
    %reduce_min3A_137 = arith.constant dense<0x7F800000> : vector<1024xf32>
    %reduce_min3A_138 = vector.multi_reduction <minimumf>, %add3A_136, %reduce_min3A_137 [1] : vector<1024x512xf32> to vector<1024xf32>
    %broadcast_in_dim3A_139 = vector.shape_cast %reduce_min3A_138 : vector<1024xf32> to vector<1024x1xf32>
    %iota3A_140 = tpu.iota {dimensions = array<i32: 1>} : vector<1024x512xi32>
    %eq3A_141 = vector.broadcast %broadcast_in_dim3A_139 : vector<1024x1xf32> to vector<1024x512xf32>
    %eq3A_142 = arith.cmpf oeq, %add3A_136, %eq3A_141 : vector<1024x512xf32>
    %jit3A_143 = arith.constant 511 : i32
    %broadcast_in_dim3A_144 = vector.broadcast %jit3A_143 : i32 to vector<1024x512xi32>
    %select_n3A_145 = arith.select %eq3A_142, %iota3A_140, %broadcast_in_dim3A_144 : vector<1024x512xi1>, vector<1024x512xi32>
    %reduce_min3A_146 = arith.constant dense<2147483647> : vector<1024xi32>
    %reduce_min3A_147 = vector.multi_reduction <minsi>, %select_n3A_145, %reduce_min3A_146 [1] : vector<1024x512xi32> to vector<1024xi32>
    %swap3A_148 = arith.constant 4 : index
    %swap3A_149 = arith.constant 0 : index
    %swap3A_150 = vector.load %arg3[%swap3A_148, %swap3A_149] : memref<8x1024xi32, #tpu.memory_space<vmem>>, vector<1x1024xi32>
    %swap3A_151 = vector.shape_cast %swap3A_150 : vector<1x1024xi32> to vector<1024xi32>
    %swap3A_152 = vector.shape_cast %reduce_min3A_147 : vector<1024xi32> to vector<1x1024xi32>
    tpu.vector_store %arg3[%swap3A_148, %swap3A_149], %swap3A_152 {strides = array<i32>} : memref<8x1024xi32, #tpu.memory_space<vmem>>, vector<1x1024xi32>,
    %get3A_153 = arith.constant 5 : index
    %get3A_154 = arith.constant 0 : index
    %get3A_155 = arith.constant 0 : index
    %get3A_156 = vector.load %arg1[%get3A_153, %get3A_154, %get3A_155] : memref<8x64x1024xf32, #tpu.memory_space<vmem>>, vector<1x64x1024xf32>
    %get3A_157 = vector.shape_cast %get3A_156 : vector<1x64x1024xf32> to vector<64x1024xf32>
    %dot_general3A_158 = arith.constant dense<0.000000e+00> : vector<1024x512xf32>
    %dot_general3A_159 = tpu.matmul %get3A_157, %get3A_1, %dot_general3A_158 {dimension_numbers = #tpu.dot_dimension_numbers<[0], [1], [1], [0], [0, 1, 1, 0], [], []>, transpose_lhs_hint = false} : vector<64x1024xf32>, vector<512x64xf32>, vector<1024x512xf32> -> vector<1024x512xf32>
    %mul3A_160 = arith.mulf %get3A_157, %get3A_157 : vector<64x1024xf32>
    %reduce_sum3A_161 = arith.constant dense<0.000000e+00> : vector<1024xf32>
    %reduce_sum3A_162 = vector.multi_reduction <add>, %mul3A_160, %reduce_sum3A_161 [0] : vector<64x1024xf32> to vector<1024xf32>
    %broadcast_in_dim3A_163 = vector.shape_cast %reduce_sum3A_162 : vector<1024xf32> to vector<1024x1xf32>
    %add3A_164 = vector.broadcast %broadcast_in_dim3A_163 : vector<1024x1xf32> to vector<1024x512xf32>
    %add3A_165 = vector.broadcast %mul3A_5 : vector<1x512xf32> to vector<1024x512xf32>
    %add3A_166 = arith.addf %add3A_164, %add3A_165 : vector<1024x512xf32>
    %add3A_167 = arith.addf %add3A_166, %dot_general3A_159 : vector<1024x512xf32>
    %reduce_min3A_168 = arith.constant dense<0x7F800000> : vector<1024xf32>
    %reduce_min3A_169 = vector.multi_reduction <minimumf>, %add3A_167, %reduce_min3A_168 [1] : vector<1024x512xf32> to vector<1024xf32>
    %broadcast_in_dim3A_170 = vector.shape_cast %reduce_min3A_169 : vector<1024xf32> to vector<1024x1xf32>
    %iota3A_171 = tpu.iota {dimensions = array<i32: 1>} : vector<1024x512xi32>
    %eq3A_172 = vector.broadcast %broadcast_in_dim3A_170 : vector<1024x1xf32> to vector<1024x512xf32>
    %eq3A_173 = arith.cmpf oeq, %add3A_167, %eq3A_172 : vector<1024x512xf32>
    %jit3A_174 = arith.constant 511 : i32
    %broadcast_in_dim3A_175 = vector.broadcast %jit3A_174 : i32 to vector<1024x512xi32>
    %select_n3A_176 = arith.select %eq3A_173, %iota3A_171, %broadcast_in_dim3A_175 : vector<1024x512xi1>, vector<1024x512xi32>
    %reduce_min3A_177 = arith.constant dense<2147483647> : vector<1024xi32>
    %reduce_min3A_178 = vector.multi_reduction <minsi>, %select_n3A_176, %reduce_min3A_177 [1] : vector<1024x512xi32> to vector<1024xi32>
    %swap3A_179 = arith.constant 5 : index
    %swap3A_180 = arith.constant 0 : index
    %swap3A_181 = vector.load %arg3[%swap3A_179, %swap3A_180] : memref<8x1024xi32, #tpu.memory_space<vmem>>, vector<1x1024xi32>
    %swap3A_182 = vector.shape_cast %swap3A_181 : vector<1x1024xi32> to vector<1024xi32>
    %swap3A_183 = vector.shape_cast %reduce_min3A_178 : vector<1024xi32> to vector<1x1024xi32>
    tpu.vector_store %arg3[%swap3A_179, %swap3A_180], %swap3A_183 {strides = array<i32>} : memref<8x1024xi32, #tpu.memory_space<vmem>>, vector<1x1024xi32>,
    %get3A_184 = arith.constant 6 : index
    %get3A_185 = arith.constant 0 : index
    %get3A_186 = arith.constant 0 : index
    %get3A_187 = vector.load %arg1[%get3A_184, %get3A_185, %get3A_186] : memref<8x64x1024xf32, #tpu.memory_space<vmem>>, vector<1x64x1024xf32>
    %get3A_188 = vector.shape_cast %get3A_187 : vector<1x64x1024xf32> to vector<64x1024xf32>
    %dot_general3A_189 = arith.constant dense<0.000000e+00> : vector<1024x512xf32>
    %dot_general3A_190 = tpu.matmul %get3A_188, %get3A_1, %dot_general3A_189 {dimension_numbers = #tpu.dot_dimension_numbers<[0], [1], [1], [0], [0, 1, 1, 0], [], []>, transpose_lhs_hint = false} : vector<64x1024xf32>, vector<512x64xf32>, vector<1024x512xf32> -> vector<1024x512xf32>
    %mul3A_191 = arith.mulf %get3A_188, %get3A_188 : vector<64x1024xf32>
    %reduce_sum3A_192 = arith.constant dense<0.000000e+00> : vector<1024xf32>
    %reduce_sum3A_193 = vector.multi_reduction <add>, %mul3A_191, %reduce_sum3A_192 [0] : vector<64x1024xf32> to vector<1024xf32>
    %broadcast_in_dim3A_194 = vector.shape_cast %reduce_sum3A_193 : vector<1024xf32> to vector<1024x1xf32>
    %add3A_195 = vector.broadcast %broadcast_in_dim3A_194 : vector<1024x1xf32> to vector<1024x512xf32>
    %add3A_196 = vector.broadcast %mul3A_5 : vector<1x512xf32> to vector<1024x512xf32>
    %add3A_197 = arith.addf %add3A_195, %add3A_196 : vector<1024x512xf32>
    %add3A_198 = arith.addf %add3A_197, %dot_general3A_190 : vector<1024x512xf32>
    %reduce_min3A_199 = arith.constant dense<0x7F800000> : vector<1024xf32>
    %reduce_min3A_200 = vector.multi_reduction <minimumf>, %add3A_198, %reduce_min3A_199 [1] : vector<1024x512xf32> to vector<1024xf32>
    %broadcast_in_dim3A_201 = vector.shape_cast %reduce_min3A_200 : vector<1024xf32> to vector<1024x1xf32>
    %iota3A_202 = tpu.iota {dimensions = array<i32: 1>} : vector<1024x512xi32>
    %eq3A_203 = vector.broadcast %broadcast_in_dim3A_201 : vector<1024x1xf32> to vector<1024x512xf32>
    %eq3A_204 = arith.cmpf oeq, %add3A_198, %eq3A_203 : vector<1024x512xf32>
    %jit3A_205 = arith.constant 511 : i32
    %broadcast_in_dim3A_206 = vector.broadcast %jit3A_205 : i32 to vector<1024x512xi32>
    %select_n3A_207 = arith.select %eq3A_204, %iota3A_202, %broadcast_in_dim3A_206 : vector<1024x512xi1>, vector<1024x512xi32>
    %reduce_min3A_208 = arith.constant dense<2147483647> : vector<1024xi32>
    %reduce_min3A_209 = vector.multi_reduction <minsi>, %select_n3A_207, %reduce_min3A_208 [1] : vector<1024x512xi32> to vector<1024xi32>
    %swap3A_210 = arith.constant 6 : index
    %swap3A_211 = arith.constant 0 : index
    %swap3A_212 = vector.load %arg3[%swap3A_210, %swap3A_211] : memref<8x1024xi32, #tpu.memory_space<vmem>>, vector<1x1024xi32>
    %swap3A_213 = vector.shape_cast %swap3A_212 : vector<1x1024xi32> to vector<1024xi32>
    %swap3A_214 = vector.shape_cast %reduce_min3A_209 : vector<1024xi32> to vector<1x1024xi32>
    tpu.vector_store %arg3[%swap3A_210, %swap3A_211], %swap3A_214 {strides = array<i32>} : memref<8x1024xi32, #tpu.memory_space<vmem>>, vector<1x1024xi32>,
    %get3A_215 = arith.constant 7 : index
    %get3A_216 = arith.constant 0 : index
    %get3A_217 = arith.constant 0 : index
    %get3A_218 = vector.load %arg1[%get3A_215, %get3A_216, %get3A_217] : memref<8x64x1024xf32, #tpu.memory_space<vmem>>, vector<1x64x1024xf32>
    %get3A_219 = vector.shape_cast %get3A_218 : vector<1x64x1024xf32> to vector<64x1024xf32>
    %dot_general3A_220 = arith.constant dense<0.000000e+00> : vector<1024x512xf32>
    %dot_general3A_221 = tpu.matmul %get3A_219, %get3A_1, %dot_general3A_220 {dimension_numbers = #tpu.dot_dimension_numbers<[0], [1], [1], [0], [0, 1, 1, 0], [], []>, transpose_lhs_hint = false} : vector<64x1024xf32>, vector<512x64xf32>, vector<1024x512xf32> -> vector<1024x512xf32>
    %mul3A_222 = arith.mulf %get3A_219, %get3A_219 : vector<64x1024xf32>
    %reduce_sum3A_223 = arith.constant dense<0.000000e+00> : vector<1024xf32>
    %reduce_sum3A_224 = vector.multi_reduction <add>, %mul3A_222, %reduce_sum3A_223 [0] : vector<64x1024xf32> to vector<1024xf32>
    %broadcast_in_dim3A_225 = vector.shape_cast %reduce_sum3A_224 : vector<1024xf32> to vector<1024x1xf32>
    %add3A_226 = vector.broadcast %broadcast_in_dim3A_225 : vector<1024x1xf32> to vector<1024x512xf32>
    %add3A_227 = vector.broadcast %mul3A_5 : vector<1x512xf32> to vector<1024x512xf32>
    %add3A_228 = arith.addf %add3A_226, %add3A_227 : vector<1024x512xf32>
    %add3A_229 = arith.addf %add3A_228, %dot_general3A_221 : vector<1024x512xf32>
    %reduce_min3A_230 = arith.constant dense<0x7F800000> : vector<1024xf32>
    %reduce_min3A_231 = vector.multi_reduction <minimumf>, %add3A_229, %reduce_min3A_230 [1] : vector<1024x512xf32> to vector<1024xf32>
    %broadcast_in_dim3A_232 = vector.shape_cast %reduce_min3A_231 : vector<1024xf32> to vector<1024x1xf32>
    %iota3A_233 = tpu.iota {dimensions = array<i32: 1>} : vector<1024x512xi32>
    %eq3A_234 = vector.broadcast %broadcast_in_dim3A_232 : vector<1024x1xf32> to vector<1024x512xf32>
    %eq3A_235 = arith.cmpf oeq, %add3A_229, %eq3A_234 : vector<1024x512xf32>
    %jit3A_236 = arith.constant 511 : i32
    %broadcast_in_dim3A_237 = vector.broadcast %jit3A_236 : i32 to vector<1024x512xi32>
    %select_n3A_238 = arith.select %eq3A_235, %iota3A_233, %broadcast_in_dim3A_237 : vector<1024x512xi1>, vector<1024x512xi32>
    %reduce_min3A_239 = arith.constant dense<2147483647> : vector<1024xi32>
    %reduce_min3A_240 = vector.multi_reduction <minsi>, %select_n3A_238, %reduce_min3A_239 [1] : vector<1024x512xi32> to vector<1024xi32>
    %swap3A_241 = arith.constant 7 : index
    %swap3A_242 = arith.constant 0 : index
    %swap3A_243 = vector.load %arg3[%swap3A_241, %swap3A_242] : memref<8x1024xi32, #tpu.memory_space<vmem>>, vector<1x1024xi32>
    %swap3A_244 = vector.shape_cast %swap3A_243 : vector<1x1024xi32> to vector<1024xi32>
    %swap3A_245 = vector.shape_cast %reduce_min3A_240 : vector<1024xi32> to vector<1x1024xi32>
    tpu.vector_store %arg3[%swap3A_241, %swap3A_242], %swap3A_245 {strides = array<i32>} : memref<8x1024xi32, #tpu.memory_space<vmem>>, vector<1x1024xi32>,
    return
  }
  func.func @transform_0(%arg0: i32) -> (i32, i32, i32) {
    %add3A = arith.constant 16 : i32
    %add3A_0 = arith.addi %arg0, %add3A : i32
    %c0_i32 = arith.constant 0 : i32
    %c0_i32_1 = arith.constant 0 : i32
    %c0_i32_2 = arith.constant 0 : i32
    return %add3A_0, %c0_i32, %c0_i32_1 : i32, i32, i32
  }
  func.func @transform_1(%arg0: i32) -> (i32, i32) {
    %c0_i32 = arith.constant 0 : i32
    %c0_i32_0 = arith.constant 0 : i32
    %c0_i32_1 = arith.constant 0 : i32
    return %c0_i32, %c0_i32_0 : i32, i32
  }
  func.func @transform_2(%arg0: i32) -> (i32, i32) {
    %c0_i32 = arith.constant 0 : i32
    %c0_i32_0 = arith.constant 0 : i32
    return %arg0, %c0_i32 : i32, i32
  }
}

module attributes {stable_mosaic.version = 14 : i64} {
  func.func @_idx_body(%arg0: i32, %arg1: memref<8x64x1024xf32, #tpu.memory_space<vmem>>, %arg2: memref<512x64xf32, #tpu.memory_space<vmem>>, %arg3: memref<8x1024xi32, #tpu.memory_space<vmem>>) attributes {dimension_semantics = [#tpu.dimension_semantics<arbitrary>], iteration_bounds = array<i64: 8>, scalar_prefetch = 0 : i64, scratch_operands = 0 : i64, tpu.core_type = #tpu.core_type<tc>, window_params = [{transform_indices = @transform_0, window_bounds = array<i64: 8, 64, 1024>}, {pipeline_mode = #tpu.pipeline_mode<synchronous>, transform_indices = @transform_1, window_bounds = array<i64: 512, 64>}, {transform_indices = @transform_2, window_bounds = array<i64: 8, 1024>}]} {
    %get3A = arith.constant 0 : index
    %get3A_0 = arith.constant 0 : index
    %get3A_1 = vector.load %arg2[%get3A, %get3A_0] : memref<512x64xf32, #tpu.memory_space<vmem>>, vector<512x64xf32>
    %mul3A = arith.mulf %get3A_1, %get3A_1 : vector<512x64xf32>
    %reduce_sum3A = arith.constant dense<0.000000e+00> : vector<512xf32>
    %reduce_sum3A_2 = vector.multi_reduction <add>, %mul3A, %reduce_sum3A [1] : vector<512x64xf32> to vector<512xf32>
    %broadcast_in_dim3A = vector.shape_cast %reduce_sum3A_2 : vector<512xf32> to vector<1x512xf32>
    %mul3A_3 = arith.constant 2.500000e-01 : f32
    %mul3A_4 = vector.broadcast %mul3A_3 : f32 to vector<1x512xf32>
    %mul3A_5 = arith.mulf %broadcast_in_dim3A, %mul3A_4 : vector<1x512xf32>
    %get3A_6 = arith.constant 0 : index
    %get3A_7 = arith.constant 0 : index
    %get3A_8 = arith.constant 0 : index
    %get3A_9 = vector.load %arg1[%get3A_6, %get3A_7, %get3A_8] : memref<8x64x1024xf32, #tpu.memory_space<vmem>>, vector<1x64x1024xf32>
    %get3A_10 = vector.shape_cast %get3A_9 : vector<1x64x1024xf32> to vector<64x1024xf32>
    %dot_general3A = arith.constant dense<0.000000e+00> : vector<1024x512xf32>
    %dot_general3A_11 = tpu.matmul %get3A_10, %get3A_1, %dot_general3A {dimension_numbers = #tpu.dot_dimension_numbers<[0], [1], [1], [0], [0, 1, 1, 0], [], []>, transpose_lhs_hint = false} : vector<64x1024xf32>, vector<512x64xf32>, vector<1024x512xf32> -> vector<1024x512xf32>
    %mul3A_12 = arith.mulf %get3A_10, %get3A_10 : vector<64x1024xf32>
    %reduce_sum3A_13 = arith.constant dense<0.000000e+00> : vector<1024xf32>
    %reduce_sum3A_14 = vector.multi_reduction <add>, %mul3A_12, %reduce_sum3A_13 [0] : vector<64x1024xf32> to vector<1024xf32>
    %broadcast_in_dim3A_15 = vector.shape_cast %reduce_sum3A_14 : vector<1024xf32> to vector<1024x1xf32>
    %add3A = vector.broadcast %broadcast_in_dim3A_15 : vector<1024x1xf32> to vector<1024x512xf32>
    %add3A_16 = vector.broadcast %mul3A_5 : vector<1x512xf32> to vector<1024x512xf32>
    %add3A_17 = arith.addf %add3A, %add3A_16 : vector<1024x512xf32>
    %add3A_18 = arith.addf %add3A_17, %dot_general3A_11 : vector<1024x512xf32>
    %reduce_min3A = arith.constant dense<0x7F800000> : vector<1024xf32>
    %reduce_min3A_19 = vector.multi_reduction <minimumf>, %add3A_18, %reduce_min3A [1] : vector<1024x512xf32> to vector<1024xf32>
    %broadcast_in_dim3A_20 = vector.shape_cast %reduce_min3A_19 : vector<1024xf32> to vector<1024x1xf32>
    %iota3A = tpu.iota {dimensions = array<i32: 1>} : vector<1024x512xi32>
    %eq3A = vector.broadcast %broadcast_in_dim3A_20 : vector<1024x1xf32> to vector<1024x512xf32>
    %eq3A_21 = arith.cmpf oeq, %add3A_18, %eq3A : vector<1024x512xf32>
    %jit3A = arith.constant 511 : i32
    %broadcast_in_dim3A_22 = vector.broadcast %jit3A : i32 to vector<1024x512xi32>
    %select_n3A = arith.select %eq3A_21, %iota3A, %broadcast_in_dim3A_22 : vector<1024x512xi1>, vector<1024x512xi32>
    %reduce_min3A_23 = arith.constant dense<2147483647> : vector<1024xi32>
    %reduce_min3A_24 = vector.multi_reduction <minsi>, %select_n3A, %reduce_min3A_23 [1] : vector<1024x512xi32> to vector<1024xi32>
    %swap3A = arith.constant 0 : index
    %swap3A_25 = arith.constant 0 : index
    %swap3A_26 = vector.load %arg3[%swap3A, %swap3A_25] : memref<8x1024xi32, #tpu.memory_space<vmem>>, vector<1x1024xi32>
    %swap3A_27 = vector.shape_cast %swap3A_26 : vector<1x1024xi32> to vector<1024xi32>
    %swap3A_28 = vector.shape_cast %reduce_min3A_24 : vector<1024xi32> to vector<1x1024xi32>
    tpu.vector_store %arg3[%swap3A, %swap3A_25], %swap3A_28 {strides = array<i32>} : memref<8x1024xi32, #tpu.memory_space<vmem>>, vector<1x1024xi32>,
    %get3A_29 = arith.constant 1 : index
    %get3A_30 = arith.constant 0 : index
    %get3A_31 = arith.constant 0 : index
    %get3A_32 = vector.load %arg1[%get3A_29, %get3A_30, %get3A_31] : memref<8x64x1024xf32, #tpu.memory_space<vmem>>, vector<1x64x1024xf32>
    %get3A_33 = vector.shape_cast %get3A_32 : vector<1x64x1024xf32> to vector<64x1024xf32>
    %dot_general3A_34 = arith.constant dense<0.000000e+00> : vector<1024x512xf32>
    %dot_general3A_35 = tpu.matmul %get3A_33, %get3A_1, %dot_general3A_34 {dimension_numbers = #tpu.dot_dimension_numbers<[0], [1], [1], [0], [0, 1, 1, 0], [], []>, transpose_lhs_hint = false} : vector<64x1024xf32>, vector<512x64xf32>, vector<1024x512xf32> -> vector<1024x512xf32>
    %mul3A_36 = arith.mulf %get3A_33, %get3A_33 : vector<64x1024xf32>
    %reduce_sum3A_37 = arith.constant dense<0.000000e+00> : vector<1024xf32>
    %reduce_sum3A_38 = vector.multi_reduction <add>, %mul3A_36, %reduce_sum3A_37 [0] : vector<64x1024xf32> to vector<1024xf32>
    %broadcast_in_dim3A_39 = vector.shape_cast %reduce_sum3A_38 : vector<1024xf32> to vector<1024x1xf32>
    %add3A_40 = vector.broadcast %broadcast_in_dim3A_39 : vector<1024x1xf32> to vector<1024x512xf32>
    %add3A_41 = vector.broadcast %mul3A_5 : vector<1x512xf32> to vector<1024x512xf32>
    %add3A_42 = arith.addf %add3A_40, %add3A_41 : vector<1024x512xf32>
    %add3A_43 = arith.addf %add3A_42, %dot_general3A_35 : vector<1024x512xf32>
    %reduce_min3A_44 = arith.constant dense<0x7F800000> : vector<1024xf32>
    %reduce_min3A_45 = vector.multi_reduction <minimumf>, %add3A_43, %reduce_min3A_44 [1] : vector<1024x512xf32> to vector<1024xf32>
    %broadcast_in_dim3A_46 = vector.shape_cast %reduce_min3A_45 : vector<1024xf32> to vector<1024x1xf32>
    %iota3A_47 = tpu.iota {dimensions = array<i32: 1>} : vector<1024x512xi32>
    %eq3A_48 = vector.broadcast %broadcast_in_dim3A_46 : vector<1024x1xf32> to vector<1024x512xf32>
    %eq3A_49 = arith.cmpf oeq, %add3A_43, %eq3A_48 : vector<1024x512xf32>
    %jit3A_50 = arith.constant 511 : i32
    %broadcast_in_dim3A_51 = vector.broadcast %jit3A_50 : i32 to vector<1024x512xi32>
    %select_n3A_52 = arith.select %eq3A_49, %iota3A_47, %broadcast_in_dim3A_51 : vector<1024x512xi1>, vector<1024x512xi32>
    %reduce_min3A_53 = arith.constant dense<2147483647> : vector<1024xi32>
    %reduce_min3A_54 = vector.multi_reduction <minsi>, %select_n3A_52, %reduce_min3A_53 [1] : vector<1024x512xi32> to vector<1024xi32>
    %swap3A_55 = arith.constant 1 : index
    %swap3A_56 = arith.constant 0 : index
    %swap3A_57 = vector.load %arg3[%swap3A_55, %swap3A_56] : memref<8x1024xi32, #tpu.memory_space<vmem>>, vector<1x1024xi32>
    %swap3A_58 = vector.shape_cast %swap3A_57 : vector<1x1024xi32> to vector<1024xi32>
    %swap3A_59 = vector.shape_cast %reduce_min3A_54 : vector<1024xi32> to vector<1x1024xi32>
    tpu.vector_store %arg3[%swap3A_55, %swap3A_56], %swap3A_59 {strides = array<i32>} : memref<8x1024xi32, #tpu.memory_space<vmem>>, vector<1x1024xi32>,
    %get3A_60 = arith.constant 2 : index
    %get3A_61 = arith.constant 0 : index
    %get3A_62 = arith.constant 0 : index
    %get3A_63 = vector.load %arg1[%get3A_60, %get3A_61, %get3A_62] : memref<8x64x1024xf32, #tpu.memory_space<vmem>>, vector<1x64x1024xf32>
    %get3A_64 = vector.shape_cast %get3A_63 : vector<1x64x1024xf32> to vector<64x1024xf32>
    %dot_general3A_65 = arith.constant dense<0.000000e+00> : vector<1024x512xf32>
    %dot_general3A_66 = tpu.matmul %get3A_64, %get3A_1, %dot_general3A_65 {dimension_numbers = #tpu.dot_dimension_numbers<[0], [1], [1], [0], [0, 1, 1, 0], [], []>, transpose_lhs_hint = false} : vector<64x1024xf32>, vector<512x64xf32>, vector<1024x512xf32> -> vector<1024x512xf32>
    %mul3A_67 = arith.mulf %get3A_64, %get3A_64 : vector<64x1024xf32>
    %reduce_sum3A_68 = arith.constant dense<0.000000e+00> : vector<1024xf32>
    %reduce_sum3A_69 = vector.multi_reduction <add>, %mul3A_67, %reduce_sum3A_68 [0] : vector<64x1024xf32> to vector<1024xf32>
    %broadcast_in_dim3A_70 = vector.shape_cast %reduce_sum3A_69 : vector<1024xf32> to vector<1024x1xf32>
    %add3A_71 = vector.broadcast %broadcast_in_dim3A_70 : vector<1024x1xf32> to vector<1024x512xf32>
    %add3A_72 = vector.broadcast %mul3A_5 : vector<1x512xf32> to vector<1024x512xf32>
    %add3A_73 = arith.addf %add3A_71, %add3A_72 : vector<1024x512xf32>
    %add3A_74 = arith.addf %add3A_73, %dot_general3A_66 : vector<1024x512xf32>
    %reduce_min3A_75 = arith.constant dense<0x7F800000> : vector<1024xf32>
    %reduce_min3A_76 = vector.multi_reduction <minimumf>, %add3A_74, %reduce_min3A_75 [1] : vector<1024x512xf32> to vector<1024xf32>
    %broadcast_in_dim3A_77 = vector.shape_cast %reduce_min3A_76 : vector<1024xf32> to vector<1024x1xf32>
    %iota3A_78 = tpu.iota {dimensions = array<i32: 1>} : vector<1024x512xi32>
    %eq3A_79 = vector.broadcast %broadcast_in_dim3A_77 : vector<1024x1xf32> to vector<1024x512xf32>
    %eq3A_80 = arith.cmpf oeq, %add3A_74, %eq3A_79 : vector<1024x512xf32>
    %jit3A_81 = arith.constant 511 : i32
    %broadcast_in_dim3A_82 = vector.broadcast %jit3A_81 : i32 to vector<1024x512xi32>
    %select_n3A_83 = arith.select %eq3A_80, %iota3A_78, %broadcast_in_dim3A_82 : vector<1024x512xi1>, vector<1024x512xi32>
    %reduce_min3A_84 = arith.constant dense<2147483647> : vector<1024xi32>
    %reduce_min3A_85 = vector.multi_reduction <minsi>, %select_n3A_83, %reduce_min3A_84 [1] : vector<1024x512xi32> to vector<1024xi32>
    %swap3A_86 = arith.constant 2 : index
    %swap3A_87 = arith.constant 0 : index
    %swap3A_88 = vector.load %arg3[%swap3A_86, %swap3A_87] : memref<8x1024xi32, #tpu.memory_space<vmem>>, vector<1x1024xi32>
    %swap3A_89 = vector.shape_cast %swap3A_88 : vector<1x1024xi32> to vector<1024xi32>
    %swap3A_90 = vector.shape_cast %reduce_min3A_85 : vector<1024xi32> to vector<1x1024xi32>
    tpu.vector_store %arg3[%swap3A_86, %swap3A_87], %swap3A_90 {strides = array<i32>} : memref<8x1024xi32, #tpu.memory_space<vmem>>, vector<1x1024xi32>,
    %get3A_91 = arith.constant 3 : index
    %get3A_92 = arith.constant 0 : index
    %get3A_93 = arith.constant 0 : index
    %get3A_94 = vector.load %arg1[%get3A_91, %get3A_92, %get3A_93] : memref<8x64x1024xf32, #tpu.memory_space<vmem>>, vector<1x64x1024xf32>
    %get3A_95 = vector.shape_cast %get3A_94 : vector<1x64x1024xf32> to vector<64x1024xf32>
    %dot_general3A_96 = arith.constant dense<0.000000e+00> : vector<1024x512xf32>
    %dot_general3A_97 = tpu.matmul %get3A_95, %get3A_1, %dot_general3A_96 {dimension_numbers = #tpu.dot_dimension_numbers<[0], [1], [1], [0], [0, 1, 1, 0], [], []>, transpose_lhs_hint = false} : vector<64x1024xf32>, vector<512x64xf32>, vector<1024x512xf32> -> vector<1024x512xf32>
    %mul3A_98 = arith.mulf %get3A_95, %get3A_95 : vector<64x1024xf32>
    %reduce_sum3A_99 = arith.constant dense<0.000000e+00> : vector<1024xf32>
    %reduce_sum3A_100 = vector.multi_reduction <add>, %mul3A_98, %reduce_sum3A_99 [0] : vector<64x1024xf32> to vector<1024xf32>
    %broadcast_in_dim3A_101 = vector.shape_cast %reduce_sum3A_100 : vector<1024xf32> to vector<1024x1xf32>
    %add3A_102 = vector.broadcast %broadcast_in_dim3A_101 : vector<1024x1xf32> to vector<1024x512xf32>
    %add3A_103 = vector.broadcast %mul3A_5 : vector<1x512xf32> to vector<1024x512xf32>
    %add3A_104 = arith.addf %add3A_102, %add3A_103 : vector<1024x512xf32>
    %add3A_105 = arith.addf %add3A_104, %dot_general3A_97 : vector<1024x512xf32>
    %reduce_min3A_106 = arith.constant dense<0x7F800000> : vector<1024xf32>
    %reduce_min3A_107 = vector.multi_reduction <minimumf>, %add3A_105, %reduce_min3A_106 [1] : vector<1024x512xf32> to vector<1024xf32>
    %broadcast_in_dim3A_108 = vector.shape_cast %reduce_min3A_107 : vector<1024xf32> to vector<1024x1xf32>
    %iota3A_109 = tpu.iota {dimensions = array<i32: 1>} : vector<1024x512xi32>
    %eq3A_110 = vector.broadcast %broadcast_in_dim3A_108 : vector<1024x1xf32> to vector<1024x512xf32>
    %eq3A_111 = arith.cmpf oeq, %add3A_105, %eq3A_110 : vector<1024x512xf32>
    %jit3A_112 = arith.constant 511 : i32
    %broadcast_in_dim3A_113 = vector.broadcast %jit3A_112 : i32 to vector<1024x512xi32>
    %select_n3A_114 = arith.select %eq3A_111, %iota3A_109, %broadcast_in_dim3A_113 : vector<1024x512xi1>, vector<1024x512xi32>
    %reduce_min3A_115 = arith.constant dense<2147483647> : vector<1024xi32>
    %reduce_min3A_116 = vector.multi_reduction <minsi>, %select_n3A_114, %reduce_min3A_115 [1] : vector<1024x512xi32> to vector<1024xi32>
    %swap3A_117 = arith.constant 3 : index
    %swap3A_118 = arith.constant 0 : index
    %swap3A_119 = vector.load %arg3[%swap3A_117, %swap3A_118] : memref<8x1024xi32, #tpu.memory_space<vmem>>, vector<1x1024xi32>
    %swap3A_120 = vector.shape_cast %swap3A_119 : vector<1x1024xi32> to vector<1024xi32>
    %swap3A_121 = vector.shape_cast %reduce_min3A_116 : vector<1024xi32> to vector<1x1024xi32>
    tpu.vector_store %arg3[%swap3A_117, %swap3A_118], %swap3A_121 {strides = array<i32>} : memref<8x1024xi32, #tpu.memory_space<vmem>>, vector<1x1024xi32>,
    %get3A_122 = arith.constant 4 : index
    %get3A_123 = arith.constant 0 : index
    %get3A_124 = arith.constant 0 : index
    %get3A_125 = vector.load %arg1[%get3A_122, %get3A_123, %get3A_124] : memref<8x64x1024xf32, #tpu.memory_space<vmem>>, vector<1x64x1024xf32>
    %get3A_126 = vector.shape_cast %get3A_125 : vector<1x64x1024xf32> to vector<64x1024xf32>
    %dot_general3A_127 = arith.constant dense<0.000000e+00> : vector<1024x512xf32>
    %dot_general3A_128 = tpu.matmul %get3A_126, %get3A_1, %dot_general3A_127 {dimension_numbers = #tpu.dot_dimension_numbers<[0], [1], [1], [0], [0, 1, 1, 0], [], []>, transpose_lhs_hint = false} : vector<64x1024xf32>, vector<512x64xf32>, vector<1024x512xf32> -> vector<1024x512xf32>
    %mul3A_129 = arith.mulf %get3A_126, %get3A_126 : vector<64x1024xf32>
    %reduce_sum3A_130 = arith.constant dense<0.000000e+00> : vector<1024xf32>
    %reduce_sum3A_131 = vector.multi_reduction <add>, %mul3A_129, %reduce_sum3A_130 [0] : vector<64x1024xf32> to vector<1024xf32>
    %broadcast_in_dim3A_132 = vector.shape_cast %reduce_sum3A_131 : vector<1024xf32> to vector<1024x1xf32>
    %add3A_133 = vector.broadcast %broadcast_in_dim3A_132 : vector<1024x1xf32> to vector<1024x512xf32>
    %add3A_134 = vector.broadcast %mul3A_5 : vector<1x512xf32> to vector<1024x512xf32>
    %add3A_135 = arith.addf %add3A_133, %add3A_134 : vector<1024x512xf32>
    %add3A_136 = arith.addf %add3A_135, %dot_general3A_128 : vector<1024x512xf32>
    %reduce_min3A_137 = arith.constant dense<0x7F800000> : vector<1024xf32>
    %reduce_min3A_138 = vector.multi_reduction <minimumf>, %add3A_136, %reduce_min3A_137 [1] : vector<1024x512xf32> to vector<1024xf32>
    %broadcast_in_dim3A_139 = vector.shape_cast %reduce_min3A_138 : vector<1024xf32> to vector<1024x1xf32>
    %iota3A_140 = tpu.iota {dimensions = array<i32: 1>} : vector<1024x512xi32>
    %eq3A_141 = vector.broadcast %broadcast_in_dim3A_139 : vector<1024x1xf32> to vector<1024x512xf32>
    %eq3A_142 = arith.cmpf oeq, %add3A_136, %eq3A_141 : vector<1024x512xf32>
    %jit3A_143 = arith.constant 511 : i32
    %broadcast_in_dim3A_144 = vector.broadcast %jit3A_143 : i32 to vector<1024x512xi32>
    %select_n3A_145 = arith.select %eq3A_142, %iota3A_140, %broadcast_in_dim3A_144 : vector<1024x512xi1>, vector<1024x512xi32>
    %reduce_min3A_146 = arith.constant dense<2147483647> : vector<1024xi32>
    %reduce_min3A_147 = vector.multi_reduction <minsi>, %select_n3A_145, %reduce_min3A_146 [1] : vector<1024x512xi32> to vector<1024xi32>
    %swap3A_148 = arith.constant 4 : index
    %swap3A_149 = arith.constant 0 : index
    %swap3A_150 = vector.load %arg3[%swap3A_148, %swap3A_149] : memref<8x1024xi32, #tpu.memory_space<vmem>>, vector<1x1024xi32>
    %swap3A_151 = vector.shape_cast %swap3A_150 : vector<1x1024xi32> to vector<1024xi32>
    %swap3A_152 = vector.shape_cast %reduce_min3A_147 : vector<1024xi32> to vector<1x1024xi32>
    tpu.vector_store %arg3[%swap3A_148, %swap3A_149], %swap3A_152 {strides = array<i32>} : memref<8x1024xi32, #tpu.memory_space<vmem>>, vector<1x1024xi32>,
    %get3A_153 = arith.constant 5 : index
    %get3A_154 = arith.constant 0 : index
    %get3A_155 = arith.constant 0 : index
    %get3A_156 = vector.load %arg1[%get3A_153, %get3A_154, %get3A_155] : memref<8x64x1024xf32, #tpu.memory_space<vmem>>, vector<1x64x1024xf32>
    %get3A_157 = vector.shape_cast %get3A_156 : vector<1x64x1024xf32> to vector<64x1024xf32>
    %dot_general3A_158 = arith.constant dense<0.000000e+00> : vector<1024x512xf32>
    %dot_general3A_159 = tpu.matmul %get3A_157, %get3A_1, %dot_general3A_158 {dimension_numbers = #tpu.dot_dimension_numbers<[0], [1], [1], [0], [0, 1, 1, 0], [], []>, transpose_lhs_hint = false} : vector<64x1024xf32>, vector<512x64xf32>, vector<1024x512xf32> -> vector<1024x512xf32>
    %mul3A_160 = arith.mulf %get3A_157, %get3A_157 : vector<64x1024xf32>
    %reduce_sum3A_161 = arith.constant dense<0.000000e+00> : vector<1024xf32>
    %reduce_sum3A_162 = vector.multi_reduction <add>, %mul3A_160, %reduce_sum3A_161 [0] : vector<64x1024xf32> to vector<1024xf32>
    %broadcast_in_dim3A_163 = vector.shape_cast %reduce_sum3A_162 : vector<1024xf32> to vector<1024x1xf32>
    %add3A_164 = vector.broadcast %broadcast_in_dim3A_163 : vector<1024x1xf32> to vector<1024x512xf32>
    %add3A_165 = vector.broadcast %mul3A_5 : vector<1x512xf32> to vector<1024x512xf32>
    %add3A_166 = arith.addf %add3A_164, %add3A_165 : vector<1024x512xf32>
    %add3A_167 = arith.addf %add3A_166, %dot_general3A_159 : vector<1024x512xf32>
    %reduce_min3A_168 = arith.constant dense<0x7F800000> : vector<1024xf32>
    %reduce_min3A_169 = vector.multi_reduction <minimumf>, %add3A_167, %reduce_min3A_168 [1] : vector<1024x512xf32> to vector<1024xf32>
    %broadcast_in_dim3A_170 = vector.shape_cast %reduce_min3A_169 : vector<1024xf32> to vector<1024x1xf32>
    %iota3A_171 = tpu.iota {dimensions = array<i32: 1>} : vector<1024x512xi32>
    %eq3A_172 = vector.broadcast %broadcast_in_dim3A_170 : vector<1024x1xf32> to vector<1024x512xf32>
    %eq3A_173 = arith.cmpf oeq, %add3A_167, %eq3A_172 : vector<1024x512xf32>
    %jit3A_174 = arith.constant 511 : i32
    %broadcast_in_dim3A_175 = vector.broadcast %jit3A_174 : i32 to vector<1024x512xi32>
    %select_n3A_176 = arith.select %eq3A_173, %iota3A_171, %broadcast_in_dim3A_175 : vector<1024x512xi1>, vector<1024x512xi32>
    %reduce_min3A_177 = arith.constant dense<2147483647> : vector<1024xi32>
    %reduce_min3A_178 = vector.multi_reduction <minsi>, %select_n3A_176, %reduce_min3A_177 [1] : vector<1024x512xi32> to vector<1024xi32>
    %swap3A_179 = arith.constant 5 : index
    %swap3A_180 = arith.constant 0 : index
    %swap3A_181 = vector.load %arg3[%swap3A_179, %swap3A_180] : memref<8x1024xi32, #tpu.memory_space<vmem>>, vector<1x1024xi32>
    %swap3A_182 = vector.shape_cast %swap3A_181 : vector<1x1024xi32> to vector<1024xi32>
    %swap3A_183 = vector.shape_cast %reduce_min3A_178 : vector<1024xi32> to vector<1x1024xi32>
    tpu.vector_store %arg3[%swap3A_179, %swap3A_180], %swap3A_183 {strides = array<i32>} : memref<8x1024xi32, #tpu.memory_space<vmem>>, vector<1x1024xi32>,
    %get3A_184 = arith.constant 6 : index
    %get3A_185 = arith.constant 0 : index
    %get3A_186 = arith.constant 0 : index
    %get3A_187 = vector.load %arg1[%get3A_184, %get3A_185, %get3A_186] : memref<8x64x1024xf32, #tpu.memory_space<vmem>>, vector<1x64x1024xf32>
    %get3A_188 = vector.shape_cast %get3A_187 : vector<1x64x1024xf32> to vector<64x1024xf32>
    %dot_general3A_189 = arith.constant dense<0.000000e+00> : vector<1024x512xf32>
    %dot_general3A_190 = tpu.matmul %get3A_188, %get3A_1, %dot_general3A_189 {dimension_numbers = #tpu.dot_dimension_numbers<[0], [1], [1], [0], [0, 1, 1, 0], [], []>, transpose_lhs_hint = false} : vector<64x1024xf32>, vector<512x64xf32>, vector<1024x512xf32> -> vector<1024x512xf32>
    %mul3A_191 = arith.mulf %get3A_188, %get3A_188 : vector<64x1024xf32>
    %reduce_sum3A_192 = arith.constant dense<0.000000e+00> : vector<1024xf32>
    %reduce_sum3A_193 = vector.multi_reduction <add>, %mul3A_191, %reduce_sum3A_192 [0] : vector<64x1024xf32> to vector<1024xf32>
    %broadcast_in_dim3A_194 = vector.shape_cast %reduce_sum3A_193 : vector<1024xf32> to vector<1024x1xf32>
    %add3A_195 = vector.broadcast %broadcast_in_dim3A_194 : vector<1024x1xf32> to vector<1024x512xf32>
    %add3A_196 = vector.broadcast %mul3A_5 : vector<1x512xf32> to vector<1024x512xf32>
    %add3A_197 = arith.addf %add3A_195, %add3A_196 : vector<1024x512xf32>
    %add3A_198 = arith.addf %add3A_197, %dot_general3A_190 : vector<1024x512xf32>
    %reduce_min3A_199 = arith.constant dense<0x7F800000> : vector<1024xf32>
    %reduce_min3A_200 = vector.multi_reduction <minimumf>, %add3A_198, %reduce_min3A_199 [1] : vector<1024x512xf32> to vector<1024xf32>
    %broadcast_in_dim3A_201 = vector.shape_cast %reduce_min3A_200 : vector<1024xf32> to vector<1024x1xf32>
    %iota3A_202 = tpu.iota {dimensions = array<i32: 1>} : vector<1024x512xi32>
    %eq3A_203 = vector.broadcast %broadcast_in_dim3A_201 : vector<1024x1xf32> to vector<1024x512xf32>
    %eq3A_204 = arith.cmpf oeq, %add3A_198, %eq3A_203 : vector<1024x512xf32>
    %jit3A_205 = arith.constant 511 : i32
    %broadcast_in_dim3A_206 = vector.broadcast %jit3A_205 : i32 to vector<1024x512xi32>
    %select_n3A_207 = arith.select %eq3A_204, %iota3A_202, %broadcast_in_dim3A_206 : vector<1024x512xi1>, vector<1024x512xi32>
    %reduce_min3A_208 = arith.constant dense<2147483647> : vector<1024xi32>
    %reduce_min3A_209 = vector.multi_reduction <minsi>, %select_n3A_207, %reduce_min3A_208 [1] : vector<1024x512xi32> to vector<1024xi32>
    %swap3A_210 = arith.constant 6 : index
    %swap3A_211 = arith.constant 0 : index
    %swap3A_212 = vector.load %arg3[%swap3A_210, %swap3A_211] : memref<8x1024xi32, #tpu.memory_space<vmem>>, vector<1x1024xi32>
    %swap3A_213 = vector.shape_cast %swap3A_212 : vector<1x1024xi32> to vector<1024xi32>
    %swap3A_214 = vector.shape_cast %reduce_min3A_209 : vector<1024xi32> to vector<1x1024xi32>
    tpu.vector_store %arg3[%swap3A_210, %swap3A_211], %swap3A_214 {strides = array<i32>} : memref<8x1024xi32, #tpu.memory_space<vmem>>, vector<1x1024xi32>,
    %get3A_215 = arith.constant 7 : index
    %get3A_216 = arith.constant 0 : index
    %get3A_217 = arith.constant 0 : index
    %get3A_218 = vector.load %arg1[%get3A_215, %get3A_216, %get3A_217] : memref<8x64x1024xf32, #tpu.memory_space<vmem>>, vector<1x64x1024xf32>
    %get3A_219 = vector.shape_cast %get3A_218 : vector<1x64x1024xf32> to vector<64x1024xf32>
    %dot_general3A_220 = arith.constant dense<0.000000e+00> : vector<1024x512xf32>
    %dot_general3A_221 = tpu.matmul %get3A_219, %get3A_1, %dot_general3A_220 {dimension_numbers = #tpu.dot_dimension_numbers<[0], [1], [1], [0], [0, 1, 1, 0], [], []>, transpose_lhs_hint = false} : vector<64x1024xf32>, vector<512x64xf32>, vector<1024x512xf32> -> vector<1024x512xf32>
    %mul3A_222 = arith.mulf %get3A_219, %get3A_219 : vector<64x1024xf32>
    %reduce_sum3A_223 = arith.constant dense<0.000000e+00> : vector<1024xf32>
    %reduce_sum3A_224 = vector.multi_reduction <add>, %mul3A_222, %reduce_sum3A_223 [0] : vector<64x1024xf32> to vector<1024xf32>
    %broadcast_in_dim3A_225 = vector.shape_cast %reduce_sum3A_224 : vector<1024xf32> to vector<1024x1xf32>
    %add3A_226 = vector.broadcast %broadcast_in_dim3A_225 : vector<1024x1xf32> to vector<1024x512xf32>
    %add3A_227 = vector.broadcast %mul3A_5 : vector<1x512xf32> to vector<1024x512xf32>
    %add3A_228 = arith.addf %add3A_226, %add3A_227 : vector<1024x512xf32>
    %add3A_229 = arith.addf %add3A_228, %dot_general3A_221 : vector<1024x512xf32>
    %reduce_min3A_230 = arith.constant dense<0x7F800000> : vector<1024xf32>
    %reduce_min3A_231 = vector.multi_reduction <minimumf>, %add3A_229, %reduce_min3A_230 [1] : vector<1024x512xf32> to vector<1024xf32>
    %broadcast_in_dim3A_232 = vector.shape_cast %reduce_min3A_231 : vector<1024xf32> to vector<1024x1xf32>
    %iota3A_233 = tpu.iota {dimensions = array<i32: 1>} : vector<1024x512xi32>
    %eq3A_234 = vector.broadcast %broadcast_in_dim3A_232 : vector<1024x1xf32> to vector<1024x512xf32>
    %eq3A_235 = arith.cmpf oeq, %add3A_229, %eq3A_234 : vector<1024x512xf32>
    %jit3A_236 = arith.constant 511 : i32
    %broadcast_in_dim3A_237 = vector.broadcast %jit3A_236 : i32 to vector<1024x512xi32>
    %select_n3A_238 = arith.select %eq3A_235, %iota3A_233, %broadcast_in_dim3A_237 : vector<1024x512xi1>, vector<1024x512xi32>
    %reduce_min3A_239 = arith.constant dense<2147483647> : vector<1024xi32>
    %reduce_min3A_240 = vector.multi_reduction <minsi>, %select_n3A_238, %reduce_min3A_239 [1] : vector<1024x512xi32> to vector<1024xi32>
    %swap3A_241 = arith.constant 7 : index
    %swap3A_242 = arith.constant 0 : index
    %swap3A_243 = vector.load %arg3[%swap3A_241, %swap3A_242] : memref<8x1024xi32, #tpu.memory_space<vmem>>, vector<1x1024xi32>
    %swap3A_244 = vector.shape_cast %swap3A_243 : vector<1x1024xi32> to vector<1024xi32>
    %swap3A_245 = vector.shape_cast %reduce_min3A_240 : vector<1024xi32> to vector<1x1024xi32>
    tpu.vector_store %arg3[%swap3A_241, %swap3A_242], %swap3A_245 {strides = array<i32>} : memref<8x1024xi32, #tpu.memory_space<vmem>>, vector<1x1024xi32>,
    return
  }
  func.func @transform_0(%arg0: i32) -> (i32, i32, i32) {
    %add3A = arith.constant 8 : i32
    %add3A_0 = arith.addi %arg0, %add3A : i32
    %c0_i32 = arith.constant 0 : i32
    %c0_i32_1 = arith.constant 0 : i32
    %c0_i32_2 = arith.constant 0 : i32
    return %add3A_0, %c0_i32, %c0_i32_1 : i32, i32, i32
  }
  func.func @transform_1(%arg0: i32) -> (i32, i32) {
    %c0_i32 = arith.constant 0 : i32
    %c0_i32_0 = arith.constant 0 : i32
    %c0_i32_1 = arith.constant 0 : i32
    return %c0_i32, %c0_i32_0 : i32, i32
  }
  func.func @transform_2(%arg0: i32) -> (i32, i32) {
    %c0_i32 = arith.constant 0 : i32
    %c0_i32_0 = arith.constant 0 : i32
    return %arg0, %c0_i32 : i32, i32
  }
}

module attributes {stable_mosaic.version = 14 : i64} {
  func.func @_idx_body(%arg0: i32, %arg1: memref<8x64x1024xf32, #tpu.memory_space<vmem>>, %arg2: memref<512x64xf32, #tpu.memory_space<vmem>>, %arg3: memref<8x1024xi32, #tpu.memory_space<vmem>>) attributes {dimension_semantics = [#tpu.dimension_semantics<arbitrary>], iteration_bounds = array<i64: 8>, scalar_prefetch = 0 : i64, scratch_operands = 0 : i64, tpu.core_type = #tpu.core_type<tc>, window_params = [{transform_indices = @transform_0, window_bounds = array<i64: 8, 64, 1024>}, {pipeline_mode = #tpu.pipeline_mode<synchronous>, transform_indices = @transform_1, window_bounds = array<i64: 512, 64>}, {transform_indices = @transform_2, window_bounds = array<i64: 8, 1024>}]} {
    %get3A = arith.constant 0 : index
    %get3A_0 = arith.constant 0 : index
    %get3A_1 = vector.load %arg2[%get3A, %get3A_0] : memref<512x64xf32, #tpu.memory_space<vmem>>, vector<512x64xf32>
    %mul3A = arith.mulf %get3A_1, %get3A_1 : vector<512x64xf32>
    %reduce_sum3A = arith.constant dense<0.000000e+00> : vector<512xf32>
    %reduce_sum3A_2 = vector.multi_reduction <add>, %mul3A, %reduce_sum3A [1] : vector<512x64xf32> to vector<512xf32>
    %broadcast_in_dim3A = vector.shape_cast %reduce_sum3A_2 : vector<512xf32> to vector<1x512xf32>
    %mul3A_3 = arith.constant 2.500000e-01 : f32
    %mul3A_4 = vector.broadcast %mul3A_3 : f32 to vector<1x512xf32>
    %mul3A_5 = arith.mulf %broadcast_in_dim3A, %mul3A_4 : vector<1x512xf32>
    %get3A_6 = arith.constant 0 : index
    %get3A_7 = arith.constant 0 : index
    %get3A_8 = arith.constant 0 : index
    %get3A_9 = vector.load %arg1[%get3A_6, %get3A_7, %get3A_8] : memref<8x64x1024xf32, #tpu.memory_space<vmem>>, vector<1x64x1024xf32>
    %get3A_10 = vector.shape_cast %get3A_9 : vector<1x64x1024xf32> to vector<64x1024xf32>
    %dot_general3A = arith.constant dense<0.000000e+00> : vector<1024x512xf32>
    %dot_general3A_11 = tpu.matmul %get3A_10, %get3A_1, %dot_general3A {dimension_numbers = #tpu.dot_dimension_numbers<[0], [1], [1], [0], [0, 1, 1, 0], [], []>, transpose_lhs_hint = false} : vector<64x1024xf32>, vector<512x64xf32>, vector<1024x512xf32> -> vector<1024x512xf32>
    %mul3A_12 = arith.mulf %get3A_10, %get3A_10 : vector<64x1024xf32>
    %reduce_sum3A_13 = arith.constant dense<0.000000e+00> : vector<1024xf32>
    %reduce_sum3A_14 = vector.multi_reduction <add>, %mul3A_12, %reduce_sum3A_13 [0] : vector<64x1024xf32> to vector<1024xf32>
    %broadcast_in_dim3A_15 = vector.shape_cast %reduce_sum3A_14 : vector<1024xf32> to vector<1024x1xf32>
    %add3A = vector.broadcast %broadcast_in_dim3A_15 : vector<1024x1xf32> to vector<1024x512xf32>
    %add3A_16 = vector.broadcast %mul3A_5 : vector<1x512xf32> to vector<1024x512xf32>
    %add3A_17 = arith.addf %add3A, %add3A_16 : vector<1024x512xf32>
    %add3A_18 = arith.addf %add3A_17, %dot_general3A_11 : vector<1024x512xf32>
    %reduce_min3A = arith.constant dense<0x7F800000> : vector<1024xf32>
    %reduce_min3A_19 = vector.multi_reduction <minimumf>, %add3A_18, %reduce_min3A [1] : vector<1024x512xf32> to vector<1024xf32>
    %broadcast_in_dim3A_20 = vector.shape_cast %reduce_min3A_19 : vector<1024xf32> to vector<1024x1xf32>
    %iota3A = tpu.iota {dimensions = array<i32: 1>} : vector<1024x512xi32>
    %eq3A = vector.broadcast %broadcast_in_dim3A_20 : vector<1024x1xf32> to vector<1024x512xf32>
    %eq3A_21 = arith.cmpf oeq, %add3A_18, %eq3A : vector<1024x512xf32>
    %jit3A = arith.constant 511 : i32
    %broadcast_in_dim3A_22 = vector.broadcast %jit3A : i32 to vector<1024x512xi32>
    %select_n3A = arith.select %eq3A_21, %iota3A, %broadcast_in_dim3A_22 : vector<1024x512xi1>, vector<1024x512xi32>
    %reduce_min3A_23 = arith.constant dense<2147483647> : vector<1024xi32>
    %reduce_min3A_24 = vector.multi_reduction <minsi>, %select_n3A, %reduce_min3A_23 [1] : vector<1024x512xi32> to vector<1024xi32>
    %swap3A = arith.constant 0 : index
    %swap3A_25 = arith.constant 0 : index
    %swap3A_26 = vector.load %arg3[%swap3A, %swap3A_25] : memref<8x1024xi32, #tpu.memory_space<vmem>>, vector<1x1024xi32>
    %swap3A_27 = vector.shape_cast %swap3A_26 : vector<1x1024xi32> to vector<1024xi32>
    %swap3A_28 = vector.shape_cast %reduce_min3A_24 : vector<1024xi32> to vector<1x1024xi32>
    tpu.vector_store %arg3[%swap3A, %swap3A_25], %swap3A_28 {strides = array<i32>} : memref<8x1024xi32, #tpu.memory_space<vmem>>, vector<1x1024xi32>,
    %get3A_29 = arith.constant 1 : index
    %get3A_30 = arith.constant 0 : index
    %get3A_31 = arith.constant 0 : index
    %get3A_32 = vector.load %arg1[%get3A_29, %get3A_30, %get3A_31] : memref<8x64x1024xf32, #tpu.memory_space<vmem>>, vector<1x64x1024xf32>
    %get3A_33 = vector.shape_cast %get3A_32 : vector<1x64x1024xf32> to vector<64x1024xf32>
    %dot_general3A_34 = arith.constant dense<0.000000e+00> : vector<1024x512xf32>
    %dot_general3A_35 = tpu.matmul %get3A_33, %get3A_1, %dot_general3A_34 {dimension_numbers = #tpu.dot_dimension_numbers<[0], [1], [1], [0], [0, 1, 1, 0], [], []>, transpose_lhs_hint = false} : vector<64x1024xf32>, vector<512x64xf32>, vector<1024x512xf32> -> vector<1024x512xf32>
    %mul3A_36 = arith.mulf %get3A_33, %get3A_33 : vector<64x1024xf32>
    %reduce_sum3A_37 = arith.constant dense<0.000000e+00> : vector<1024xf32>
    %reduce_sum3A_38 = vector.multi_reduction <add>, %mul3A_36, %reduce_sum3A_37 [0] : vector<64x1024xf32> to vector<1024xf32>
    %broadcast_in_dim3A_39 = vector.shape_cast %reduce_sum3A_38 : vector<1024xf32> to vector<1024x1xf32>
    %add3A_40 = vector.broadcast %broadcast_in_dim3A_39 : vector<1024x1xf32> to vector<1024x512xf32>
    %add3A_41 = vector.broadcast %mul3A_5 : vector<1x512xf32> to vector<1024x512xf32>
    %add3A_42 = arith.addf %add3A_40, %add3A_41 : vector<1024x512xf32>
    %add3A_43 = arith.addf %add3A_42, %dot_general3A_35 : vector<1024x512xf32>
    %reduce_min3A_44 = arith.constant dense<0x7F800000> : vector<1024xf32>
    %reduce_min3A_45 = vector.multi_reduction <minimumf>, %add3A_43, %reduce_min3A_44 [1] : vector<1024x512xf32> to vector<1024xf32>
    %broadcast_in_dim3A_46 = vector.shape_cast %reduce_min3A_45 : vector<1024xf32> to vector<1024x1xf32>
    %iota3A_47 = tpu.iota {dimensions = array<i32: 1>} : vector<1024x512xi32>
    %eq3A_48 = vector.broadcast %broadcast_in_dim3A_46 : vector<1024x1xf32> to vector<1024x512xf32>
    %eq3A_49 = arith.cmpf oeq, %add3A_43, %eq3A_48 : vector<1024x512xf32>
    %jit3A_50 = arith.constant 511 : i32
    %broadcast_in_dim3A_51 = vector.broadcast %jit3A_50 : i32 to vector<1024x512xi32>
    %select_n3A_52 = arith.select %eq3A_49, %iota3A_47, %broadcast_in_dim3A_51 : vector<1024x512xi1>, vector<1024x512xi32>
    %reduce_min3A_53 = arith.constant dense<2147483647> : vector<1024xi32>
    %reduce_min3A_54 = vector.multi_reduction <minsi>, %select_n3A_52, %reduce_min3A_53 [1] : vector<1024x512xi32> to vector<1024xi32>
    %swap3A_55 = arith.constant 1 : index
    %swap3A_56 = arith.constant 0 : index
    %swap3A_57 = vector.load %arg3[%swap3A_55, %swap3A_56] : memref<8x1024xi32, #tpu.memory_space<vmem>>, vector<1x1024xi32>
    %swap3A_58 = vector.shape_cast %swap3A_57 : vector<1x1024xi32> to vector<1024xi32>
    %swap3A_59 = vector.shape_cast %reduce_min3A_54 : vector<1024xi32> to vector<1x1024xi32>
    tpu.vector_store %arg3[%swap3A_55, %swap3A_56], %swap3A_59 {strides = array<i32>} : memref<8x1024xi32, #tpu.memory_space<vmem>>, vector<1x1024xi32>,
    %get3A_60 = arith.constant 2 : index
    %get3A_61 = arith.constant 0 : index
    %get3A_62 = arith.constant 0 : index
    %get3A_63 = vector.load %arg1[%get3A_60, %get3A_61, %get3A_62] : memref<8x64x1024xf32, #tpu.memory_space<vmem>>, vector<1x64x1024xf32>
    %get3A_64 = vector.shape_cast %get3A_63 : vector<1x64x1024xf32> to vector<64x1024xf32>
    %dot_general3A_65 = arith.constant dense<0.000000e+00> : vector<1024x512xf32>
    %dot_general3A_66 = tpu.matmul %get3A_64, %get3A_1, %dot_general3A_65 {dimension_numbers = #tpu.dot_dimension_numbers<[0], [1], [1], [0], [0, 1, 1, 0], [], []>, transpose_lhs_hint = false} : vector<64x1024xf32>, vector<512x64xf32>, vector<1024x512xf32> -> vector<1024x512xf32>
    %mul3A_67 = arith.mulf %get3A_64, %get3A_64 : vector<64x1024xf32>
    %reduce_sum3A_68 = arith.constant dense<0.000000e+00> : vector<1024xf32>
    %reduce_sum3A_69 = vector.multi_reduction <add>, %mul3A_67, %reduce_sum3A_68 [0] : vector<64x1024xf32> to vector<1024xf32>
    %broadcast_in_dim3A_70 = vector.shape_cast %reduce_sum3A_69 : vector<1024xf32> to vector<1024x1xf32>
    %add3A_71 = vector.broadcast %broadcast_in_dim3A_70 : vector<1024x1xf32> to vector<1024x512xf32>
    %add3A_72 = vector.broadcast %mul3A_5 : vector<1x512xf32> to vector<1024x512xf32>
    %add3A_73 = arith.addf %add3A_71, %add3A_72 : vector<1024x512xf32>
    %add3A_74 = arith.addf %add3A_73, %dot_general3A_66 : vector<1024x512xf32>
    %reduce_min3A_75 = arith.constant dense<0x7F800000> : vector<1024xf32>
    %reduce_min3A_76 = vector.multi_reduction <minimumf>, %add3A_74, %reduce_min3A_75 [1] : vector<1024x512xf32> to vector<1024xf32>
    %broadcast_in_dim3A_77 = vector.shape_cast %reduce_min3A_76 : vector<1024xf32> to vector<1024x1xf32>
    %iota3A_78 = tpu.iota {dimensions = array<i32: 1>} : vector<1024x512xi32>
    %eq3A_79 = vector.broadcast %broadcast_in_dim3A_77 : vector<1024x1xf32> to vector<1024x512xf32>
    %eq3A_80 = arith.cmpf oeq, %add3A_74, %eq3A_79 : vector<1024x512xf32>
    %jit3A_81 = arith.constant 511 : i32
    %broadcast_in_dim3A_82 = vector.broadcast %jit3A_81 : i32 to vector<1024x512xi32>
    %select_n3A_83 = arith.select %eq3A_80, %iota3A_78, %broadcast_in_dim3A_82 : vector<1024x512xi1>, vector<1024x512xi32>
    %reduce_min3A_84 = arith.constant dense<2147483647> : vector<1024xi32>
    %reduce_min3A_85 = vector.multi_reduction <minsi>, %select_n3A_83, %reduce_min3A_84 [1] : vector<1024x512xi32> to vector<1024xi32>
    %swap3A_86 = arith.constant 2 : index
    %swap3A_87 = arith.constant 0 : index
    %swap3A_88 = vector.load %arg3[%swap3A_86, %swap3A_87] : memref<8x1024xi32, #tpu.memory_space<vmem>>, vector<1x1024xi32>
    %swap3A_89 = vector.shape_cast %swap3A_88 : vector<1x1024xi32> to vector<1024xi32>
    %swap3A_90 = vector.shape_cast %reduce_min3A_85 : vector<1024xi32> to vector<1x1024xi32>
    tpu.vector_store %arg3[%swap3A_86, %swap3A_87], %swap3A_90 {strides = array<i32>} : memref<8x1024xi32, #tpu.memory_space<vmem>>, vector<1x1024xi32>,
    %get3A_91 = arith.constant 3 : index
    %get3A_92 = arith.constant 0 : index
    %get3A_93 = arith.constant 0 : index
    %get3A_94 = vector.load %arg1[%get3A_91, %get3A_92, %get3A_93] : memref<8x64x1024xf32, #tpu.memory_space<vmem>>, vector<1x64x1024xf32>
    %get3A_95 = vector.shape_cast %get3A_94 : vector<1x64x1024xf32> to vector<64x1024xf32>
    %dot_general3A_96 = arith.constant dense<0.000000e+00> : vector<1024x512xf32>
    %dot_general3A_97 = tpu.matmul %get3A_95, %get3A_1, %dot_general3A_96 {dimension_numbers = #tpu.dot_dimension_numbers<[0], [1], [1], [0], [0, 1, 1, 0], [], []>, transpose_lhs_hint = false} : vector<64x1024xf32>, vector<512x64xf32>, vector<1024x512xf32> -> vector<1024x512xf32>
    %mul3A_98 = arith.mulf %get3A_95, %get3A_95 : vector<64x1024xf32>
    %reduce_sum3A_99 = arith.constant dense<0.000000e+00> : vector<1024xf32>
    %reduce_sum3A_100 = vector.multi_reduction <add>, %mul3A_98, %reduce_sum3A_99 [0] : vector<64x1024xf32> to vector<1024xf32>
    %broadcast_in_dim3A_101 = vector.shape_cast %reduce_sum3A_100 : vector<1024xf32> to vector<1024x1xf32>
    %add3A_102 = vector.broadcast %broadcast_in_dim3A_101 : vector<1024x1xf32> to vector<1024x512xf32>
    %add3A_103 = vector.broadcast %mul3A_5 : vector<1x512xf32> to vector<1024x512xf32>
    %add3A_104 = arith.addf %add3A_102, %add3A_103 : vector<1024x512xf32>
    %add3A_105 = arith.addf %add3A_104, %dot_general3A_97 : vector<1024x512xf32>
    %reduce_min3A_106 = arith.constant dense<0x7F800000> : vector<1024xf32>
    %reduce_min3A_107 = vector.multi_reduction <minimumf>, %add3A_105, %reduce_min3A_106 [1] : vector<1024x512xf32> to vector<1024xf32>
    %broadcast_in_dim3A_108 = vector.shape_cast %reduce_min3A_107 : vector<1024xf32> to vector<1024x1xf32>
    %iota3A_109 = tpu.iota {dimensions = array<i32: 1>} : vector<1024x512xi32>
    %eq3A_110 = vector.broadcast %broadcast_in_dim3A_108 : vector<1024x1xf32> to vector<1024x512xf32>
    %eq3A_111 = arith.cmpf oeq, %add3A_105, %eq3A_110 : vector<1024x512xf32>
    %jit3A_112 = arith.constant 511 : i32
    %broadcast_in_dim3A_113 = vector.broadcast %jit3A_112 : i32 to vector<1024x512xi32>
    %select_n3A_114 = arith.select %eq3A_111, %iota3A_109, %broadcast_in_dim3A_113 : vector<1024x512xi1>, vector<1024x512xi32>
    %reduce_min3A_115 = arith.constant dense<2147483647> : vector<1024xi32>
    %reduce_min3A_116 = vector.multi_reduction <minsi>, %select_n3A_114, %reduce_min3A_115 [1] : vector<1024x512xi32> to vector<1024xi32>
    %swap3A_117 = arith.constant 3 : index
    %swap3A_118 = arith.constant 0 : index
    %swap3A_119 = vector.load %arg3[%swap3A_117, %swap3A_118] : memref<8x1024xi32, #tpu.memory_space<vmem>>, vector<1x1024xi32>
    %swap3A_120 = vector.shape_cast %swap3A_119 : vector<1x1024xi32> to vector<1024xi32>
    %swap3A_121 = vector.shape_cast %reduce_min3A_116 : vector<1024xi32> to vector<1x1024xi32>
    tpu.vector_store %arg3[%swap3A_117, %swap3A_118], %swap3A_121 {strides = array<i32>} : memref<8x1024xi32, #tpu.memory_space<vmem>>, vector<1x1024xi32>,
    %get3A_122 = arith.constant 4 : index
    %get3A_123 = arith.constant 0 : index
    %get3A_124 = arith.constant 0 : index
    %get3A_125 = vector.load %arg1[%get3A_122, %get3A_123, %get3A_124] : memref<8x64x1024xf32, #tpu.memory_space<vmem>>, vector<1x64x1024xf32>
    %get3A_126 = vector.shape_cast %get3A_125 : vector<1x64x1024xf32> to vector<64x1024xf32>
    %dot_general3A_127 = arith.constant dense<0.000000e+00> : vector<1024x512xf32>
    %dot_general3A_128 = tpu.matmul %get3A_126, %get3A_1, %dot_general3A_127 {dimension_numbers = #tpu.dot_dimension_numbers<[0], [1], [1], [0], [0, 1, 1, 0], [], []>, transpose_lhs_hint = false} : vector<64x1024xf32>, vector<512x64xf32>, vector<1024x512xf32> -> vector<1024x512xf32>
    %mul3A_129 = arith.mulf %get3A_126, %get3A_126 : vector<64x1024xf32>
    %reduce_sum3A_130 = arith.constant dense<0.000000e+00> : vector<1024xf32>
    %reduce_sum3A_131 = vector.multi_reduction <add>, %mul3A_129, %reduce_sum3A_130 [0] : vector<64x1024xf32> to vector<1024xf32>
    %broadcast_in_dim3A_132 = vector.shape_cast %reduce_sum3A_131 : vector<1024xf32> to vector<1024x1xf32>
    %add3A_133 = vector.broadcast %broadcast_in_dim3A_132 : vector<1024x1xf32> to vector<1024x512xf32>
    %add3A_134 = vector.broadcast %mul3A_5 : vector<1x512xf32> to vector<1024x512xf32>
    %add3A_135 = arith.addf %add3A_133, %add3A_134 : vector<1024x512xf32>
    %add3A_136 = arith.addf %add3A_135, %dot_general3A_128 : vector<1024x512xf32>
    %reduce_min3A_137 = arith.constant dense<0x7F800000> : vector<1024xf32>
    %reduce_min3A_138 = vector.multi_reduction <minimumf>, %add3A_136, %reduce_min3A_137 [1] : vector<1024x512xf32> to vector<1024xf32>
    %broadcast_in_dim3A_139 = vector.shape_cast %reduce_min3A_138 : vector<1024xf32> to vector<1024x1xf32>
    %iota3A_140 = tpu.iota {dimensions = array<i32: 1>} : vector<1024x512xi32>
    %eq3A_141 = vector.broadcast %broadcast_in_dim3A_139 : vector<1024x1xf32> to vector<1024x512xf32>
    %eq3A_142 = arith.cmpf oeq, %add3A_136, %eq3A_141 : vector<1024x512xf32>
    %jit3A_143 = arith.constant 511 : i32
    %broadcast_in_dim3A_144 = vector.broadcast %jit3A_143 : i32 to vector<1024x512xi32>
    %select_n3A_145 = arith.select %eq3A_142, %iota3A_140, %broadcast_in_dim3A_144 : vector<1024x512xi1>, vector<1024x512xi32>
    %reduce_min3A_146 = arith.constant dense<2147483647> : vector<1024xi32>
    %reduce_min3A_147 = vector.multi_reduction <minsi>, %select_n3A_145, %reduce_min3A_146 [1] : vector<1024x512xi32> to vector<1024xi32>
    %swap3A_148 = arith.constant 4 : index
    %swap3A_149 = arith.constant 0 : index
    %swap3A_150 = vector.load %arg3[%swap3A_148, %swap3A_149] : memref<8x1024xi32, #tpu.memory_space<vmem>>, vector<1x1024xi32>
    %swap3A_151 = vector.shape_cast %swap3A_150 : vector<1x1024xi32> to vector<1024xi32>
    %swap3A_152 = vector.shape_cast %reduce_min3A_147 : vector<1024xi32> to vector<1x1024xi32>
    tpu.vector_store %arg3[%swap3A_148, %swap3A_149], %swap3A_152 {strides = array<i32>} : memref<8x1024xi32, #tpu.memory_space<vmem>>, vector<1x1024xi32>,
    %get3A_153 = arith.constant 5 : index
    %get3A_154 = arith.constant 0 : index
    %get3A_155 = arith.constant 0 : index
    %get3A_156 = vector.load %arg1[%get3A_153, %get3A_154, %get3A_155] : memref<8x64x1024xf32, #tpu.memory_space<vmem>>, vector<1x64x1024xf32>
    %get3A_157 = vector.shape_cast %get3A_156 : vector<1x64x1024xf32> to vector<64x1024xf32>
    %dot_general3A_158 = arith.constant dense<0.000000e+00> : vector<1024x512xf32>
    %dot_general3A_159 = tpu.matmul %get3A_157, %get3A_1, %dot_general3A_158 {dimension_numbers = #tpu.dot_dimension_numbers<[0], [1], [1], [0], [0, 1, 1, 0], [], []>, transpose_lhs_hint = false} : vector<64x1024xf32>, vector<512x64xf32>, vector<1024x512xf32> -> vector<1024x512xf32>
    %mul3A_160 = arith.mulf %get3A_157, %get3A_157 : vector<64x1024xf32>
    %reduce_sum3A_161 = arith.constant dense<0.000000e+00> : vector<1024xf32>
    %reduce_sum3A_162 = vector.multi_reduction <add>, %mul3A_160, %reduce_sum3A_161 [0] : vector<64x1024xf32> to vector<1024xf32>
    %broadcast_in_dim3A_163 = vector.shape_cast %reduce_sum3A_162 : vector<1024xf32> to vector<1024x1xf32>
    %add3A_164 = vector.broadcast %broadcast_in_dim3A_163 : vector<1024x1xf32> to vector<1024x512xf32>
    %add3A_165 = vector.broadcast %mul3A_5 : vector<1x512xf32> to vector<1024x512xf32>
    %add3A_166 = arith.addf %add3A_164, %add3A_165 : vector<1024x512xf32>
    %add3A_167 = arith.addf %add3A_166, %dot_general3A_159 : vector<1024x512xf32>
    %reduce_min3A_168 = arith.constant dense<0x7F800000> : vector<1024xf32>
    %reduce_min3A_169 = vector.multi_reduction <minimumf>, %add3A_167, %reduce_min3A_168 [1] : vector<1024x512xf32> to vector<1024xf32>
    %broadcast_in_dim3A_170 = vector.shape_cast %reduce_min3A_169 : vector<1024xf32> to vector<1024x1xf32>
    %iota3A_171 = tpu.iota {dimensions = array<i32: 1>} : vector<1024x512xi32>
    %eq3A_172 = vector.broadcast %broadcast_in_dim3A_170 : vector<1024x1xf32> to vector<1024x512xf32>
    %eq3A_173 = arith.cmpf oeq, %add3A_167, %eq3A_172 : vector<1024x512xf32>
    %jit3A_174 = arith.constant 511 : i32
    %broadcast_in_dim3A_175 = vector.broadcast %jit3A_174 : i32 to vector<1024x512xi32>
    %select_n3A_176 = arith.select %eq3A_173, %iota3A_171, %broadcast_in_dim3A_175 : vector<1024x512xi1>, vector<1024x512xi32>
    %reduce_min3A_177 = arith.constant dense<2147483647> : vector<1024xi32>
    %reduce_min3A_178 = vector.multi_reduction <minsi>, %select_n3A_176, %reduce_min3A_177 [1] : vector<1024x512xi32> to vector<1024xi32>
    %swap3A_179 = arith.constant 5 : index
    %swap3A_180 = arith.constant 0 : index
    %swap3A_181 = vector.load %arg3[%swap3A_179, %swap3A_180] : memref<8x1024xi32, #tpu.memory_space<vmem>>, vector<1x1024xi32>
    %swap3A_182 = vector.shape_cast %swap3A_181 : vector<1x1024xi32> to vector<1024xi32>
    %swap3A_183 = vector.shape_cast %reduce_min3A_178 : vector<1024xi32> to vector<1x1024xi32>
    tpu.vector_store %arg3[%swap3A_179, %swap3A_180], %swap3A_183 {strides = array<i32>} : memref<8x1024xi32, #tpu.memory_space<vmem>>, vector<1x1024xi32>,
    %get3A_184 = arith.constant 6 : index
    %get3A_185 = arith.constant 0 : index
    %get3A_186 = arith.constant 0 : index
    %get3A_187 = vector.load %arg1[%get3A_184, %get3A_185, %get3A_186] : memref<8x64x1024xf32, #tpu.memory_space<vmem>>, vector<1x64x1024xf32>
    %get3A_188 = vector.shape_cast %get3A_187 : vector<1x64x1024xf32> to vector<64x1024xf32>
    %dot_general3A_189 = arith.constant dense<0.000000e+00> : vector<1024x512xf32>
    %dot_general3A_190 = tpu.matmul %get3A_188, %get3A_1, %dot_general3A_189 {dimension_numbers = #tpu.dot_dimension_numbers<[0], [1], [1], [0], [0, 1, 1, 0], [], []>, transpose_lhs_hint = false} : vector<64x1024xf32>, vector<512x64xf32>, vector<1024x512xf32> -> vector<1024x512xf32>
    %mul3A_191 = arith.mulf %get3A_188, %get3A_188 : vector<64x1024xf32>
    %reduce_sum3A_192 = arith.constant dense<0.000000e+00> : vector<1024xf32>
    %reduce_sum3A_193 = vector.multi_reduction <add>, %mul3A_191, %reduce_sum3A_192 [0] : vector<64x1024xf32> to vector<1024xf32>
    %broadcast_in_dim3A_194 = vector.shape_cast %reduce_sum3A_193 : vector<1024xf32> to vector<1024x1xf32>
    %add3A_195 = vector.broadcast %broadcast_in_dim3A_194 : vector<1024x1xf32> to vector<1024x512xf32>
    %add3A_196 = vector.broadcast %mul3A_5 : vector<1x512xf32> to vector<1024x512xf32>
    %add3A_197 = arith.addf %add3A_195, %add3A_196 : vector<1024x512xf32>
    %add3A_198 = arith.addf %add3A_197, %dot_general3A_190 : vector<1024x512xf32>
    %reduce_min3A_199 = arith.constant dense<0x7F800000> : vector<1024xf32>
    %reduce_min3A_200 = vector.multi_reduction <minimumf>, %add3A_198, %reduce_min3A_199 [1] : vector<1024x512xf32> to vector<1024xf32>
    %broadcast_in_dim3A_201 = vector.shape_cast %reduce_min3A_200 : vector<1024xf32> to vector<1024x1xf32>
    %iota3A_202 = tpu.iota {dimensions = array<i32: 1>} : vector<1024x512xi32>
    %eq3A_203 = vector.broadcast %broadcast_in_dim3A_201 : vector<1024x1xf32> to vector<1024x512xf32>
    %eq3A_204 = arith.cmpf oeq, %add3A_198, %eq3A_203 : vector<1024x512xf32>
    %jit3A_205 = arith.constant 511 : i32
    %broadcast_in_dim3A_206 = vector.broadcast %jit3A_205 : i32 to vector<1024x512xi32>
    %select_n3A_207 = arith.select %eq3A_204, %iota3A_202, %broadcast_in_dim3A_206 : vector<1024x512xi1>, vector<1024x512xi32>
    %reduce_min3A_208 = arith.constant dense<2147483647> : vector<1024xi32>
    %reduce_min3A_209 = vector.multi_reduction <minsi>, %select_n3A_207, %reduce_min3A_208 [1] : vector<1024x512xi32> to vector<1024xi32>
    %swap3A_210 = arith.constant 6 : index
    %swap3A_211 = arith.constant 0 : index
    %swap3A_212 = vector.load %arg3[%swap3A_210, %swap3A_211] : memref<8x1024xi32, #tpu.memory_space<vmem>>, vector<1x1024xi32>
    %swap3A_213 = vector.shape_cast %swap3A_212 : vector<1x1024xi32> to vector<1024xi32>
    %swap3A_214 = vector.shape_cast %reduce_min3A_209 : vector<1024xi32> to vector<1x1024xi32>
    tpu.vector_store %arg3[%swap3A_210, %swap3A_211], %swap3A_214 {strides = array<i32>} : memref<8x1024xi32, #tpu.memory_space<vmem>>, vector<1x1024xi32>,
    %get3A_215 = arith.constant 7 : index
    %get3A_216 = arith.constant 0 : index
    %get3A_217 = arith.constant 0 : index
    %get3A_218 = vector.load %arg1[%get3A_215, %get3A_216, %get3A_217] : memref<8x64x1024xf32, #tpu.memory_space<vmem>>, vector<1x64x1024xf32>
    %get3A_219 = vector.shape_cast %get3A_218 : vector<1x64x1024xf32> to vector<64x1024xf32>
    %dot_general3A_220 = arith.constant dense<0.000000e+00> : vector<1024x512xf32>
    %dot_general3A_221 = tpu.matmul %get3A_219, %get3A_1, %dot_general3A_220 {dimension_numbers = #tpu.dot_dimension_numbers<[0], [1], [1], [0], [0, 1, 1, 0], [], []>, transpose_lhs_hint = false} : vector<64x1024xf32>, vector<512x64xf32>, vector<1024x512xf32> -> vector<1024x512xf32>
    %mul3A_222 = arith.mulf %get3A_219, %get3A_219 : vector<64x1024xf32>
    %reduce_sum3A_223 = arith.constant dense<0.000000e+00> : vector<1024xf32>
    %reduce_sum3A_224 = vector.multi_reduction <add>, %mul3A_222, %reduce_sum3A_223 [0] : vector<64x1024xf32> to vector<1024xf32>
    %broadcast_in_dim3A_225 = vector.shape_cast %reduce_sum3A_224 : vector<1024xf32> to vector<1024x1xf32>
    %add3A_226 = vector.broadcast %broadcast_in_dim3A_225 : vector<1024x1xf32> to vector<1024x512xf32>
    %add3A_227 = vector.broadcast %mul3A_5 : vector<1x512xf32> to vector<1024x512xf32>
    %add3A_228 = arith.addf %add3A_226, %add3A_227 : vector<1024x512xf32>
    %add3A_229 = arith.addf %add3A_228, %dot_general3A_221 : vector<1024x512xf32>
    %reduce_min3A_230 = arith.constant dense<0x7F800000> : vector<1024xf32>
    %reduce_min3A_231 = vector.multi_reduction <minimumf>, %add3A_229, %reduce_min3A_230 [1] : vector<1024x512xf32> to vector<1024xf32>
    %broadcast_in_dim3A_232 = vector.shape_cast %reduce_min3A_231 : vector<1024xf32> to vector<1024x1xf32>
    %iota3A_233 = tpu.iota {dimensions = array<i32: 1>} : vector<1024x512xi32>
    %eq3A_234 = vector.broadcast %broadcast_in_dim3A_232 : vector<1024x1xf32> to vector<1024x512xf32>
    %eq3A_235 = arith.cmpf oeq, %add3A_229, %eq3A_234 : vector<1024x512xf32>
    %jit3A_236 = arith.constant 511 : i32
    %broadcast_in_dim3A_237 = vector.broadcast %jit3A_236 : i32 to vector<1024x512xi32>
    %select_n3A_238 = arith.select %eq3A_235, %iota3A_233, %broadcast_in_dim3A_237 : vector<1024x512xi1>, vector<1024x512xi32>
    %reduce_min3A_239 = arith.constant dense<2147483647> : vector<1024xi32>
    %reduce_min3A_240 = vector.multi_reduction <minsi>, %select_n3A_238, %reduce_min3A_239 [1] : vector<1024x512xi32> to vector<1024xi32>
    %swap3A_241 = arith.constant 7 : index
    %swap3A_242 = arith.constant 0 : index
    %swap3A_243 = vector.load %arg3[%swap3A_241, %swap3A_242] : memref<8x1024xi32, #tpu.memory_space<vmem>>, vector<1x1024xi32>
    %swap3A_244 = vector.shape_cast %swap3A_243 : vector<1x1024xi32> to vector<1024xi32>
    %swap3A_245 = vector.shape_cast %reduce_min3A_240 : vector<1024xi32> to vector<1x1024xi32>
    tpu.vector_store %arg3[%swap3A_241, %swap3A_242], %swap3A_245 {strides = array<i32>} : memref<8x1024xi32, #tpu.memory_space<vmem>>, vector<1x1024xi32>,
    return
  }
  func.func @transform_0(%arg0: i32) -> (i32, i32, i32) {
    %add3A = arith.constant 0 : i32
    %add3A_0 = arith.addi %arg0, %add3A : i32
    %c0_i32 = arith.constant 0 : i32
    %c0_i32_1 = arith.constant 0 : i32
    %c0_i32_2 = arith.constant 0 : i32
    return %add3A_0, %c0_i32, %c0_i32_1 : i32, i32, i32
  }
  func.func @transform_1(%arg0: i32) -> (i32, i32) {
    %c0_i32 = arith.constant 0 : i32
    %c0_i32_0 = arith.constant 0 : i32
    %c0_i32_1 = arith.constant 0 : i32
    return %c0_i32, %c0_i32_0 : i32, i32
  }
  func.func @transform_2(%arg0: i32) -> (i32, i32) {
    %c0_i32 = arith.constant 0 : i32
    %c0_i32_0 = arith.constant 0 : i32
    return %arg0, %c0_i32 : i32, i32
  }
}

module attributes {stable_mosaic.version = 14 : i64} {
  func.func @_idx_body(%arg0: i32, %arg1: memref<8x64x1024xf32, #tpu.memory_space<vmem>>, %arg2: memref<512x64xf32, #tpu.memory_space<vmem>>, %arg3: memref<8x1024xi32, #tpu.memory_space<vmem>>) attributes {dimension_semantics = [#tpu.dimension_semantics<arbitrary>], iteration_bounds = array<i64: 8>, scalar_prefetch = 0 : i64, scratch_operands = 0 : i64, tpu.core_type = #tpu.core_type<tc>, window_params = [{transform_indices = @transform_0, window_bounds = array<i64: 8, 64, 1024>}, {pipeline_mode = #tpu.pipeline_mode<synchronous>, transform_indices = @transform_1, window_bounds = array<i64: 512, 64>}, {transform_indices = @transform_2, window_bounds = array<i64: 8, 1024>}]} {
    %get3A = arith.constant 0 : index
    %get3A_0 = arith.constant 0 : index
    %get3A_1 = vector.load %arg2[%get3A, %get3A_0] : memref<512x64xf32, #tpu.memory_space<vmem>>, vector<512x64xf32>
    %mul3A = arith.mulf %get3A_1, %get3A_1 : vector<512x64xf32>
    %reduce_sum3A = arith.constant dense<0.000000e+00> : vector<512xf32>
    %reduce_sum3A_2 = vector.multi_reduction <add>, %mul3A, %reduce_sum3A [1] : vector<512x64xf32> to vector<512xf32>
    %broadcast_in_dim3A = vector.shape_cast %reduce_sum3A_2 : vector<512xf32> to vector<1x512xf32>
    %mul3A_3 = arith.constant 2.500000e-01 : f32
    %mul3A_4 = vector.broadcast %mul3A_3 : f32 to vector<1x512xf32>
    %mul3A_5 = arith.mulf %broadcast_in_dim3A, %mul3A_4 : vector<1x512xf32>
    %get3A_6 = arith.constant 0 : index
    %get3A_7 = arith.constant 0 : index
    %get3A_8 = arith.constant 0 : index
    %get3A_9 = vector.load %arg1[%get3A_6, %get3A_7, %get3A_8] : memref<8x64x1024xf32, #tpu.memory_space<vmem>>, vector<1x64x1024xf32>
    %get3A_10 = vector.shape_cast %get3A_9 : vector<1x64x1024xf32> to vector<64x1024xf32>
    %dot_general3A = arith.constant dense<0.000000e+00> : vector<1024x512xf32>
    %dot_general3A_11 = tpu.matmul %get3A_10, %get3A_1, %dot_general3A {dimension_numbers = #tpu.dot_dimension_numbers<[0], [1], [1], [0], [0, 1, 1, 0], [], []>, transpose_lhs_hint = false} : vector<64x1024xf32>, vector<512x64xf32>, vector<1024x512xf32> -> vector<1024x512xf32>
    %mul3A_12 = arith.mulf %get3A_10, %get3A_10 : vector<64x1024xf32>
    %reduce_sum3A_13 = arith.constant dense<0.000000e+00> : vector<1024xf32>
    %reduce_sum3A_14 = vector.multi_reduction <add>, %mul3A_12, %reduce_sum3A_13 [0] : vector<64x1024xf32> to vector<1024xf32>
    %broadcast_in_dim3A_15 = vector.shape_cast %reduce_sum3A_14 : vector<1024xf32> to vector<1024x1xf32>
    %add3A = vector.broadcast %broadcast_in_dim3A_15 : vector<1024x1xf32> to vector<1024x512xf32>
    %add3A_16 = vector.broadcast %mul3A_5 : vector<1x512xf32> to vector<1024x512xf32>
    %add3A_17 = arith.addf %add3A, %add3A_16 : vector<1024x512xf32>
    %add3A_18 = arith.addf %add3A_17, %dot_general3A_11 : vector<1024x512xf32>
    %reduce_min3A = arith.constant dense<0x7F800000> : vector<1024xf32>
    %reduce_min3A_19 = vector.multi_reduction <minimumf>, %add3A_18, %reduce_min3A [1] : vector<1024x512xf32> to vector<1024xf32>
    %broadcast_in_dim3A_20 = vector.shape_cast %reduce_min3A_19 : vector<1024xf32> to vector<1024x1xf32>
    %iota3A = tpu.iota {dimensions = array<i32: 1>} : vector<1024x512xi32>
    %eq3A = vector.broadcast %broadcast_in_dim3A_20 : vector<1024x1xf32> to vector<1024x512xf32>
    %eq3A_21 = arith.cmpf oeq, %add3A_18, %eq3A : vector<1024x512xf32>
    %jit3A = arith.constant 511 : i32
    %broadcast_in_dim3A_22 = vector.broadcast %jit3A : i32 to vector<1024x512xi32>
    %select_n3A = arith.select %eq3A_21, %iota3A, %broadcast_in_dim3A_22 : vector<1024x512xi1>, vector<1024x512xi32>
    %reduce_min3A_23 = arith.constant dense<2147483647> : vector<1024xi32>
    %reduce_min3A_24 = vector.multi_reduction <minsi>, %select_n3A, %reduce_min3A_23 [1] : vector<1024x512xi32> to vector<1024xi32>
    %swap3A = arith.constant 0 : index
    %swap3A_25 = arith.constant 0 : index
    %swap3A_26 = vector.load %arg3[%swap3A, %swap3A_25] : memref<8x1024xi32, #tpu.memory_space<vmem>>, vector<1x1024xi32>
    %swap3A_27 = vector.shape_cast %swap3A_26 : vector<1x1024xi32> to vector<1024xi32>
    %swap3A_28 = vector.shape_cast %reduce_min3A_24 : vector<1024xi32> to vector<1x1024xi32>
    tpu.vector_store %arg3[%swap3A, %swap3A_25], %swap3A_28 {strides = array<i32>} : memref<8x1024xi32, #tpu.memory_space<vmem>>, vector<1x1024xi32>,
    %get3A_29 = arith.constant 1 : index
    %get3A_30 = arith.constant 0 : index
    %get3A_31 = arith.constant 0 : index
    %get3A_32 = vector.load %arg1[%get3A_29, %get3A_30, %get3A_31] : memref<8x64x1024xf32, #tpu.memory_space<vmem>>, vector<1x64x1024xf32>
    %get3A_33 = vector.shape_cast %get3A_32 : vector<1x64x1024xf32> to vector<64x1024xf32>
    %dot_general3A_34 = arith.constant dense<0.000000e+00> : vector<1024x512xf32>
    %dot_general3A_35 = tpu.matmul %get3A_33, %get3A_1, %dot_general3A_34 {dimension_numbers = #tpu.dot_dimension_numbers<[0], [1], [1], [0], [0, 1, 1, 0], [], []>, transpose_lhs_hint = false} : vector<64x1024xf32>, vector<512x64xf32>, vector<1024x512xf32> -> vector<1024x512xf32>
    %mul3A_36 = arith.mulf %get3A_33, %get3A_33 : vector<64x1024xf32>
    %reduce_sum3A_37 = arith.constant dense<0.000000e+00> : vector<1024xf32>
    %reduce_sum3A_38 = vector.multi_reduction <add>, %mul3A_36, %reduce_sum3A_37 [0] : vector<64x1024xf32> to vector<1024xf32>
    %broadcast_in_dim3A_39 = vector.shape_cast %reduce_sum3A_38 : vector<1024xf32> to vector<1024x1xf32>
    %add3A_40 = vector.broadcast %broadcast_in_dim3A_39 : vector<1024x1xf32> to vector<1024x512xf32>
    %add3A_41 = vector.broadcast %mul3A_5 : vector<1x512xf32> to vector<1024x512xf32>
    %add3A_42 = arith.addf %add3A_40, %add3A_41 : vector<1024x512xf32>
    %add3A_43 = arith.addf %add3A_42, %dot_general3A_35 : vector<1024x512xf32>
    %reduce_min3A_44 = arith.constant dense<0x7F800000> : vector<1024xf32>
    %reduce_min3A_45 = vector.multi_reduction <minimumf>, %add3A_43, %reduce_min3A_44 [1] : vector<1024x512xf32> to vector<1024xf32>
    %broadcast_in_dim3A_46 = vector.shape_cast %reduce_min3A_45 : vector<1024xf32> to vector<1024x1xf32>
    %iota3A_47 = tpu.iota {dimensions = array<i32: 1>} : vector<1024x512xi32>
    %eq3A_48 = vector.broadcast %broadcast_in_dim3A_46 : vector<1024x1xf32> to vector<1024x512xf32>
    %eq3A_49 = arith.cmpf oeq, %add3A_43, %eq3A_48 : vector<1024x512xf32>
    %jit3A_50 = arith.constant 511 : i32
    %broadcast_in_dim3A_51 = vector.broadcast %jit3A_50 : i32 to vector<1024x512xi32>
    %select_n3A_52 = arith.select %eq3A_49, %iota3A_47, %broadcast_in_dim3A_51 : vector<1024x512xi1>, vector<1024x512xi32>
    %reduce_min3A_53 = arith.constant dense<2147483647> : vector<1024xi32>
    %reduce_min3A_54 = vector.multi_reduction <minsi>, %select_n3A_52, %reduce_min3A_53 [1] : vector<1024x512xi32> to vector<1024xi32>
    %swap3A_55 = arith.constant 1 : index
    %swap3A_56 = arith.constant 0 : index
    %swap3A_57 = vector.load %arg3[%swap3A_55, %swap3A_56] : memref<8x1024xi32, #tpu.memory_space<vmem>>, vector<1x1024xi32>
    %swap3A_58 = vector.shape_cast %swap3A_57 : vector<1x1024xi32> to vector<1024xi32>
    %swap3A_59 = vector.shape_cast %reduce_min3A_54 : vector<1024xi32> to vector<1x1024xi32>
    tpu.vector_store %arg3[%swap3A_55, %swap3A_56], %swap3A_59 {strides = array<i32>} : memref<8x1024xi32, #tpu.memory_space<vmem>>, vector<1x1024xi32>,
    %get3A_60 = arith.constant 2 : index
    %get3A_61 = arith.constant 0 : index
    %get3A_62 = arith.constant 0 : index
    %get3A_63 = vector.load %arg1[%get3A_60, %get3A_61, %get3A_62] : memref<8x64x1024xf32, #tpu.memory_space<vmem>>, vector<1x64x1024xf32>
    %get3A_64 = vector.shape_cast %get3A_63 : vector<1x64x1024xf32> to vector<64x1024xf32>
    %dot_general3A_65 = arith.constant dense<0.000000e+00> : vector<1024x512xf32>
    %dot_general3A_66 = tpu.matmul %get3A_64, %get3A_1, %dot_general3A_65 {dimension_numbers = #tpu.dot_dimension_numbers<[0], [1], [1], [0], [0, 1, 1, 0], [], []>, transpose_lhs_hint = false} : vector<64x1024xf32>, vector<512x64xf32>, vector<1024x512xf32> -> vector<1024x512xf32>
    %mul3A_67 = arith.mulf %get3A_64, %get3A_64 : vector<64x1024xf32>
    %reduce_sum3A_68 = arith.constant dense<0.000000e+00> : vector<1024xf32>
    %reduce_sum3A_69 = vector.multi_reduction <add>, %mul3A_67, %reduce_sum3A_68 [0] : vector<64x1024xf32> to vector<1024xf32>
    %broadcast_in_dim3A_70 = vector.shape_cast %reduce_sum3A_69 : vector<1024xf32> to vector<1024x1xf32>
    %add3A_71 = vector.broadcast %broadcast_in_dim3A_70 : vector<1024x1xf32> to vector<1024x512xf32>
    %add3A_72 = vector.broadcast %mul3A_5 : vector<1x512xf32> to vector<1024x512xf32>
    %add3A_73 = arith.addf %add3A_71, %add3A_72 : vector<1024x512xf32>
    %add3A_74 = arith.addf %add3A_73, %dot_general3A_66 : vector<1024x512xf32>
    %reduce_min3A_75 = arith.constant dense<0x7F800000> : vector<1024xf32>
    %reduce_min3A_76 = vector.multi_reduction <minimumf>, %add3A_74, %reduce_min3A_75 [1] : vector<1024x512xf32> to vector<1024xf32>
    %broadcast_in_dim3A_77 = vector.shape_cast %reduce_min3A_76 : vector<1024xf32> to vector<1024x1xf32>
    %iota3A_78 = tpu.iota {dimensions = array<i32: 1>} : vector<1024x512xi32>
    %eq3A_79 = vector.broadcast %broadcast_in_dim3A_77 : vector<1024x1xf32> to vector<1024x512xf32>
    %eq3A_80 = arith.cmpf oeq, %add3A_74, %eq3A_79 : vector<1024x512xf32>
    %jit3A_81 = arith.constant 511 : i32
    %broadcast_in_dim3A_82 = vector.broadcast %jit3A_81 : i32 to vector<1024x512xi32>
    %select_n3A_83 = arith.select %eq3A_80, %iota3A_78, %broadcast_in_dim3A_82 : vector<1024x512xi1>, vector<1024x512xi32>
    %reduce_min3A_84 = arith.constant dense<2147483647> : vector<1024xi32>
    %reduce_min3A_85 = vector.multi_reduction <minsi>, %select_n3A_83, %reduce_min3A_84 [1] : vector<1024x512xi32> to vector<1024xi32>
    %swap3A_86 = arith.constant 2 : index
    %swap3A_87 = arith.constant 0 : index
    %swap3A_88 = vector.load %arg3[%swap3A_86, %swap3A_87] : memref<8x1024xi32, #tpu.memory_space<vmem>>, vector<1x1024xi32>
    %swap3A_89 = vector.shape_cast %swap3A_88 : vector<1x1024xi32> to vector<1024xi32>
    %swap3A_90 = vector.shape_cast %reduce_min3A_85 : vector<1024xi32> to vector<1x1024xi32>
    tpu.vector_store %arg3[%swap3A_86, %swap3A_87], %swap3A_90 {strides = array<i32>} : memref<8x1024xi32, #tpu.memory_space<vmem>>, vector<1x1024xi32>,
    %get3A_91 = arith.constant 3 : index
    %get3A_92 = arith.constant 0 : index
    %get3A_93 = arith.constant 0 : index
    %get3A_94 = vector.load %arg1[%get3A_91, %get3A_92, %get3A_93] : memref<8x64x1024xf32, #tpu.memory_space<vmem>>, vector<1x64x1024xf32>
    %get3A_95 = vector.shape_cast %get3A_94 : vector<1x64x1024xf32> to vector<64x1024xf32>
    %dot_general3A_96 = arith.constant dense<0.000000e+00> : vector<1024x512xf32>
    %dot_general3A_97 = tpu.matmul %get3A_95, %get3A_1, %dot_general3A_96 {dimension_numbers = #tpu.dot_dimension_numbers<[0], [1], [1], [0], [0, 1, 1, 0], [], []>, transpose_lhs_hint = false} : vector<64x1024xf32>, vector<512x64xf32>, vector<1024x512xf32> -> vector<1024x512xf32>
    %mul3A_98 = arith.mulf %get3A_95, %get3A_95 : vector<64x1024xf32>
    %reduce_sum3A_99 = arith.constant dense<0.000000e+00> : vector<1024xf32>
    %reduce_sum3A_100 = vector.multi_reduction <add>, %mul3A_98, %reduce_sum3A_99 [0] : vector<64x1024xf32> to vector<1024xf32>
    %broadcast_in_dim3A_101 = vector.shape_cast %reduce_sum3A_100 : vector<1024xf32> to vector<1024x1xf32>
    %add3A_102 = vector.broadcast %broadcast_in_dim3A_101 : vector<1024x1xf32> to vector<1024x512xf32>
    %add3A_103 = vector.broadcast %mul3A_5 : vector<1x512xf32> to vector<1024x512xf32>
    %add3A_104 = arith.addf %add3A_102, %add3A_103 : vector<1024x512xf32>
    %add3A_105 = arith.addf %add3A_104, %dot_general3A_97 : vector<1024x512xf32>
    %reduce_min3A_106 = arith.constant dense<0x7F800000> : vector<1024xf32>
    %reduce_min3A_107 = vector.multi_reduction <minimumf>, %add3A_105, %reduce_min3A_106 [1] : vector<1024x512xf32> to vector<1024xf32>
    %broadcast_in_dim3A_108 = vector.shape_cast %reduce_min3A_107 : vector<1024xf32> to vector<1024x1xf32>
    %iota3A_109 = tpu.iota {dimensions = array<i32: 1>} : vector<1024x512xi32>
    %eq3A_110 = vector.broadcast %broadcast_in_dim3A_108 : vector<1024x1xf32> to vector<1024x512xf32>
    %eq3A_111 = arith.cmpf oeq, %add3A_105, %eq3A_110 : vector<1024x512xf32>
    %jit3A_112 = arith.constant 511 : i32
    %broadcast_in_dim3A_113 = vector.broadcast %jit3A_112 : i32 to vector<1024x512xi32>
    %select_n3A_114 = arith.select %eq3A_111, %iota3A_109, %broadcast_in_dim3A_113 : vector<1024x512xi1>, vector<1024x512xi32>
    %reduce_min3A_115 = arith.constant dense<2147483647> : vector<1024xi32>
    %reduce_min3A_116 = vector.multi_reduction <minsi>, %select_n3A_114, %reduce_min3A_115 [1] : vector<1024x512xi32> to vector<1024xi32>
    %swap3A_117 = arith.constant 3 : index
    %swap3A_118 = arith.constant 0 : index
    %swap3A_119 = vector.load %arg3[%swap3A_117, %swap3A_118] : memref<8x1024xi32, #tpu.memory_space<vmem>>, vector<1x1024xi32>
    %swap3A_120 = vector.shape_cast %swap3A_119 : vector<1x1024xi32> to vector<1024xi32>
    %swap3A_121 = vector.shape_cast %reduce_min3A_116 : vector<1024xi32> to vector<1x1024xi32>
    tpu.vector_store %arg3[%swap3A_117, %swap3A_118], %swap3A_121 {strides = array<i32>} : memref<8x1024xi32, #tpu.memory_space<vmem>>, vector<1x1024xi32>,
    %get3A_122 = arith.constant 4 : index
    %get3A_123 = arith.constant 0 : index
    %get3A_124 = arith.constant 0 : index
    %get3A_125 = vector.load %arg1[%get3A_122, %get3A_123, %get3A_124] : memref<8x64x1024xf32, #tpu.memory_space<vmem>>, vector<1x64x1024xf32>
    %get3A_126 = vector.shape_cast %get3A_125 : vector<1x64x1024xf32> to vector<64x1024xf32>
    %dot_general3A_127 = arith.constant dense<0.000000e+00> : vector<1024x512xf32>
    %dot_general3A_128 = tpu.matmul %get3A_126, %get3A_1, %dot_general3A_127 {dimension_numbers = #tpu.dot_dimension_numbers<[0], [1], [1], [0], [0, 1, 1, 0], [], []>, transpose_lhs_hint = false} : vector<64x1024xf32>, vector<512x64xf32>, vector<1024x512xf32> -> vector<1024x512xf32>
    %mul3A_129 = arith.mulf %get3A_126, %get3A_126 : vector<64x1024xf32>
    %reduce_sum3A_130 = arith.constant dense<0.000000e+00> : vector<1024xf32>
    %reduce_sum3A_131 = vector.multi_reduction <add>, %mul3A_129, %reduce_sum3A_130 [0] : vector<64x1024xf32> to vector<1024xf32>
    %broadcast_in_dim3A_132 = vector.shape_cast %reduce_sum3A_131 : vector<1024xf32> to vector<1024x1xf32>
    %add3A_133 = vector.broadcast %broadcast_in_dim3A_132 : vector<1024x1xf32> to vector<1024x512xf32>
    %add3A_134 = vector.broadcast %mul3A_5 : vector<1x512xf32> to vector<1024x512xf32>
    %add3A_135 = arith.addf %add3A_133, %add3A_134 : vector<1024x512xf32>
    %add3A_136 = arith.addf %add3A_135, %dot_general3A_128 : vector<1024x512xf32>
    %reduce_min3A_137 = arith.constant dense<0x7F800000> : vector<1024xf32>
    %reduce_min3A_138 = vector.multi_reduction <minimumf>, %add3A_136, %reduce_min3A_137 [1] : vector<1024x512xf32> to vector<1024xf32>
    %broadcast_in_dim3A_139 = vector.shape_cast %reduce_min3A_138 : vector<1024xf32> to vector<1024x1xf32>
    %iota3A_140 = tpu.iota {dimensions = array<i32: 1>} : vector<1024x512xi32>
    %eq3A_141 = vector.broadcast %broadcast_in_dim3A_139 : vector<1024x1xf32> to vector<1024x512xf32>
    %eq3A_142 = arith.cmpf oeq, %add3A_136, %eq3A_141 : vector<1024x512xf32>
    %jit3A_143 = arith.constant 511 : i32
    %broadcast_in_dim3A_144 = vector.broadcast %jit3A_143 : i32 to vector<1024x512xi32>
    %select_n3A_145 = arith.select %eq3A_142, %iota3A_140, %broadcast_in_dim3A_144 : vector<1024x512xi1>, vector<1024x512xi32>
    %reduce_min3A_146 = arith.constant dense<2147483647> : vector<1024xi32>
    %reduce_min3A_147 = vector.multi_reduction <minsi>, %select_n3A_145, %reduce_min3A_146 [1] : vector<1024x512xi32> to vector<1024xi32>
    %swap3A_148 = arith.constant 4 : index
    %swap3A_149 = arith.constant 0 : index
    %swap3A_150 = vector.load %arg3[%swap3A_148, %swap3A_149] : memref<8x1024xi32, #tpu.memory_space<vmem>>, vector<1x1024xi32>
    %swap3A_151 = vector.shape_cast %swap3A_150 : vector<1x1024xi32> to vector<1024xi32>
    %swap3A_152 = vector.shape_cast %reduce_min3A_147 : vector<1024xi32> to vector<1x1024xi32>
    tpu.vector_store %arg3[%swap3A_148, %swap3A_149], %swap3A_152 {strides = array<i32>} : memref<8x1024xi32, #tpu.memory_space<vmem>>, vector<1x1024xi32>,
    %get3A_153 = arith.constant 5 : index
    %get3A_154 = arith.constant 0 : index
    %get3A_155 = arith.constant 0 : index
    %get3A_156 = vector.load %arg1[%get3A_153, %get3A_154, %get3A_155] : memref<8x64x1024xf32, #tpu.memory_space<vmem>>, vector<1x64x1024xf32>
    %get3A_157 = vector.shape_cast %get3A_156 : vector<1x64x1024xf32> to vector<64x1024xf32>
    %dot_general3A_158 = arith.constant dense<0.000000e+00> : vector<1024x512xf32>
    %dot_general3A_159 = tpu.matmul %get3A_157, %get3A_1, %dot_general3A_158 {dimension_numbers = #tpu.dot_dimension_numbers<[0], [1], [1], [0], [0, 1, 1, 0], [], []>, transpose_lhs_hint = false} : vector<64x1024xf32>, vector<512x64xf32>, vector<1024x512xf32> -> vector<1024x512xf32>
    %mul3A_160 = arith.mulf %get3A_157, %get3A_157 : vector<64x1024xf32>
    %reduce_sum3A_161 = arith.constant dense<0.000000e+00> : vector<1024xf32>
    %reduce_sum3A_162 = vector.multi_reduction <add>, %mul3A_160, %reduce_sum3A_161 [0] : vector<64x1024xf32> to vector<1024xf32>
    %broadcast_in_dim3A_163 = vector.shape_cast %reduce_sum3A_162 : vector<1024xf32> to vector<1024x1xf32>
    %add3A_164 = vector.broadcast %broadcast_in_dim3A_163 : vector<1024x1xf32> to vector<1024x512xf32>
    %add3A_165 = vector.broadcast %mul3A_5 : vector<1x512xf32> to vector<1024x512xf32>
    %add3A_166 = arith.addf %add3A_164, %add3A_165 : vector<1024x512xf32>
    %add3A_167 = arith.addf %add3A_166, %dot_general3A_159 : vector<1024x512xf32>
    %reduce_min3A_168 = arith.constant dense<0x7F800000> : vector<1024xf32>
    %reduce_min3A_169 = vector.multi_reduction <minimumf>, %add3A_167, %reduce_min3A_168 [1] : vector<1024x512xf32> to vector<1024xf32>
    %broadcast_in_dim3A_170 = vector.shape_cast %reduce_min3A_169 : vector<1024xf32> to vector<1024x1xf32>
    %iota3A_171 = tpu.iota {dimensions = array<i32: 1>} : vector<1024x512xi32>
    %eq3A_172 = vector.broadcast %broadcast_in_dim3A_170 : vector<1024x1xf32> to vector<1024x512xf32>
    %eq3A_173 = arith.cmpf oeq, %add3A_167, %eq3A_172 : vector<1024x512xf32>
    %jit3A_174 = arith.constant 511 : i32
    %broadcast_in_dim3A_175 = vector.broadcast %jit3A_174 : i32 to vector<1024x512xi32>
    %select_n3A_176 = arith.select %eq3A_173, %iota3A_171, %broadcast_in_dim3A_175 : vector<1024x512xi1>, vector<1024x512xi32>
    %reduce_min3A_177 = arith.constant dense<2147483647> : vector<1024xi32>
    %reduce_min3A_178 = vector.multi_reduction <minsi>, %select_n3A_176, %reduce_min3A_177 [1] : vector<1024x512xi32> to vector<1024xi32>
    %swap3A_179 = arith.constant 5 : index
    %swap3A_180 = arith.constant 0 : index
    %swap3A_181 = vector.load %arg3[%swap3A_179, %swap3A_180] : memref<8x1024xi32, #tpu.memory_space<vmem>>, vector<1x1024xi32>
    %swap3A_182 = vector.shape_cast %swap3A_181 : vector<1x1024xi32> to vector<1024xi32>
    %swap3A_183 = vector.shape_cast %reduce_min3A_178 : vector<1024xi32> to vector<1x1024xi32>
    tpu.vector_store %arg3[%swap3A_179, %swap3A_180], %swap3A_183 {strides = array<i32>} : memref<8x1024xi32, #tpu.memory_space<vmem>>, vector<1x1024xi32>,
    %get3A_184 = arith.constant 6 : index
    %get3A_185 = arith.constant 0 : index
    %get3A_186 = arith.constant 0 : index
    %get3A_187 = vector.load %arg1[%get3A_184, %get3A_185, %get3A_186] : memref<8x64x1024xf32, #tpu.memory_space<vmem>>, vector<1x64x1024xf32>
    %get3A_188 = vector.shape_cast %get3A_187 : vector<1x64x1024xf32> to vector<64x1024xf32>
    %dot_general3A_189 = arith.constant dense<0.000000e+00> : vector<1024x512xf32>
    %dot_general3A_190 = tpu.matmul %get3A_188, %get3A_1, %dot_general3A_189 {dimension_numbers = #tpu.dot_dimension_numbers<[0], [1], [1], [0], [0, 1, 1, 0], [], []>, transpose_lhs_hint = false} : vector<64x1024xf32>, vector<512x64xf32>, vector<1024x512xf32> -> vector<1024x512xf32>
    %mul3A_191 = arith.mulf %get3A_188, %get3A_188 : vector<64x1024xf32>
    %reduce_sum3A_192 = arith.constant dense<0.000000e+00> : vector<1024xf32>
    %reduce_sum3A_193 = vector.multi_reduction <add>, %mul3A_191, %reduce_sum3A_192 [0] : vector<64x1024xf32> to vector<1024xf32>
    %broadcast_in_dim3A_194 = vector.shape_cast %reduce_sum3A_193 : vector<1024xf32> to vector<1024x1xf32>
    %add3A_195 = vector.broadcast %broadcast_in_dim3A_194 : vector<1024x1xf32> to vector<1024x512xf32>
    %add3A_196 = vector.broadcast %mul3A_5 : vector<1x512xf32> to vector<1024x512xf32>
    %add3A_197 = arith.addf %add3A_195, %add3A_196 : vector<1024x512xf32>
    %add3A_198 = arith.addf %add3A_197, %dot_general3A_190 : vector<1024x512xf32>
    %reduce_min3A_199 = arith.constant dense<0x7F800000> : vector<1024xf32>
    %reduce_min3A_200 = vector.multi_reduction <minimumf>, %add3A_198, %reduce_min3A_199 [1] : vector<1024x512xf32> to vector<1024xf32>
    %broadcast_in_dim3A_201 = vector.shape_cast %reduce_min3A_200 : vector<1024xf32> to vector<1024x1xf32>
    %iota3A_202 = tpu.iota {dimensions = array<i32: 1>} : vector<1024x512xi32>
    %eq3A_203 = vector.broadcast %broadcast_in_dim3A_201 : vector<1024x1xf32> to vector<1024x512xf32>
    %eq3A_204 = arith.cmpf oeq, %add3A_198, %eq3A_203 : vector<1024x512xf32>
    %jit3A_205 = arith.constant 511 : i32
    %broadcast_in_dim3A_206 = vector.broadcast %jit3A_205 : i32 to vector<1024x512xi32>
    %select_n3A_207 = arith.select %eq3A_204, %iota3A_202, %broadcast_in_dim3A_206 : vector<1024x512xi1>, vector<1024x512xi32>
    %reduce_min3A_208 = arith.constant dense<2147483647> : vector<1024xi32>
    %reduce_min3A_209 = vector.multi_reduction <minsi>, %select_n3A_207, %reduce_min3A_208 [1] : vector<1024x512xi32> to vector<1024xi32>
    %swap3A_210 = arith.constant 6 : index
    %swap3A_211 = arith.constant 0 : index
    %swap3A_212 = vector.load %arg3[%swap3A_210, %swap3A_211] : memref<8x1024xi32, #tpu.memory_space<vmem>>, vector<1x1024xi32>
    %swap3A_213 = vector.shape_cast %swap3A_212 : vector<1x1024xi32> to vector<1024xi32>
    %swap3A_214 = vector.shape_cast %reduce_min3A_209 : vector<1024xi32> to vector<1x1024xi32>
    tpu.vector_store %arg3[%swap3A_210, %swap3A_211], %swap3A_214 {strides = array<i32>} : memref<8x1024xi32, #tpu.memory_space<vmem>>, vector<1x1024xi32>,
    %get3A_215 = arith.constant 7 : index
    %get3A_216 = arith.constant 0 : index
    %get3A_217 = arith.constant 0 : index
    %get3A_218 = vector.load %arg1[%get3A_215, %get3A_216, %get3A_217] : memref<8x64x1024xf32, #tpu.memory_space<vmem>>, vector<1x64x1024xf32>
    %get3A_219 = vector.shape_cast %get3A_218 : vector<1x64x1024xf32> to vector<64x1024xf32>
    %dot_general3A_220 = arith.constant dense<0.000000e+00> : vector<1024x512xf32>
    %dot_general3A_221 = tpu.matmul %get3A_219, %get3A_1, %dot_general3A_220 {dimension_numbers = #tpu.dot_dimension_numbers<[0], [1], [1], [0], [0, 1, 1, 0], [], []>, transpose_lhs_hint = false} : vector<64x1024xf32>, vector<512x64xf32>, vector<1024x512xf32> -> vector<1024x512xf32>
    %mul3A_222 = arith.mulf %get3A_219, %get3A_219 : vector<64x1024xf32>
    %reduce_sum3A_223 = arith.constant dense<0.000000e+00> : vector<1024xf32>
    %reduce_sum3A_224 = vector.multi_reduction <add>, %mul3A_222, %reduce_sum3A_223 [0] : vector<64x1024xf32> to vector<1024xf32>
    %broadcast_in_dim3A_225 = vector.shape_cast %reduce_sum3A_224 : vector<1024xf32> to vector<1024x1xf32>
    %add3A_226 = vector.broadcast %broadcast_in_dim3A_225 : vector<1024x1xf32> to vector<1024x512xf32>
    %add3A_227 = vector.broadcast %mul3A_5 : vector<1x512xf32> to vector<1024x512xf32>
    %add3A_228 = arith.addf %add3A_226, %add3A_227 : vector<1024x512xf32>
    %add3A_229 = arith.addf %add3A_228, %dot_general3A_221 : vector<1024x512xf32>
    %reduce_min3A_230 = arith.constant dense<0x7F800000> : vector<1024xf32>
    %reduce_min3A_231 = vector.multi_reduction <minimumf>, %add3A_229, %reduce_min3A_230 [1] : vector<1024x512xf32> to vector<1024xf32>
    %broadcast_in_dim3A_232 = vector.shape_cast %reduce_min3A_231 : vector<1024xf32> to vector<1024x1xf32>
    %iota3A_233 = tpu.iota {dimensions = array<i32: 1>} : vector<1024x512xi32>
    %eq3A_234 = vector.broadcast %broadcast_in_dim3A_232 : vector<1024x1xf32> to vector<1024x512xf32>
    %eq3A_235 = arith.cmpf oeq, %add3A_229, %eq3A_234 : vector<1024x512xf32>
    %jit3A_236 = arith.constant 511 : i32
    %broadcast_in_dim3A_237 = vector.broadcast %jit3A_236 : i32 to vector<1024x512xi32>
    %select_n3A_238 = arith.select %eq3A_235, %iota3A_233, %broadcast_in_dim3A_237 : vector<1024x512xi1>, vector<1024x512xi32>
    %reduce_min3A_239 = arith.constant dense<2147483647> : vector<1024xi32>
    %reduce_min3A_240 = vector.multi_reduction <minsi>, %select_n3A_238, %reduce_min3A_239 [1] : vector<1024x512xi32> to vector<1024xi32>
    %swap3A_241 = arith.constant 7 : index
    %swap3A_242 = arith.constant 0 : index
    %swap3A_243 = vector.load %arg3[%swap3A_241, %swap3A_242] : memref<8x1024xi32, #tpu.memory_space<vmem>>, vector<1x1024xi32>
    %swap3A_244 = vector.shape_cast %swap3A_243 : vector<1x1024xi32> to vector<1024xi32>
    %swap3A_245 = vector.shape_cast %reduce_min3A_240 : vector<1024xi32> to vector<1x1024xi32>
    tpu.vector_store %arg3[%swap3A_241, %swap3A_242], %swap3A_245 {strides = array<i32>} : memref<8x1024xi32, #tpu.memory_space<vmem>>, vector<1x1024xi32>,
    return
  }
  func.func @transform_0(%arg0: i32) -> (i32, i32, i32) {
    %add3A = arith.constant 24 : i32
    %add3A_0 = arith.addi %arg0, %add3A : i32
    %c0_i32 = arith.constant 0 : i32
    %c0_i32_1 = arith.constant 0 : i32
    %c0_i32_2 = arith.constant 0 : i32
    return %add3A_0, %c0_i32, %c0_i32_1 : i32, i32, i32
  }
  func.func @transform_1(%arg0: i32) -> (i32, i32) {
    %c0_i32 = arith.constant 0 : i32
    %c0_i32_0 = arith.constant 0 : i32
    %c0_i32_1 = arith.constant 0 : i32
    return %c0_i32, %c0_i32_0 : i32, i32
  }
  func.func @transform_2(%arg0: i32) -> (i32, i32) {
    %c0_i32 = arith.constant 0 : i32
    %c0_i32_0 = arith.constant 0 : i32
    return %arg0, %c0_i32 : i32, i32
  }
}

</mosaic_0001>

<sc_bundles>
// kernel: kernel.10.cloned.1.call-start
scs
__scs_entry_jumppad:
0x0: {  	(pc) =	sbr.rel $0x88, $3  }
0x1: {  	(tag) =	ssettag $0x0;
	lr =	simm.s32 $0x1  }
0x2: {  	[smem:$0x3F9F] =	sst lr;
	_ =	strace $0xD0000000  }
0x3: {  	_ = 	snop  }
0x4: {  	_ = 	snop  }
0x5: {  	_ = 	snop  }
0x6: {  	_ = 	snop  }
0x7: {  	_ = 	snop  }
__scs_overlays_trampoline_lowered:
0x8: {  	[smem:$0x3FAE] =	sst s0  }
0x9: {  	[smem:$0x3FAF] =	sst s1  }
0xa: {  	[smem:$0x3FB0] =	sst s2  }
0xb: {  	[smem:$0x3FB1] =	sst s3  }
0xc: {  	[smem:$0x3FB2] =	sst s4  }
0xd: {  	[smem:$0x3FB3] =	sst s5  }
0xe: {  	[smem:$0x3FB4] =	sst s6  }
0xf: {  	[smem:$0x3FB5] =	sst s7  }
0x10: {  	[smem:$0x3FB6] =	sst s8  }
0x11: {  	[smem:$0x3FB7] =	sst s9;
	s0 =	simm.s32 @!p0 $0x0  }
0x12: {  	s1 =	sld [smem:$0x3F9D];
	s0 =	simm.s32 @p0 $0x1  }
0x13: {  	[smem:$0x3FB8] =	sst s0;
	s0 =	simm.s32 @!p1 $0x0  }
0x14: {  	s2 =	sld [smem:$0x3F9C];
	s0 =	simm.s32 @p1 $0x1  }
0x15: {  	[smem:$0x3FB9] =	sst s0;
	s0 =	simm.s32 @!p2 $0x0  }
0x16: {  	s3 =	sld [smem:$0x3FDB];
	s0 =	simm.s32 @p2 $0x1  }
0x17: {  	s4 =	simm.s32 $0x1BF5;
	[smem:$0x3FBB] =	sst s0  }
0x18: {  	s0 =	sld [smem:$0x3F9E];
	_ =	swait.ge [sflag:s4], $0x0  }
0x19: {  	s7 =	sld [smem:$0x3F9F]  }
0x1a: {  	s8 =	sadd.s32 $0xFFFFE003, lr  }
0x1b: {  	s9 =	sadd.s32 $0xFFFFFEF7, lr;
	s5 =	simm.s32 $0xFFFFFFFF;
	p2 =	slt.u32 s8, $0xFFFFF086  }
0x1c: {  	p1 =	slt.u32 s9, $0xF7A;
	s5 =	simm.s32 @!p2 $0x0  }
0x1d: {  	s5 =	simm.s32 @p1 $0x1;
	p0 =	seq.s32 s7, s2  }
0x1e: {  	s7 =	smul.u32 @!p0 $0xF7A, s2;
	p2 =	seq.s32 @!p0 s5, $0x0  }
0x1f: {  	s9 =	smul.u32 $0xF7A, s1;
	s8 =	simm.s32 @!p0 $0x1BF5;
	p2 =	por !p2, p0  }
0x20: {  	[sflag:s8] =	ssyncset.s32 @!p0 $0xFFFFF086;
	s6 =	sadd.s32 @!p0 s3, s7;
	s7 =	simm.s32 @!p0 $0x108  }
0x21: {  	s3 =	sadd.s32 s3, s9;
	s6 =	sadd.s32 @!p0 $0x88, s6;
	s7 =	simm.s32 @p2 $0x1082  }
0x22: {  	[simem:s7], [sflag:s8] =	dma.local @!p0 [hbm:s6], $0xF7A  }
0x23: {  	s9 =	sor.u32 $0xD0000000, s2;
	s6 =	simm.s32 $0x108;
	_ =	swait.ge @!p0 [sflag:s8], $0x0  }
0x24: {  	s3 =	sadd.s32 $0x88, s3;
	s6 =	simm.s32 @!p1 $0x1082;
	[sflag:s4] =	ssyncset.s32 $0xFFFFF086  }
0x25: {  	[simem:s6], [sflag:s4] =	dma.local [hbm:s3], $0xF7A  }
0x26: {  	[smem:$0x3F9F] =	sst s1;
	(tag) =	ssettag s2;
	_ =	strace s9  }
0x27: {  	s1 =	sld [smem:$0x3FAF]  }
0x28: {  	s2 =	sld [smem:$0x3FB0]  }
0x29: {  	s4 =	sld [smem:$0x3FB2]  }
0x2a: {  	p0 =	seq.s32 s5, $0x0;
	s5 =	sld [smem:$0x3FB3]  }
0x2b: {  	s6 =	sld [smem:$0x3FB4]  }
0x2c: {  	s7 =	sld [smem:$0x3FB5]  }
0x2d: {  	s3 =	simm.s32 $0x108;
	s8 =	sld [smem:$0x3FB6]  }
0x2e: {  	s3 =	simm.s32 @!p0 $0x1082;
	s9 =	sld [smem:$0x3FB7]  }
0x2f: {  	lr =	sadd.s32 s0, s3;
	s0 =	sld [smem:$0x3FAE]  }
0x30: {  	s3 =	sld [smem:$0x3FB1]  }
0x31: {  	[smem:$0x3FBA] =	sst s10  }
0x32: {  	s10 =	sld [smem:$0x3FB8];
	_ =	sdelay $0x3  }
0x33: {  	p0 =	seq.s32 s10, $0x1;
	s10 =	sld [smem:$0x3FBA];
	_ =	sdelay $0x3  }
0x34: {  	[smem:$0x3FBA] =	sst s10  }
0x35: {  	s10 =	sld [smem:$0x3FB9];
	_ =	sdelay $0x3  }
0x36: {  	p1 =	seq.s32 s10, $0x1;
	s10 =	sld [smem:$0x3FBA];
	_ =	sdelay $0x3  }
0x37: {  	[smem:$0x3FBA] =	sst s10  }
0x38: {  	s10 =	sld [smem:$0x3FBB]  }
0x39: {  	_ = 	snop;
	(pc) =	sbr.ind lr, $3  }
0x3a: {  	_ = 	snop  }
0x3b: {  	_ = 	snop  }
0x3c: {  	p2 =	seq.s32 s10, $0x1;
	s10 =	sld [smem:$0x3FBA]  }
0x3d: {  	_ =	shalt  }
0x3e: {  	_ =	shalt  }
0x3f: {  	_ =	shalt  }
0x40: {  	_ =	shalt  }
0x41: {  	_ =	shalt  }
0x42: {  	_ =	shalt  }
0x43: {  	_ =	shalt  }
0x44: {  	_ =	shalt  }
0x45: {  	_ =	shalt  }
0x46: {  	_ =	shalt  }
0x47: {  	_ =	shalt  }
0x48: {  	_ =	shalt  }
0x49: {  	_ =	shalt  }
0x4a: {  	_ =	shalt  }
0x4b: {  	_ =	shalt  }
0x4c: {  	_ =	shalt  }
0x4d: {  	_ =	shalt  }
0x4e: {  	_ =	shalt  }
0x4f: {  	_ =	shalt  }
0x50: {  	_ =	shalt  }
0x51: {  	_ =	shalt  }
0x52: {  	_ =	shalt  }
0x53: {  	_ =	shalt  }
0x54: {  	_ =	shalt  }
0x55: {  	_ =	shalt  }
0x56: {  	_ =	shalt  }
0x57: {  	_ =	shalt  }
0x58: {  	_ =	shalt  }
0x59: {  	_ =	shalt  }
0x5a: {  	_ =	shalt  }
0x5b: {  	_ =	shalt  }
0x5c: {  	_ =	shalt  }
0x5d: {  	_ =	shalt  }
0x5e: {  	_ =	shalt  }
0x5f: {  	_ =	shalt  }
0x60: {  	_ =	shalt  }
0x61: {  	_ =	shalt  }
0x62: {  	_ =	shalt  }
0x63: {  	_ =	shalt  }
0x64: {  	_ =	shalt  }
0x65: {  	_ =	shalt  }
0x66: {  	_ =	shalt  }
0x67: {  	_ =	shalt  }
0x68: {  	_ =	shalt  }
0x69: {  	_ =	shalt  }
0x6a: {  	_ =	shalt  }
0x6b: {  	_ =	shalt  }
0x6c: {  	_ =	shalt  }
0x6d: {  	_ =	shalt  }
0x6e: {  	_ =	shalt  }
0x6f: {  	_ =	shalt  }
0x70: {  	_ =	shalt  }
0x71: {  	_ =	shalt  }
0x72: {  	_ =	shalt  }
0x73: {  	_ =	shalt  }
0x74: {  	_ =	shalt  }
0x75: {  	_ =	shalt  }
0x76: {  	_ =	shalt  }
0x77: {  	_ =	shalt  }
0x78: {  	_ =	shalt  }
0x79: {  	_ =	shalt  }
0x7a: {  	_ =	shalt  }
0x7b: {  	_ =	shalt  }
0x7c: {  	_ =	shalt  }
0x7d: {  	_ =	shalt  }
0x7e: {  	_ =	shalt  }
0x7f: {  	_ =	shalt  }
0x80: {  	_ =	shalt  }
0x81: {  	_ =	shalt  }
0x82: {  	_ =	shalt  }
0x83: {  	_ =	shalt  }
0x84: {  	_ =	shalt  }
0x85: {  	_ =	shalt  }
0x86: {  	_ =	shalt  }
0x87: {  	_ =	shalt  }
.Lfunc_end0:
.L_simem_size_0:
called_computation.1_lowered:
.L_overlay_start_0:
0x88: {  	s2 =	sld [smem:$0x3FD9]  }
0x89: {  	s3 =	sld [smem:$0x3FFE];
	_ =	sdelay $0x1  }
0x8a: {  	s1 =	srdreg.scid  }
0x8b: {  	s0 =	sand.u32 $0x1, s1  }
0x8c: {  	s16 =	sshll.u32 s0, $0xA;
	s2 =	sadd.s32 s3, s2  }
0x8d: {  	s2 =	sadd.s32 s2, s16  }
0x8e: {  	[smem:$0x3FC6] =	sst s2  }
0x8f: {  	_ = 	snop  }
0x90: {  	(tm) =	ssettm $0x1  }
0x91: {  	s17 =	sld [smem:$0x3FFB];
	_ =	sdelay $0x3  }
0x92: {  	_ =	strace s17  }
0x93: {  	s2 =	sld [smem:$0x3FFC];
	_ =	sdelay $0x3  }
0x94: {  	_ =	strace s2  }
0x95: {  	s2 =	sld [smem:$0x3FFD];
	_ =	sdelay $0x3  }
0x96: {  	_ =	strace s2  }
0x97: {  	_ =	strace $0x8FFFFFFF  }
0x98: {  	s18 =	sld [smem:$0x3FDB];
	_ =	sdelay $0x1  }
0x99: {  	s19 =	simm.s32 $_scs_section_size  }
0x9a: {  	s4 =	simm.s32 $_size__tile_overlayer_lowered;
	s5 =	simm.s32 $_tile_overlayer_lowered  }
0x9b: {  	s22 =	simm.s32 $0x1BFF;
	s21 =	sshll.u32 s5, $0x1;
	s2 =	sadd.s32 s19, s18  }
0x9c: {  	s6 =	simm.s32 $0x0;
	s20 =	sshll.u32 s4, $0x1;
	s4 =	sadd.s32 s21, s2  }
0x9d: {  	[timem:s6], [sflag:s22] =	dma.local [hbm:s4], s20  }
0x9e: {  	_ =	swait.ge [sflag:s22], s20  }
0x9f: {  	s3 =	ssub.s32 $0x0, s20;
	[sflag:s22] =	ssyncset.done $0x0  }
0xa0: {  	[sflag:s22] =	ssyncadd.s32 s3;
	_ =	sdelay $0x1  }
0xa1: {  	s23 =	simm.s32 $0x1B8B  }
0xa2: {  	_ =	swait.ge [sflag:s23], $0x1  }
0xa3: {  	[sflag:s23] =	ssyncset.done $0x0  }
0xa4: {  	s25 =	simm.s32 $0x1B8E;
	s24 =	sld [smem:$0x3FFE];
	[sflag:s23] =	ssyncadd.s32 $0xFFFFFFFF  }
0xa5: {  	s26 =	simm.s32 $execute0_lowered;
	[smem:$0x3FD2] =	sst s25  }
0xa6: {  	s4 =	sshll.u32 s26, $0x1;
	_ =	strace $0x80000046;
	[dreg:$0x1] =	wrdreg $0xFFFFFFFF  }
0xa7: {  	s28 =	simm.s32 $_size_execute0_lowered;
	s2 =	sadd.s32 s2, s4;
	[dreg:$0x0] =	wrdreg $0x0  }
0xa8: {  	s4 =	sshll.u32 s28, $0x1;
	[dreg:$0x2] =	wrdreg s2  }
0xa9: {  	[dreg:$0x3] =	wrdreg s4  }
0xaa: {  	[dreg:$0x4] =	wrdreg $0xC0  }
0xab: {  	_ =	task [dreg:s6], $0x5FFFF  }
0xac: {  	[dreg:$0x1] =	wrdreg $0xFFFFFFFF  }
0xad: {  	[dreg:$0x0] =	wrdreg $0x60  }
0xae: {  	[dreg:$0x2] =	wrdreg s24  }
0xaf: {  	[dreg:$0x3] =	wrdreg $0x9  }
0xb0: {  	_ =	task.clear_ibuf [dreg:s6], $0x4FFFF;
	_ =	strace $0x90000046  }
0xb1: {  	s29 =	simm.s32 $0x9;
	_ =	strace $0x80000048  }
0xb2: {  	_ =	swait.ge [sflag:s29], $0x1  }
0xb3: {  	[sflag:s29] =	ssyncadd.s32 $0xFFFFFFFF  }
0xb4: {  	_ =	strace $0x90000048  }
0xb5: {  	_ =	sfence  }
0xb6: {  	s30 =	sld [smem:$0x0];
	_ =	sdelay $0x2  }
0xb7: {  	s31 =	sshll.u32 s1, $0xD;
	s1 =	sshrl.u32 s1, $0x2  }
0xb8: {  	s3 =	sand.u32 $0x4000, s31;
	s1 =	sadd.s32 s1, s30  }
0xb9: {  	s0 =	sor.u32 s3, s0;
	s1 =	sshll.u32 s1, $0x11  }
0xba: {  	s0 =	sor.u32 s1, s0  }
0xbb: {  	s0 =	sadd.s32 $0x8F2B, s0  }
0xbc: {  	[sflag:s0] =	ssyncadd.remote.s32 $0x1  }
0xbd: {  	_ =	sfence.sel $0xFFFF  }
0xbe: {  	[dreg:$0x0] =	wrdreg $0xFFFFFFFF;
	(pc) =	sbr.abs _section_cstart, $3  }
0xbf: {  	[dreg:$0x1] =	wrdreg $0xFFFFFFFF  }
0xc0: {  	_ =	task.clear_ibuf [dreg:s6], $0x2FFFF;
	_ =	strace $0x9FFFFFFF  }
0xc1: {  	(tm) =	ssettm $0x7FFFFFFF  }
tec
execute0_lowered:
.L_overlay_start_1:
0x0: {  	(tag) =	ssettag $0x1  }
0x1: {  	s4 =	rddreg [dreg:$0x0]  }
0x2: {  	s0 =	rddreg [dreg:$0x1]  }
0x3: {  	s1 =	simm.s32 $0x0;
	s5 =	srdreg.scid;
	s2 =	stileid.u32  }
0x4: {  	s13 =	simm.s32 $0x8400;
	s14 =	simm.s32 $0x0;
	[smem:$0x7FF] =	sst s1  }
0x5: {  	s3 =	sadd.s32 $0x1C00, s4;
	s6 =	sadd.s32 $0x2C00, s4;
	s5 =	sand.u32 $0x1, s5  }
0x6: {  	s7 =	sshll.u32 s2, $0x9;
	s9 =	sshrl.u32 s2, $0x1;
	s10 =	sadd.s32 $0x4C00, s4  }
0x7: {  	_ =	strace $0x80000047;
	s8 =	sshll.u32 s5, $0x8;
	s7 =	sand.u32 $0x200, s7  }
0x8: {  	s5 =	ssub.s32 $0x2, s5;
	s28 =	sshll.u32 s9, $0xD;
	s7 =	sor.u32 s8, s7  }
0x9: {  	s31 =	sshll.u32 s9, $0x13;
	s29 =	sshrl.u32 s5, $0x1;
	s11 =	sor.u32 s28, s7  }
0xa: {  	s12 =	ssub.s32 s5, s29;
	s9 =	sor.u32 s31, s7;
	s7 =	sor.u32 $0x80, s7  }
0xb: {  	s30 =	sshrl.u32 s11, $0x3;
	s9 =	sshrl.u32 s9, $0x3;
	s8 =	sor.u32 s28, s7  }
0xc: {  	s7 =	sor.u32 s31, s7;
	s11 =	simm.s32 $0x400;
	s4 =	sadd.s32 s6, s30  }
0xd: {  	s5 =	sadd.s32 s10, s9;
	s8 =	sshrl.u32 s8, $0x3;
	s7 =	sshrl.u32 s7, $0x3  }
0xe: {  	s9 =	simm.s32 $0x1;
	s6 =	sadd.s32 s6, s8;
	s7 =	sadd.s32 s10, s7  }
0xf: {  	s8 =	smax.u32 s12, $0x1;
	s10 =	simm.s32 $0x80;
	s12 =	simm.s32 $0x8000  }
.LBB2_1:
0x10: {  	[tilespmem:s1], [sflag:$0x1] =	stream.linear.gather [hbm4b:s3+s1], $0x8000, $0x38;
	[tilespmem:$0x18400] =	vst v63  }
0x11: {  	_ =	swait.ge [sflag:s9], $0x8000  }
0x12: {  	[sflag:s9] =	ssyncset.done $0x0  }
0x13: {  	[sflag:s9] =	ssyncadd.s32 $0xFFFF8000  }
0x14: {  	[tilespmem:s12], [sflag:$0x1] =	stream.strided.gather [hbm4b:s4+s10], $0x400, s11, s10, $0x38;
	[tilespmem:$0x18400] =	vst v63  }
0x15: {  	_ =	swait.ge [sflag:s9], $0x400  }
0x16: {  	[sflag:s9] =	ssyncset.done $0x0  }
0x17: {  	s15 =	sand.u32 $0x380, s1;
	[sflag:s9] =	ssyncadd.s32 $0xFFFFFC00  }
0x18: {  	v0 =	vld [tilespmem:s15+$0x8070]  }
0x19: {  	v1 =	vld [tilespmem:s15+$0x8000]  }
0x1a: {  	v2 =	vld [tilespmem:s15+$0x8010]  }
0x1b: {  	v3 =	vld [tilespmem:s15+$0x8020]  }
0x1c: {  	v4 =	vld [tilespmem:s15+$0x8030]  }
0x1d: {  	v5 =	vld [tilespmem:s15+$0x8040]  }
0x1e: {  	s31 =	simm.s32 $0x80;
	v6 =	vld [tilespmem:s15+$0x8050]  }
0x1f: {  	s17 =	sand.u32 $0x380, s31;
	v7 =	vld [tilespmem:s15+$0x8060]  }
0x20: {  	v8 =	vld [tilespmem:s17+$0x8070]  }
0x21: {  	v9 =	vld [tilespmem:s17+$0x8000]  }
0x22: {  	s16 =	sand.u32 $0x7E00, s1;
	v10 =	vld [tilespmem:s17+$0x8010]  }
0x23: {  	v11 =	vld [tilespmem:s17+$0x8020];
	v0 =	vadd.s32 s16, v0  }
0x24: {  	v12 =	vld [tilespmem:s17+$0x8030];
	v1 =	vadd.s32 s16, v1  }
0x25: {  	v13 =	vld [tilespmem:s17+$0x8040];
	v2 =	vadd.s32 s16, v2  }
0x26: {  	v14 =	vld [tilespmem:s17+$0x8050];
	v3 =	vadd.s32 s16, v3  }
0x27: {  	v15 =	vld [tilespmem:s17+$0x8060];
	v4 =	vadd.s32 s16, v4  }
0x28: {  	v5 =	vadd.s32 s16, v5;
	v0 =	vld.idx.msk [tilespmem:v0+s1+$0x0], $0xffff  }
0x29: {  	s15 =	simm.s32 $0x40;
	v7 =	vadd.s32 s16, v7;
	v1 =	vld.idx.msk [tilespmem:v1+s1+$0x0], $0xffff  }
0x2a: {  	s18 =	sand.u32 $0x7E00, s15;
	v6 =	vadd.s32 s16, v6;
	v2 =	vld.idx.msk [tilespmem:v2+s1+$0x0], $0xffff  }
0x2b: {  	v8 =	vadd.s32 s18, v8;
	v3 =	vld.idx.msk [tilespmem:v3+s1+$0x0], $0xffff  }
0x2c: {  	v9 =	vadd.s32 s18, v9;
	v4 =	vld.idx.msk [tilespmem:v4+s1+$0x0], $0xffff  }
0x2d: {  	s16 =	simm.s32 $0x8440;
	v10 =	vadd.s32 s18, v10;
	v5 =	vld.idx.msk [tilespmem:v5+s1+$0x0], $0xffff  }
0x2e: {  	v7 =	vld.idx.msk [tilespmem:v7+s1+$0x0], $0xffff;
	[tilespmem:s16+$0x30] =	vst v0;
	v0 =	vadd.s32 s18, v11  }
0x2f: {  	v11 =	vld.idx.msk [tilespmem:v6+s1+$0x0], $0xffff;
	[tilespmem:s16+$0xFFFFFFC0] =	vst v1;
	v6 =	vadd.s32 s18, v12  }
0x30: {  	[tilespmem:s16+$0xFFFFFFD0] =	vst v2;
	v2 =	vld.idx.msk [tilespmem:v8+s1+$0x0], $0xffff;
	v8 =	vadd.s32 s18, v13  }
0x31: {  	[tilespmem:s16+$0xFFFFFFE0] =	vst v3;
	v3 =	vld.idx.msk [tilespmem:v9+s1+$0x0], $0xffff  }
0x32: {  	[tilespmem:s16+$0xFFFFFFF0] =	vst v4;
	v4 =	vld.idx.msk [tilespmem:v10+s1+$0x0], $0xffff  }
0x33: {  	[tilespmem:s16+$0x0] =	vst v5;
	v5 =	vld.idx.msk [tilespmem:v0+s1+$0x0], $0xffff  }
0x34: {  	s17 =	simm.s32 $0x8;
	v1 =	vadd.s32 s18, v14;
	v0 =	vadd.s32 s18, v15;
	v6 =	vld.idx.msk [tilespmem:v6+s1+$0x0], $0xffff;
	s18 =	simm.s32 $0x100;
	[tilespmem:s16+$0x10] =	vst v11  }
.LBB2_2:
0x35: {  	s19 =	sand.u32 $0x380, s18;
	s17 =	sadd.s32 $0x8, s17;
	v8 =	vld.idx.msk [tilespmem:v8+s1+$0x0], $0xffff;
	[tilespmem:s16+$0x20] =	vst v7;
	s16 =	sadd.s32 $0x80, s16  }
0x36: {  	v7 =	vld [tilespmem:s19+$0x8070];
	p0 =	slt.u32 s17, $0xFF8;
	[tilespmem:s16+$0x30] =	vst v2  }
0x37: {  	v2 =	vld [tilespmem:s19+$0x8000];
	[tilespmem:s16+$0xFFFFFFC0] =	vst v3  }
0x38: {  	v3 =	vld [tilespmem:s19+$0x8010];
	[tilespmem:s16+$0xFFFFFFD0] =	vst v4  }
0x39: {  	s15 =	sadd.s32 $0x40, s15;
	v4 =	vld [tilespmem:s19+$0x8020];
	[tilespmem:s16+$0xFFFFFFE0] =	vst v5  }
0x3a: {  	s20 =	sand.u32 $0x7E00, s15;
	v5 =	vld [tilespmem:s19+$0x8030];
	[tilespmem:s16+$0xFFFFFFF0] =	vst v6  }
0x3b: {  	v6 =	vld [tilespmem:s19+$0x8040];
	v9 =	vadd.s32 s20, v7;
	[tilespmem:s16+$0x0] =	vst v8  }
0x3c: {  	v10 =	vadd.s32 s20, v2;
	v11 =	vld [tilespmem:s19+$0x8050]  }
0x3d: {  	v12 =	vadd.s32 s20, v3;
	v13 =	vld [tilespmem:s19+$0x8060]  }
0x3e: {  	v14 =	vadd.s32 s20, v4;
	v15 =	vld.idx.msk [tilespmem:v1+s1+$0x0], $0xffff  }
0x3f: {  	v16 =	vadd.s32 s20, v5;
	v7 =	vld.idx.msk [tilespmem:v0+s1+$0x0], $0xffff  }
.Ltmp0:
0x40: {  	v8 =	vadd.s32 s20, v6;
	v2 =	vld.idx.msk [tilespmem:v9+s1+$0x0], $0xffff;
	(pc) =	sbr.rel @p0 .LBB2_2-.Ltmp0, $4  }
0x41: {  	v3 =	vld.idx.msk [tilespmem:v10+s1+$0x0], $0xffff;
	v1 =	vadd.s32 s20, v11  }
0x42: {  	v4 =	vld.idx.msk [tilespmem:v12+s1+$0x0], $0xffff;
	v0 =	vadd.s32 s20, v13  }
0x43: {  	v5 =	vld.idx.msk [tilespmem:v14+s1+$0x0], $0xffff  }
0x44: {  	s18 =	sadd.s32 $0x80, s18;
	v6 =	vld.idx.msk [tilespmem:v16+s1+$0x0], $0xffff;
	[tilespmem:s16+$0x10] =	vst v15  }
0x45: {  	_ =	sdelay $0x2  }
0x46: {  	[tilespmem:s16+$0x20] =	vst v7;
	s15 =	sadd.s32 $0x80, s16  }
0x47: {  	v7 =	vld.idx.msk [tilespmem:v8+s1+$0x0], $0xffff;
	[tilespmem:s15+$0x30] =	vst v2  }
0x48: {  	v1 =	vld.idx.msk [tilespmem:v1+s1+$0x0], $0xffff;
	[tilespmem:s15+$0xFFFFFFC0] =	vst v3  }
0x49: {  	v0 =	vld.idx.msk [tilespmem:v0+s1+$0x0], $0xffff;
	[tilespmem:s15+$0xFFFFFFD0] =	vst v4  }
0x4a: {  	[tilespmem:s15+$0xFFFFFFE0] =	vst v5  }
0x4b: {  	[tilespmem:s15+$0xFFFFFFF0] =	vst v6  }
0x4c: {  	[tilespmem:s15+$0x0] =	vst v7  }
0x4d: {  	[tilespmem:s15+$0x10] =	vst v1  }
0x4e: {  	[tilespmem:s15+$0x20] =	vst v0  }
0x4f: {  	[hbm4b:s5+s10] =	stream.strided.scatter [tilespmem:s13], [sflag:$0x1], $0x10000, s11, s10, $0x38;
	[tilespmem:$0x18400] =	vst v63  }
0x50: {  	_ =	swait.ge [sflag:s9], $0x10000  }
0x51: {  	[sflag:s9] =	ssyncset.done $0x0  }
0x52: {  	[sflag:s9] =	ssyncadd.s32 $0xFFFF0000  }
0x53: {  	[tilespmem:s12], [sflag:$0x1] =	stream.strided.gather [hbm4b:s6+s10], $0x400, s11, s10, $0x38;
	[tilespmem:$0x18400] =	vst v63  }
0x54: {  	_ =	swait.ge [sflag:s9], $0x400  }
0x55: {  	s29 =	simm.s32 $0x0;
	[sflag:s9] =	ssyncset.done $0x0  }
0x56: {  	s30 =	sand.u32 $0x380, s29;
	[sflag:s9] =	ssyncadd.s32 $0xFFFFFC00  }
0x57: {  	v0 =	vld [tilespmem:s30+$0x8070]  }
0x58: {  	v1 =	vld [tilespmem:s30+$0x8000]  }
0x59: {  	v2 =	vld [tilespmem:s30+$0x8010]  }
0x5a: {  	v3 =	vld [tilespmem:s30+$0x8020]  }
0x5b: {  	v4 =	vld [tilespmem:s30+$0x8030]  }
0x5c: {  	v5 =	vld [tilespmem:s30+$0x8040]  }
0x5d: {  	s31 =	simm.s32 $0x80;
	v6 =	vld [tilespmem:s30+$0x8050]  }
0x5e: {  	s18 =	sand.u32 $0x380, s31;
	v7 =	vld [tilespmem:s30+$0x8060]  }
0x5f: {  	v8 =	vld [tilespmem:s18+$0x8070]  }
0x60: {  	v9 =	vld [tilespmem:s18+$0x8000]  }
0x61: {  	s17 =	sand.u32 $0x7E00, s29;
	v10 =	vld [tilespmem:s18+$0x8010]  }
0x62: {  	v11 =	vld [tilespmem:s18+$0x8020];
	v0 =	vadd.s32 s17, v0  }
0x63: {  	v12 =	vld [tilespmem:s18+$0x8030];
	v1 =	vadd.s32 s17, v1  }
0x64: {  	v13 =	vld [tilespmem:s18+$0x8040];
	v2 =	vadd.s32 s17, v2  }
0x65: {  	v14 =	vld [tilespmem:s18+$0x8050];
	v3 =	vadd.s32 s17, v3  }
0x66: {  	v15 =	vld [tilespmem:s18+$0x8060];
	v4 =	vadd.s32 s17, v4  }
0x67: {  	v5 =	vadd.s32 s17, v5;
	v0 =	vld.idx.msk [tilespmem:v0+s1+$0x0], $0xffff  }
0x68: {  	s15 =	simm.s32 $0x40;
	v7 =	vadd.s32 s17, v7;
	v1 =	vld.idx.msk [tilespmem:v1+s1+$0x0], $0xffff  }
0x69: {  	s19 =	sand.u32 $0x7E00, s15;
	v6 =	vadd.s32 s17, v6;
	v2 =	vld.idx.msk [tilespmem:v2+s1+$0x0], $0xffff  }
0x6a: {  	v8 =	vadd.s32 s19, v8;
	v3 =	vld.idx.msk [tilespmem:v3+s1+$0x0], $0xffff  }
0x6b: {  	v9 =	vadd.s32 s19, v9;
	v4 =	vld.idx.msk [tilespmem:v4+s1+$0x0], $0xffff  }
0x6c: {  	s16 =	simm.s32 $0x8440;
	v10 =	vadd.s32 s19, v10;
	v5 =	vld.idx.msk [tilespmem:v5+s1+$0x0], $0xffff  }
0x6d: {  	v7 =	vld.idx.msk [tilespmem:v7+s1+$0x0], $0xffff;
	[tilespmem:s16+$0x30] =	vst v0;
	v0 =	vadd.s32 s19, v11  }
0x6e: {  	v11 =	vld.idx.msk [tilespmem:v6+s1+$0x0], $0xffff;
	[tilespmem:s16+$0xFFFFFFC0] =	vst v1;
	v6 =	vadd.s32 s19, v12  }
0x6f: {  	[tilespmem:s16+$0xFFFFFFD0] =	vst v2;
	v2 =	vld.idx.msk [tilespmem:v8+s1+$0x0], $0xffff;
	v8 =	vadd.s32 s19, v13  }
0x70: {  	[tilespmem:s16+$0xFFFFFFE0] =	vst v3;
	v3 =	vld.idx.msk [tilespmem:v9+s1+$0x0], $0xffff  }
0x71: {  	[tilespmem:s16+$0xFFFFFFF0] =	vst v4;
	v4 =	vld.idx.msk [tilespmem:v10+s1+$0x0], $0xffff  }
0x72: {  	[tilespmem:s16+$0x0] =	vst v5;
	v5 =	vld.idx.msk [tilespmem:v0+s1+$0x0], $0xffff  }
0x73: {  	s18 =	simm.s32 $0x100;
	s17 =	simm.s32 $0x8;
	v1 =	vadd.s32 s19, v14;
	v0 =	vadd.s32 s19, v15;
	v6 =	vld.idx.msk [tilespmem:v6+s1+$0x0], $0xffff;
	[tilespmem:s16+$0x10] =	vst v11  }
.LBB2_4:
0x74: {  	s19 =	sand.u32 $0x380, s18;
	s17 =	sadd.s32 $0x8, s17;
	v8 =	vld.idx.msk [tilespmem:v8+s1+$0x0], $0xffff;
	[tilespmem:s16+$0x20] =	vst v7;
	s16 =	sadd.s32 $0x80, s16  }
0x75: {  	v7 =	vld [tilespmem:s19+$0x8070];
	p0 =	slt.u32 s17, $0xFF8;
	[tilespmem:s16+$0x30] =	vst v2  }
0x76: {  	v2 =	vld [tilespmem:s19+$0x8000];
	[tilespmem:s16+$0xFFFFFFC0] =	vst v3  }
0x77: {  	v3 =	vld [tilespmem:s19+$0x8010];
	[tilespmem:s16+$0xFFFFFFD0] =	vst v4  }
0x78: {  	s15 =	sadd.s32 $0x40, s15;
	v4 =	vld [tilespmem:s19+$0x8020];
	[tilespmem:s16+$0xFFFFFFE0] =	vst v5  }
0x79: {  	s20 =	sand.u32 $0x7E00, s15;
	v5 =	vld [tilespmem:s19+$0x8030];
	[tilespmem:s16+$0xFFFFFFF0] =	vst v6  }
0x7a: {  	v6 =	vld [tilespmem:s19+$0x8040];
	v9 =	vadd.s32 s20, v7;
	[tilespmem:s16+$0x0] =	vst v8  }
0x7b: {  	v10 =	vadd.s32 s20, v2;
	v11 =	vld [tilespmem:s19+$0x8050]  }
0x7c: {  	v12 =	vadd.s32 s20, v3;
	v13 =	vld [tilespmem:s19+$0x8060]  }
0x7d: {  	v14 =	vadd.s32 s20, v4;
	v15 =	vld.idx.msk [tilespmem:v1+s1+$0x0], $0xffff  }
0x7e: {  	v16 =	vadd.s32 s20, v5;
	v7 =	vld.idx.msk [tilespmem:v0+s1+$0x0], $0xffff  }
.Ltmp1:
0x7f: {  	v8 =	vadd.s32 s20, v6;
	v2 =	vld.idx.msk [tilespmem:v9+s1+$0x0], $0xffff;
	(pc) =	sbr.rel @p0 .LBB2_4-.Ltmp1, $4  }
0x80: {  	v3 =	vld.idx.msk [tilespmem:v10+s1+$0x0], $0xffff;
	v1 =	vadd.s32 s20, v11  }
0x81: {  	v4 =	vld.idx.msk [tilespmem:v12+s1+$0x0], $0xffff;
	v0 =	vadd.s32 s20, v13  }
0x82: {  	v5 =	vld.idx.msk [tilespmem:v14+s1+$0x0], $0xffff  }
0x83: {  	s18 =	sadd.s32 $0x80, s18;
	v6 =	vld.idx.msk [tilespmem:v16+s1+$0x0], $0xffff;
	[tilespmem:s16+$0x10] =	vst v15  }
0x84: {  	_ =	sdelay $0x2  }
0x85: {  	[tilespmem:s16+$0x20] =	vst v7;
	s15 =	sadd.s32 $0x80, s16  }
0x86: {  	v63 =	vld.idx.msk [tilespmem:v8+s1+$0x0], $0xffff;
	[tilespmem:s15+$0x30] =	vst v2  }
0x87: {  	v1 =	vld.idx.msk [tilespmem:v1+s1+$0x0], $0xffff;
	[tilespmem:s15+$0xFFFFFFC0] =	vst v3  }
0x88: {  	v0 =	vld.idx.msk [tilespmem:v0+s1+$0x0], $0xffff;
	[tilespmem:s15+$0xFFFFFFD0] =	vst v4  }
0x89: {  	[tilespmem:s15+$0xFFFFFFE0] =	vst v5  }
0x8a: {  	[tilespmem:s15+$0xFFFFFFF0] =	vst v6  }
0x8b: {  	s14 =	sadd.s32 $0x1, s14;
	[tilespmem:s15+$0x0] =	vst v63  }
0x8c: {  	p0 =	sne.s32 s14, s8;
	[tilespmem:s15+$0x10] =	vst v1  }
.Ltmp2:
0x8d: {  	[tilespmem:s15+$0x20] =	vst v0;
	(pc) =	sbr.rel @p0 .LBB2_1-.Ltmp2, $4  }
0x8e: {  	[hbm4b:s7+s10] =	stream.strided.scatter [tilespmem:s13], [sflag:$0x1], $0x10000, s11, s10, $0x38;
	[tilespmem:$0x18400] =	vst v63  }
0x8f: {  	_ =	swait.ge [sflag:s9], $0x10000  }
0x90: {  	[sflag:s9] =	ssyncset.done $0x0  }
0x91: {  	[sflag:s9] =	ssyncadd.s32 $0xFFFF0000  }
0x92: {  	_ =	sfence.sel $0x180000  }
0x93: {  	[bflag:$0x0] =	sbarrier.arrive $0xFFFF  }
0x94: {  	p0 =	sne.s32 s2, $0x0;
	_ =	strace $0x90000047  }
0x95: {  	s0 =	sadd.s32 @!p0 $0x100000, s0;
	[bflag:$0x2] =	sbarrier.arrive $0xFFFF  }
0x96: {  	[sflag:s0] =	ssyncadd.tile.s32 @!p0 $0x1;
	_ =	shalt  }
.Lfunc_end2:
_tile_overlayer_lowered:
.L_overlay_start_2:
0x97: {  	(tag) =	ssettag $0x2  }
0x98: {  	s0 =	rddreg [dreg:$0x0];
	s2 =	stileid.u32  }
0x99: {  	s1 =	rddreg [dreg:$0x1];
	p0 =	sne.s32 s2, $0x0  }
0x9a: {  	s3 =	rddreg [dreg:$0x2];
	[bflag:$0x3] =	sbarrier.arrive $0xFFFF;
	s2 =	simm.s32 @!p0 $0x1C01  }
0x9b: {  	[timem:s3], [sflag:s2] =	dma.local @!p0 [hbm:s0], s1  }
0x9c: {  	s0 =	simm.s32 @!p0 $0x1  }
0x9d: {  	_ =	swait.ge @!p0 [sflag:s0], s1  }
0x9e: {  	s1 =	ssub.s32 @!p0 $0x0, s1;
	[sflag:s0] =	ssyncset.done @!p0 $0x0  }
0x9f: {  	[sflag:s0] =	ssyncadd.s32 @!p0 s1  }
0xa0: {  	[bflag:$0x3] =	sbarrier.arrive $0xFFFF  }
0xa1: {  	_ =	shalt  }

// kernel: kernel.13.cloned.1.call-start
scs
__scs_entry_jumppad:
0x0: {  	(pc) =	sbr.rel $0x88, $3  }
0x1: {  	(tag) =	ssettag $0x0;
	lr =	simm.s32 $0x1  }
0x2: {  	[smem:$0x3F9F] =	sst lr;
	_ =	strace $0xD0000000  }
0x3: {  	_ = 	snop  }
0x4: {  	_ = 	snop  }
0x5: {  	_ = 	snop  }
0x6: {  	_ = 	snop  }
0x7: {  	_ = 	snop  }
__scs_overlays_trampoline_lowered:
0x8: {  	[smem:$0x3FAE] =	sst s0  }
0x9: {  	[smem:$0x3FAF] =	sst s1  }
0xa: {  	[smem:$0x3FB0] =	sst s2  }
0xb: {  	[smem:$0x3FB1] =	sst s3  }
0xc: {  	[smem:$0x3FB2] =	sst s4  }
0xd: {  	[smem:$0x3FB3] =	sst s5  }
0xe: {  	[smem:$0x3FB4] =	sst s6  }
0xf: {  	[smem:$0x3FB5] =	sst s7  }
0x10: {  	[smem:$0x3FB6] =	sst s8  }
0x11: {  	[smem:$0x3FB7] =	sst s9;
	s0 =	simm.s32 @!p0 $0x0  }
0x12: {  	s1 =	sld [smem:$0x3F9D];
	s0 =	simm.s32 @p0 $0x1  }
0x13: {  	[smem:$0x3FB8] =	sst s0;
	s0 =	simm.s32 @!p1 $0x0  }
0x14: {  	s2 =	sld [smem:$0x3F9C];
	s0 =	simm.s32 @p1 $0x1  }
0x15: {  	[smem:$0x3FB9] =	sst s0;
	s0 =	simm.s32 @!p2 $0x0  }
0x16: {  	s3 =	sld [smem:$0x3FDB];
	s0 =	simm.s32 @p2 $0x1  }
0x17: {  	s4 =	simm.s32 $0x1BF5;
	[smem:$0x3FBB] =	sst s0  }
0x18: {  	s0 =	sld [smem:$0x3F9E];
	_ =	swait.ge [sflag:s4], $0x0  }
0x19: {  	s7 =	sld [smem:$0x3F9F]  }
0x1a: {  	s8 =	sadd.s32 $0xFFFFE003, lr  }
0x1b: {  	s9 =	sadd.s32 $0xFFFFFEF7, lr;
	s5 =	simm.s32 $0xFFFFFFFF;
	p2 =	slt.u32 s8, $0xFFFFF086  }
0x1c: {  	p1 =	slt.u32 s9, $0xF7A;
	s5 =	simm.s32 @!p2 $0x0  }
0x1d: {  	s5 =	simm.s32 @p1 $0x1;
	p0 =	seq.s32 s7, s2  }
0x1e: {  	s7 =	smul.u32 @!p0 $0xF7A, s2;
	p2 =	seq.s32 @!p0 s5, $0x0  }
0x1f: {  	s9 =	smul.u32 $0xF7A, s1;
	s8 =	simm.s32 @!p0 $0x1BF5;
	p2 =	por !p2, p0  }
0x20: {  	[sflag:s8] =	ssyncset.s32 @!p0 $0xFFFFF086;
	s6 =	sadd.s32 @!p0 s3, s7;
	s7 =	simm.s32 @!p0 $0x108  }
0x21: {  	s3 =	sadd.s32 s3, s9;
	s6 =	sadd.s32 @!p0 $0x88, s6;
	s7 =	simm.s32 @p2 $0x1082  }
0x22: {  	[simem:s7], [sflag:s8] =	dma.local @!p0 [hbm:s6], $0xF7A  }
0x23: {  	s9 =	sor.u32 $0xD0000000, s2;
	s6 =	simm.s32 $0x108;
	_ =	swait.ge @!p0 [sflag:s8], $0x0  }
0x24: {  	s3 =	sadd.s32 $0x88, s3;
	s6 =	simm.s32 @!p1 $0x1082;
	[sflag:s4] =	ssyncset.s32 $0xFFFFF086  }
0x25: {  	[simem:s6], [sflag:s4] =	dma.local [hbm:s3], $0xF7A  }
0x26: {  	[smem:$0x3F9F] =	sst s1;
	(tag) =	ssettag s2;
	_ =	strace s9  }
0x27: {  	s1 =	sld [smem:$0x3FAF]  }
0x28: {  	s2 =	sld [smem:$0x3FB0]  }
0x29: {  	s4 =	sld [smem:$0x3FB2]  }
0x2a: {  	p0 =	seq.s32 s5, $0x0;
	s5 =	sld [smem:$0x3FB3]  }
0x2b: {  	s6 =	sld [smem:$0x3FB4]  }
0x2c: {  	s7 =	sld [smem:$0x3FB5]  }
0x2d: {  	s3 =	simm.s32 $0x108;
	s8 =	sld [smem:$0x3FB6]  }
0x2e: {  	s3 =	simm.s32 @!p0 $0x1082;
	s9 =	sld [smem:$0x3FB7]  }
0x2f: {  	lr =	sadd.s32 s0, s3;
	s0 =	sld [smem:$0x3FAE]  }
0x30: {  	s3 =	sld [smem:$0x3FB1]  }
0x31: {  	[smem:$0x3FBA] =	sst s10  }
0x32: {  	s10 =	sld [smem:$0x3FB8];
	_ =	sdelay $0x3  }
0x33: {  	p0 =	seq.s32 s10, $0x1;
	s10 =	sld [smem:$0x3FBA];
	_ =	sdelay $0x3  }
0x34: {  	[smem:$0x3FBA] =	sst s10  }
0x35: {  	s10 =	sld [smem:$0x3FB9];
	_ =	sdelay $0x3  }
0x36: {  	p1 =	seq.s32 s10, $0x1;
	s10 =	sld [smem:$0x3FBA];
	_ =	sdelay $0x3  }
0x37: {  	[smem:$0x3FBA] =	sst s10  }
0x38: {  	s10 =	sld [smem:$0x3FBB]  }
0x39: {  	_ = 	snop;
	(pc) =	sbr.ind lr, $3  }
0x3a: {  	_ = 	snop  }
0x3b: {  	_ = 	snop  }
0x3c: {  	p2 =	seq.s32 s10, $0x1;
	s10 =	sld [smem:$0x3FBA]  }
0x3d: {  	_ =	shalt  }
0x3e: {  	_ =	shalt  }
0x3f: {  	_ =	shalt  }
0x40: {  	_ =	shalt  }
0x41: {  	_ =	shalt  }
0x42: {  	_ =	shalt  }
0x43: {  	_ =	shalt  }
0x44: {  	_ =	shalt  }
0x45: {  	_ =	shalt  }
0x46: {  	_ =	shalt  }
0x47: {  	_ =	shalt  }
0x48: {  	_ =	shalt  }
0x49: {  	_ =	shalt  }
0x4a: {  	_ =	shalt  }
0x4b: {  	_ =	shalt  }
0x4c: {  	_ =	shalt  }
0x4d: {  	_ =	shalt  }
0x4e: {  	_ =	shalt  }
0x4f: {  	_ =	shalt  }
0x50: {  	_ =	shalt  }
0x51: {  	_ =	shalt  }
0x52: {  	_ =	shalt  }
0x53: {  	_ =	shalt  }
0x54: {  	_ =	shalt  }
0x55: {  	_ =	shalt  }
0x56: {  	_ =	shalt  }
0x57: {  	_ =	shalt  }
0x58: {  	_ =	shalt  }
0x59: {  	_ =	shalt  }
0x5a: {  	_ =	shalt  }
0x5b: {  	_ =	shalt  }
0x5c: {  	_ =	shalt  }
0x5d: {  	_ =	shalt  }
0x5e: {  	_ =	shalt  }
0x5f: {  	_ =	shalt  }
0x60: {  	_ =	shalt  }
0x61: {  	_ =	shalt  }
0x62: {  	_ =	shalt  }
0x63: {  	_ =	shalt  }
0x64: {  	_ =	shalt  }
0x65: {  	_ =	shalt  }
0x66: {  	_ =	shalt  }
0x67: {  	_ =	shalt  }
0x68: {  	_ =	shalt  }
0x69: {  	_ =	shalt  }
0x6a: {  	_ =	shalt  }
0x6b: {  	_ =	shalt  }
0x6c: {  	_ =	shalt  }
0x6d: {  	_ =	shalt  }
0x6e: {  	_ =	shalt  }
0x6f: {  	_ =	shalt  }
0x70: {  	_ =	shalt  }
0x71: {  	_ =	shalt  }
0x72: {  	_ =	shalt  }
0x73: {  	_ =	shalt  }
0x74: {  	_ =	shalt  }
0x75: {  	_ =	shalt  }
0x76: {  	_ =	shalt  }
0x77: {  	_ =	shalt  }
0x78: {  	_ =	shalt  }
0x79: {  	_ =	shalt  }
0x7a: {  	_ =	shalt  }
0x7b: {  	_ =	shalt  }
0x7c: {  	_ =	shalt  }
0x7d: {  	_ =	shalt  }
0x7e: {  	_ =	shalt  }
0x7f: {  	_ =	shalt  }
0x80: {  	_ =	shalt  }
0x81: {  	_ =	shalt  }
0x82: {  	_ =	shalt  }
0x83: {  	_ =	shalt  }
0x84: {  	_ =	shalt  }
0x85: {  	_ =	shalt  }
0x86: {  	_ =	shalt  }
0x87: {  	_ =	shalt  }
.Lfunc_end0:
.L_simem_size_0:
called_computation.2_lowered:
.L_overlay_start_0:
0x88: {  	s2 =	sld [smem:$0x3FD9]  }
0x89: {  	s3 =	sld [smem:$0x3FFE];
	_ =	sdelay $0x1  }
0x8a: {  	s1 =	srdreg.scid  }
0x8b: {  	s0 =	sand.u32 $0x1, s1  }
0x8c: {  	s17 =	sshll.u32 s0, $0xA;
	s2 =	sadd.s32 s3, s2  }
0x8d: {  	s2 =	sadd.s32 s2, s17  }
0x8e: {  	[smem:$0x3FC6] =	sst s2  }
0x8f: {  	_ = 	snop  }
0x90: {  	(tm) =	ssettm $0x1  }
0x91: {  	s18 =	sld [smem:$0x3FFB];
	_ =	sdelay $0x3  }
0x92: {  	_ =	strace s18  }
0x93: {  	s2 =	sld [smem:$0x3FFC];
	_ =	sdelay $0x3  }
0x94: {  	_ =	strace s2  }
0x95: {  	s2 =	sld [smem:$0x3FFD];
	_ =	sdelay $0x3  }
0x96: {  	_ =	strace s2  }
0x97: {  	_ =	strace $0x8FFFFFFF  }
0x98: {  	s19 =	sld [smem:$0x3FDB];
	_ =	sdelay $0x1  }
0x99: {  	s20 =	simm.s32 $_scs_section_size  }
0x9a: {  	s4 =	simm.s32 $_size__tile_overlayer_lowered;
	s5 =	simm.s32 $_tile_overlayer_lowered  }
0x9b: {  	s6 =	simm.s32 $0x1BFF;
	s21 =	sshll.u32 s5, $0x1;
	s3 =	sadd.s32 s20, s19  }
0x9c: {  	s22 =	simm.s32 $0x0;
	s4 =	sshll.u32 s4, $0x1;
	s5 =	sadd.s32 s21, s3  }
0x9d: {  	[timem:s22], [sflag:s6] =	dma.local [hbm:s5], s4  }
0x9e: {  	_ =	swait.ge [sflag:s6], s4  }
0x9f: {  	s4 =	ssub.s32 $0x0, s4;
	[sflag:s6] =	ssyncset.done $0x0  }
0xa0: {  	[sflag:s6] =	ssyncadd.s32 s4;
	_ =	sdelay $0x1  }
0xa1: {  	s23 =	simm.s32 $0x1B8B  }
0xa2: {  	_ =	swait.ge [sflag:s23], $0x1  }
0xa3: {  	[sflag:s23] =	ssyncset.done $0x0  }
0xa4: {  	[sflag:s23] =	ssyncadd.s32 $0xFFFFFFFF  }
0xa5: {  	s4 =	sld [smem:$0x0]  }
0xa6: {  	s5 =	sand.u32 $0xFFFFFFFE, s1  }
0xa7: {  	p0 =	sne.s32 s1, s5  }
0xa8: {  	s5 =	sshll.u32 @p0 s5, $0xE  }
0xa9: {  	s5 =	sadd.s32 @p0 $0x11B8D, s5;
	s6 =	sshll.u32 @p0 s4, $0x11  }
0xaa: {  	s5 =	sor.u32 @p0 s6, s5  }
0xab: {  	[sflag:s5] =	ssyncadd.remote.s32 @p0 $0x1;
	_ =	sdelay $0x1  }
0xac: {  	s5 =	simm.s32 @p0 $0x1B8D  }
0xad: {  	_ =	swait.eq @p0 [sflag:s5], $0x1  }
0xae: {  	[sflag:s5] =	ssyncadd.s32 @p0 $0xFFFFFFFF  }
0xaf: {  	s6 =	sshll.u32 @!p0 s1, $0xE  }
0xb0: {  	s6 =	sor.u32 @!p0 $0x4000, s6;
	s5 =	simm.s32 @!p0 $0x1B8D  }
0xb1: {  	s4 =	sshll.u32 @!p0 s4, $0x11;
	s6 =	sadd.s32 @!p0 $0x11B8D, s6;
	_ =	swait.eq @!p0 [sflag:s5], $0x1  }
0xb2: {  	s4 =	sor.u32 @!p0 s4, s6;
	[sflag:s5] =	ssyncadd.s32 @!p0 $0xFFFFFFFF  }
0xb3: {  	s25 =	simm.s32 $0x1B8E;
	s24 =	sld [smem:$0x3FFE];
	[sflag:s4] =	ssyncadd.remote.s32 @!p0 $0x1  }
0xb4: {  	s26 =	simm.s32 $execute0_lowered;
	[smem:$0x3FD2] =	sst s25  }
0xb5: {  	s5 =	sshll.u32 s26, $0x1;
	_ =	strace $0x80000049;
	[dreg:$0x1] =	wrdreg $0xFFFFFFFF  }
0xb6: {  	s28 =	simm.s32 $_size_execute0_lowered;
	s3 =	sadd.s32 s3, s5;
	[dreg:$0x0] =	wrdreg $0x0  }
0xb7: {  	s5 =	sshll.u32 s28, $0x1;
	[dreg:$0x2] =	wrdreg s3  }
0xb8: {  	[dreg:$0x3] =	wrdreg s5  }
0xb9: {  	[dreg:$0x4] =	wrdreg $0xC0  }
0xba: {  	_ =	task [dreg:s22], $0x5FFFF  }
0xbb: {  	[dreg:$0x1] =	wrdreg $0xFFFFFFFF  }
0xbc: {  	[dreg:$0x0] =	wrdreg $0x60  }
0xbd: {  	[dreg:$0x2] =	wrdreg s24  }
0xbe: {  	[dreg:$0x3] =	wrdreg $0xA  }
0xbf: {  	_ =	task.clear_ibuf [dreg:s22], $0x4FFFF;
	_ =	strace $0x90000049  }
0xc0: {  	s29 =	simm.s32 $0xA;
	_ =	strace $0x8000004B  }
0xc1: {  	_ =	swait.ge [sflag:s29], $0x1  }
0xc2: {  	[sflag:s29] =	ssyncadd.s32 $0xFFFFFFFF  }
0xc3: {  	_ =	strace $0x9000004B  }
0xc4: {  	_ =	sfence  }
0xc5: {  	s30 =	sld [smem:$0x0];
	_ =	sdelay $0x2  }
0xc6: {  	s31 =	sshll.u32 s1, $0xD;
	s1 =	sshrl.u32 s1, $0x2  }
0xc7: {  	s4 =	sand.u32 $0x4000, s31;
	s1 =	sadd.s32 s1, s30  }
0xc8: {  	s0 =	sor.u32 s4, s0;
	s1 =	sshll.u32 s1, $0x11  }
0xc9: {  	s0 =	sor.u32 s1, s0  }
0xca: {  	s0 =	sadd.s32 $0x8F2B, s0  }
0xcb: {  	[sflag:s0] =	ssyncadd.remote.s32 $0x1  }
0xcc: {  	_ =	sfence.sel $0xFFFF  }
0xcd: {  	[dreg:$0x0] =	wrdreg $0xFFFFFFFF;
	(pc) =	sbr.abs _section_cstart, $3  }
0xce: {  	[dreg:$0x1] =	wrdreg $0xFFFFFFFF  }
0xcf: {  	_ =	task.clear_ibuf [dreg:s22], $0x2FFFF;
	_ =	strace $0x9FFFFFFF  }
0xd0: {  	(tm) =	ssettm $0x7FFFFFFF  }
0xd1: {  	_ =	shalt  }
tec
execute0_lowered:
.L_overlay_start_1:
0x0: {  	(tag) =	ssettag $0x1  }
0x1: {  	s4 =	rddreg [dreg:$0x0]  }
0x2: {  	s0 =	rddreg [dreg:$0x1]  }
0x3: {  	s1 =	simm.s32 $0x0;
	s5 =	srdreg.scid;
	s2 =	stileid.u32  }
0x4: {  	s13 =	simm.s32 $0x8400;
	s14 =	simm.s32 $0x0;
	[smem:$0x7FF] =	sst s1  }
0x5: {  	s3 =	sadd.s32 $0x1C00, s4;
	s6 =	sadd.s32 $0x84C00, s4;
	s5 =	sand.u32 $0x1, s5  }
0x6: {  	s7 =	sshll.u32 s2, $0x9;
	s9 =	sshrl.u32 s2, $0x1;
	s10 =	sadd.s32 $0x86C00, s4  }
0x7: {  	_ =	strace $0x8000004A;
	s8 =	sshll.u32 s5, $0x8;
	s7 =	sand.u32 $0x200, s7  }
0x8: {  	s5 =	ssub.s32 $0x2, s5;
	s28 =	sshll.u32 s9, $0xD;
	s7 =	sor.u32 s8, s7  }
0x9: {  	s31 =	sshll.u32 s9, $0x13;
	s29 =	sshrl.u32 s5, $0x1;
	s11 =	sor.u32 s28, s7  }
0xa: {  	s12 =	ssub.s32 s5, s29;
	s9 =	sor.u32 s31, s7;
	s7 =	sor.u32 $0x80, s7  }
0xb: {  	s30 =	sshrl.u32 s11, $0x3;
	s9 =	sshrl.u32 s9, $0x3;
	s8 =	sor.u32 s28, s7  }
0xc: {  	s7 =	sor.u32 s31, s7;
	s11 =	simm.s32 $0x400;
	s4 =	sadd.s32 s6, s30  }
0xd: {  	s5 =	sadd.s32 s10, s9;
	s8 =	sshrl.u32 s8, $0x3;
	s7 =	sshrl.u32 s7, $0x3  }
0xe: {  	s9 =	simm.s32 $0x1;
	s6 =	sadd.s32 s6, s8;
	s7 =	sadd.s32 s10, s7  }
0xf: {  	s8 =	smax.u32 s12, $0x1;
	s10 =	simm.s32 $0x80;
	s12 =	simm.s32 $0x8000  }
.LBB2_1:
0x10: {  	[tilespmem:s1], [sflag:$0x1] =	stream.linear.gather [hbm4b:s3+s1], $0x8000, $0x38;
	[tilespmem:$0x18400] =	vst v63  }
0x11: {  	_ =	swait.ge [sflag:s9], $0x8000  }
0x12: {  	[sflag:s9] =	ssyncset.done $0x0  }
0x13: {  	[sflag:s9] =	ssyncadd.s32 $0xFFFF8000  }
0x14: {  	[tilespmem:s12], [sflag:$0x1] =	stream.strided.gather [hbm4b:s4+s10], $0x400, s11, s10, $0x38;
	[tilespmem:$0x18400] =	vst v63  }
0x15: {  	_ =	swait.ge [sflag:s9], $0x400  }
0x16: {  	[sflag:s9] =	ssyncset.done $0x0  }
0x17: {  	s15 =	sand.u32 $0x380, s1;
	[sflag:s9] =	ssyncadd.s32 $0xFFFFFC00  }
0x18: {  	v0 =	vld [tilespmem:s15+$0x8070]  }
0x19: {  	v1 =	vld [tilespmem:s15+$0x8000]  }
0x1a: {  	v2 =	vld [tilespmem:s15+$0x8010]  }
0x1b: {  	v3 =	vld [tilespmem:s15+$0x8020]  }
0x1c: {  	v4 =	vld [tilespmem:s15+$0x8030]  }
0x1d: {  	v5 =	vld [tilespmem:s15+$0x8040]  }
0x1e: {  	s31 =	simm.s32 $0x80;
	v6 =	vld [tilespmem:s15+$0x8050]  }
0x1f: {  	s17 =	sand.u32 $0x380, s31;
	v7 =	vld [tilespmem:s15+$0x8060]  }
0x20: {  	v8 =	vld [tilespmem:s17+$0x8070]  }
0x21: {  	v9 =	vld [tilespmem:s17+$0x8000]  }
0x22: {  	s16 =	sand.u32 $0x7E00, s1;
	v10 =	vld [tilespmem:s17+$0x8010]  }
0x23: {  	v11 =	vld [tilespmem:s17+$0x8020];
	v0 =	vadd.s32 s16, v0  }
0x24: {  	v12 =	vld [tilespmem:s17+$0x8030];
	v1 =	vadd.s32 s16, v1  }
0x25: {  	v13 =	vld [tilespmem:s17+$0x8040];
	v2 =	vadd.s32 s16, v2  }
0x26: {  	v14 =	vld [tilespmem:s17+$0x8050];
	v3 =	vadd.s32 s16, v3  }
0x27: {  	v15 =	vld [tilespmem:s17+$0x8060];
	v4 =	vadd.s32 s16, v4  }
0x28: {  	v5 =	vadd.s32 s16, v5;
	v0 =	vld.idx.msk [tilespmem:v0+s1+$0x0], $0xffff  }
0x29: {  	s15 =	simm.s32 $0x40;
	v7 =	vadd.s32 s16, v7;
	v1 =	vld.idx.msk [tilespmem:v1+s1+$0x0], $0xffff  }
0x2a: {  	s18 =	sand.u32 $0x7E00, s15;
	v6 =	vadd.s32 s16, v6;
	v2 =	vld.idx.msk [tilespmem:v2+s1+$0x0], $0xffff  }
0x2b: {  	v8 =	vadd.s32 s18, v8;
	v3 =	vld.idx.msk [tilespmem:v3+s1+$0x0], $0xffff  }
0x2c: {  	v9 =	vadd.s32 s18, v9;
	v4 =	vld.idx.msk [tilespmem:v4+s1+$0x0], $0xffff  }
0x2d: {  	s16 =	simm.s32 $0x8440;
	v10 =	vadd.s32 s18, v10;
	v5 =	vld.idx.msk [tilespmem:v5+s1+$0x0], $0xffff  }
0x2e: {  	v7 =	vld.idx.msk [tilespmem:v7+s1+$0x0], $0xffff;
	[tilespmem:s16+$0x30] =	vst v0;
	v0 =	vadd.s32 s18, v11  }
0x2f: {  	v11 =	vld.idx.msk [tilespmem:v6+s1+$0x0], $0xffff;
	[tilespmem:s16+$0xFFFFFFC0] =	vst v1;
	v6 =	vadd.s32 s18, v12  }
0x30: {  	[tilespmem:s16+$0xFFFFFFD0] =	vst v2;
	v2 =	vld.idx.msk [tilespmem:v8+s1+$0x0], $0xffff;
	v8 =	vadd.s32 s18, v13  }
0x31: {  	[tilespmem:s16+$0xFFFFFFE0] =	vst v3;
	v3 =	vld.idx.msk [tilespmem:v9+s1+$0x0], $0xffff  }
0x32: {  	[tilespmem:s16+$0xFFFFFFF0] =	vst v4;
	v4 =	vld.idx.msk [tilespmem:v10+s1+$0x0], $0xffff  }
0x33: {  	[tilespmem:s16+$0x0] =	vst v5;
	v5 =	vld.idx.msk [tilespmem:v0+s1+$0x0], $0xffff  }
0x34: {  	s17 =	simm.s32 $0x8;
	v1 =	vadd.s32 s18, v14;
	v0 =	vadd.s32 s18, v15;
	v6 =	vld.idx.msk [tilespmem:v6+s1+$0x0], $0xffff;
	s18 =	simm.s32 $0x100;
	[tilespmem:s16+$0x10] =	vst v11  }
.LBB2_2:
0x35: {  	s19 =	sand.u32 $0x380, s18;
	s17 =	sadd.s32 $0x8, s17;
	v8 =	vld.idx.msk [tilespmem:v8+s1+$0x0], $0xffff;
	[tilespmem:s16+$0x20] =	vst v7;
	s16 =	sadd.s32 $0x80, s16  }
0x36: {  	v7 =	vld [tilespmem:s19+$0x8070];
	p0 =	slt.u32 s17, $0xFF8;
	[tilespmem:s16+$0x30] =	vst v2  }
0x37: {  	v2 =	vld [tilespmem:s19+$0x8000];
	[tilespmem:s16+$0xFFFFFFC0] =	vst v3  }
0x38: {  	v3 =	vld [tilespmem:s19+$0x8010];
	[tilespmem:s16+$0xFFFFFFD0] =	vst v4  }
0x39: {  	s15 =	sadd.s32 $0x40, s15;
	v4 =	vld [tilespmem:s19+$0x8020];
	[tilespmem:s16+$0xFFFFFFE0] =	vst v5  }
0x3a: {  	s20 =	sand.u32 $0x7E00, s15;
	v5 =	vld [tilespmem:s19+$0x8030];
	[tilespmem:s16+$0xFFFFFFF0] =	vst v6  }
0x3b: {  	v6 =	vld [tilespmem:s19+$0x8040];
	v9 =	vadd.s32 s20, v7;
	[tilespmem:s16+$0x0] =	vst v8  }
0x3c: {  	v10 =	vadd.s32 s20, v2;
	v11 =	vld [tilespmem:s19+$0x8050]  }
0x3d: {  	v12 =	vadd.s32 s20, v3;
	v13 =	vld [tilespmem:s19+$0x8060]  }
0x3e: {  	v14 =	vadd.s32 s20, v4;
	v15 =	vld.idx.msk [tilespmem:v1+s1+$0x0], $0xffff  }
0x3f: {  	v16 =	vadd.s32 s20, v5;
	v7 =	vld.idx.msk [tilespmem:v0+s1+$0x0], $0xffff  }
.Ltmp0:
0x40: {  	v8 =	vadd.s32 s20, v6;
	v2 =	vld.idx.msk [tilespmem:v9+s1+$0x0], $0xffff;
	(pc) =	sbr.rel @p0 .LBB2_2-.Ltmp0, $4  }
0x41: {  	v3 =	vld.idx.msk [tilespmem:v10+s1+$0x0], $0xffff;
	v1 =	vadd.s32 s20, v11  }
0x42: {  	v4 =	vld.idx.msk [tilespmem:v12+s1+$0x0], $0xffff;
	v0 =	vadd.s32 s20, v13  }
0x43: {  	v5 =	vld.idx.msk [tilespmem:v14+s1+$0x0], $0xffff  }
0x44: {  	s18 =	sadd.s32 $0x80, s18;
	v6 =	vld.idx.msk [tilespmem:v16+s1+$0x0], $0xffff;
	[tilespmem:s16+$0x10] =	vst v15  }
0x45: {  	_ =	sdelay $0x2  }
0x46: {  	[tilespmem:s16+$0x20] =	vst v7;
	s15 =	sadd.s32 $0x80, s16  }
0x47: {  	v7 =	vld.idx.msk [tilespmem:v8+s1+$0x0], $0xffff;
	[tilespmem:s15+$0x30] =	vst v2  }
0x48: {  	v1 =	vld.idx.msk [tilespmem:v1+s1+$0x0], $0xffff;
	[tilespmem:s15+$0xFFFFFFC0] =	vst v3  }
0x49: {  	v0 =	vld.idx.msk [tilespmem:v0+s1+$0x0], $0xffff;
	[tilespmem:s15+$0xFFFFFFD0] =	vst v4  }
0x4a: {  	[tilespmem:s15+$0xFFFFFFE0] =	vst v5  }
0x4b: {  	[tilespmem:s15+$0xFFFFFFF0] =	vst v6  }
0x4c: {  	[tilespmem:s15+$0x0] =	vst v7  }
0x4d: {  	[tilespmem:s15+$0x10] =	vst v1  }
0x4e: {  	[tilespmem:s15+$0x20] =	vst v0  }
0x4f: {  	[hbm4b:s5+s10] =	stream.strided.scatter [tilespmem:s13], [sflag:$0x1], $0x10000, s11, s10, $0x38;
	[tilespmem:$0x18400] =	vst v63  }
0x50: {  	_ =	swait.ge [sflag:s9], $0x10000  }
0x51: {  	[sflag:s9] =	ssyncset.done $0x0  }
0x52: {  	[sflag:s9] =	ssyncadd.s32 $0xFFFF0000  }
0x53: {  	[tilespmem:s12], [sflag:$0x1] =	stream.strided.gather [hbm4b:s6+s10], $0x400, s11, s10, $0x38;
	[tilespmem:$0x18400] =	vst v63  }
0x54: {  	_ =	swait.ge [sflag:s9], $0x400  }
0x55: {  	s29 =	simm.s32 $0x0;
	[sflag:s9] =	ssyncset.done $0x0  }
0x56: {  	s30 =	sand.u32 $0x380, s29;
	[sflag:s9] =	ssyncadd.s32 $0xFFFFFC00  }
0x57: {  	v0 =	vld [tilespmem:s30+$0x8070]  }
0x58: {  	v1 =	vld [tilespmem:s30+$0x8000]  }
0x59: {  	v2 =	vld [tilespmem:s30+$0x8010]  }
0x5a: {  	v3 =	vld [tilespmem:s30+$0x8020]  }
0x5b: {  	v4 =	vld [tilespmem:s30+$0x8030]  }
0x5c: {  	v5 =	vld [tilespmem:s30+$0x8040]  }
0x5d: {  	s31 =	simm.s32 $0x80;
	v6 =	vld [tilespmem:s30+$0x8050]  }
0x5e: {  	s18 =	sand.u32 $0x380, s31;
	v7 =	vld [tilespmem:s30+$0x8060]  }
0x5f: {  	v8 =	vld [tilespmem:s18+$0x8070]  }
0x60: {  	v9 =	vld [tilespmem:s18+$0x8000]  }
0x61: {  	s17 =	sand.u32 $0x7E00, s29;
	v10 =	vld [tilespmem:s18+$0x8010]  }
0x62: {  	v11 =	vld [tilespmem:s18+$0x8020];
	v0 =	vadd.s32 s17, v0  }
0x63: {  	v12 =	vld [tilespmem:s18+$0x8030];
	v1 =	vadd.s32 s17, v1  }
0x64: {  	v13 =	vld [tilespmem:s18+$0x8040];
	v2 =	vadd.s32 s17, v2  }
0x65: {  	v14 =	vld [tilespmem:s18+$0x8050];
	v3 =	vadd.s32 s17, v3  }
0x66: {  	v15 =	vld [tilespmem:s18+$0x8060];
	v4 =	vadd.s32 s17, v4  }
0x67: {  	v5 =	vadd.s32 s17, v5;
	v0 =	vld.idx.msk [tilespmem:v0+s1+$0x0], $0xffff  }
0x68: {  	s15 =	simm.s32 $0x40;
	v7 =	vadd.s32 s17, v7;
	v1 =	vld.idx.msk [tilespmem:v1+s1+$0x0], $0xffff  }
0x69: {  	s19 =	sand.u32 $0x7E00, s15;
	v6 =	vadd.s32 s17, v6;
	v2 =	vld.idx.msk [tilespmem:v2+s1+$0x0], $0xffff  }
0x6a: {  	v8 =	vadd.s32 s19, v8;
	v3 =	vld.idx.msk [tilespmem:v3+s1+$0x0], $0xffff  }
0x6b: {  	v9 =	vadd.s32 s19, v9;
	v4 =	vld.idx.msk [tilespmem:v4+s1+$0x0], $0xffff  }
0x6c: {  	s16 =	simm.s32 $0x8440;
	v10 =	vadd.s32 s19, v10;
	v5 =	vld.idx.msk [tilespmem:v5+s1+$0x0], $0xffff  }
0x6d: {  	v7 =	vld.idx.msk [tilespmem:v7+s1+$0x0], $0xffff;
	[tilespmem:s16+$0x30] =	vst v0;
	v0 =	vadd.s32 s19, v11  }
0x6e: {  	v11 =	vld.idx.msk [tilespmem:v6+s1+$0x0], $0xffff;
	[tilespmem:s16+$0xFFFFFFC0] =	vst v1;
	v6 =	vadd.s32 s19, v12  }
0x6f: {  	[tilespmem:s16+$0xFFFFFFD0] =	vst v2;
	v2 =	vld.idx.msk [tilespmem:v8+s1+$0x0], $0xffff;
	v8 =	vadd.s32 s19, v13  }
0x70: {  	[tilespmem:s16+$0xFFFFFFE0] =	vst v3;
	v3 =	vld.idx.msk [tilespmem:v9+s1+$0x0], $0xffff  }
0x71: {  	[tilespmem:s16+$0xFFFFFFF0] =	vst v4;
	v4 =	vld.idx.msk [tilespmem:v10+s1+$0x0], $0xffff  }
0x72: {  	[tilespmem:s16+$0x0] =	vst v5;
	v5 =	vld.idx.msk [tilespmem:v0+s1+$0x0], $0xffff  }
0x73: {  	s18 =	simm.s32 $0x100;
	s17 =	simm.s32 $0x8;
	v1 =	vadd.s32 s19, v14;
	v0 =	vadd.s32 s19, v15;
	v6 =	vld.idx.msk [tilespmem:v6+s1+$0x0], $0xffff;
	[tilespmem:s16+$0x10] =	vst v11  }
.LBB2_4:
0x74: {  	s19 =	sand.u32 $0x380, s18;
	s17 =	sadd.s32 $0x8, s17;
	v8 =	vld.idx.msk [tilespmem:v8+s1+$0x0], $0xffff;
	[tilespmem:s16+$0x20] =	vst v7;
	s16 =	sadd.s32 $0x80, s16  }
0x75: {  	v7 =	vld [tilespmem:s19+$0x8070];
	p0 =	slt.u32 s17, $0xFF8;
	[tilespmem:s16+$0x30] =	vst v2  }
0x76: {  	v2 =	vld [tilespmem:s19+$0x8000];
	[tilespmem:s16+$0xFFFFFFC0] =	vst v3  }
0x77: {  	v3 =	vld [tilespmem:s19+$0x8010];
	[tilespmem:s16+$0xFFFFFFD0] =	vst v4  }
0x78: {  	s15 =	sadd.s32 $0x40, s15;
	v4 =	vld [tilespmem:s19+$0x8020];
	[tilespmem:s16+$0xFFFFFFE0] =	vst v5  }
0x79: {  	s20 =	sand.u32 $0x7E00, s15;
	v5 =	vld [tilespmem:s19+$0x8030];
	[tilespmem:s16+$0xFFFFFFF0] =	vst v6  }
0x7a: {  	v6 =	vld [tilespmem:s19+$0x8040];
	v9 =	vadd.s32 s20, v7;
	[tilespmem:s16+$0x0] =	vst v8  }
0x7b: {  	v10 =	vadd.s32 s20, v2;
	v11 =	vld [tilespmem:s19+$0x8050]  }
0x7c: {  	v12 =	vadd.s32 s20, v3;
	v13 =	vld [tilespmem:s19+$0x8060]  }
0x7d: {  	v14 =	vadd.s32 s20, v4;
	v15 =	vld.idx.msk [tilespmem:v1+s1+$0x0], $0xffff  }
0x7e: {  	v16 =	vadd.s32 s20, v5;
	v7 =	vld.idx.msk [tilespmem:v0+s1+$0x0], $0xffff  }
.Ltmp1:
0x7f: {  	v8 =	vadd.s32 s20, v6;
	v2 =	vld.idx.msk [tilespmem:v9+s1+$0x0], $0xffff;
	(pc) =	sbr.rel @p0 .LBB2_4-.Ltmp1, $4  }
0x80: {  	v3 =	vld.idx.msk [tilespmem:v10+s1+$0x0], $0xffff;
	v1 =	vadd.s32 s20, v11  }
0x81: {  	v4 =	vld.idx.msk [tilespmem:v12+s1+$0x0], $0xffff;
	v0 =	vadd.s32 s20, v13  }
0x82: {  	v5 =	vld.idx.msk [tilespmem:v14+s1+$0x0], $0xffff  }
0x83: {  	s18 =	sadd.s32 $0x80, s18;
	v6 =	vld.idx.msk [tilespmem:v16+s1+$0x0], $0xffff;
	[tilespmem:s16+$0x10] =	vst v15  }
0x84: {  	_ =	sdelay $0x2  }
0x85: {  	[tilespmem:s16+$0x20] =	vst v7;
	s15 =	sadd.s32 $0x80, s16  }
0x86: {  	v63 =	vld.idx.msk [tilespmem:v8+s1+$0x0], $0xffff;
	[tilespmem:s15+$0x30] =	vst v2  }
0x87: {  	v1 =	vld.idx.msk [tilespmem:v1+s1+$0x0], $0xffff;
	[tilespmem:s15+$0xFFFFFFC0] =	vst v3  }
0x88: {  	v0 =	vld.idx.msk [tilespmem:v0+s1+$0x0], $0xffff;
	[tilespmem:s15+$0xFFFFFFD0] =	vst v4  }
0x89: {  	[tilespmem:s15+$0xFFFFFFE0] =	vst v5  }
0x8a: {  	[tilespmem:s15+$0xFFFFFFF0] =	vst v6  }
0x8b: {  	s14 =	sadd.s32 $0x1, s14;
	[tilespmem:s15+$0x0] =	vst v63  }
0x8c: {  	p0 =	sne.s32 s14, s8;
	[tilespmem:s15+$0x10] =	vst v1  }
.Ltmp2:
0x8d: {  	[tilespmem:s15+$0x20] =	vst v0;
	(pc) =	sbr.rel @p0 .LBB2_1-.Ltmp2, $4  }
0x8e: {  	[hbm4b:s7+s10] =	stream.strided.scatter [tilespmem:s13], [sflag:$0x1], $0x10000, s11, s10, $0x38;
	[tilespmem:$0x18400] =	vst v63  }
0x8f: {  	_ =	swait.ge [sflag:s9], $0x10000  }
0x90: {  	[sflag:s9] =	ssyncset.done $0x0  }
0x91: {  	[sflag:s9] =	ssyncadd.s32 $0xFFFF0000  }
0x92: {  	_ =	sfence.sel $0x180000  }
0x93: {  	[bflag:$0x0] =	sbarrier.arrive $0xFFFF  }
0x94: {  	p0 =	sne.s32 s2, $0x0;
	_ =	strace $0x9000004A  }
0x95: {  	s0 =	sadd.s32 @!p0 $0x100000, s0;
	[bflag:$0x2] =	sbarrier.arrive $0xFFFF  }
0x96: {  	[sflag:s0] =	ssyncadd.tile.s32 @!p0 $0x1;
	_ =	shalt  }
.Lfunc_end2:
_tile_overlayer_lowered:
.L_overlay_start_2:
0x97: {  	(tag) =	ssettag $0x2  }
0x98: {  	s0 =	rddreg [dreg:$0x0];
	s2 =	stileid.u32  }
0x99: {  	s1 =	rddreg [dreg:$0x1];
	p0 =	sne.s32 s2, $0x0  }
0x9a: {  	s3 =	rddreg [dreg:$0x2];
	[bflag:$0x3] =	sbarrier.arrive $0xFFFF;
	s2 =	simm.s32 @!p0 $0x1C01  }
0x9b: {  	[timem:s3], [sflag:s2] =	dma.local @!p0 [hbm:s0], s1  }
0x9c: {  	s0 =	simm.s32 @!p0 $0x1  }
0x9d: {  	_ =	swait.ge @!p0 [sflag:s0], s1  }
0x9e: {  	s1 =	ssub.s32 @!p0 $0x0, s1;
	[sflag:s0] =	ssyncset.done @!p0 $0x0  }
0x9f: {  	[sflag:s0] =	ssyncadd.s32 @!p0 s1  }
0xa0: {  	[bflag:$0x3] =	sbarrier.arrive $0xFFFF  }
0xa1: {  	_ =	shalt  }

// kernel: kernel.16.cloned.1.call-start
scs
__scs_entry_jumppad:
0x0: {  	(pc) =	sbr.rel $0x88, $3  }
0x1: {  	(tag) =	ssettag $0x0;
	lr =	simm.s32 $0x1  }
0x2: {  	[smem:$0x3F9F] =	sst lr;
	_ =	strace $0xD0000000  }
0x3: {  	_ = 	snop  }
0x4: {  	_ = 	snop  }
0x5: {  	_ = 	snop  }
0x6: {  	_ = 	snop  }
0x7: {  	_ = 	snop  }
__scs_overlays_trampoline_lowered:
0x8: {  	[smem:$0x3FAE] =	sst s0  }
0x9: {  	[smem:$0x3FAF] =	sst s1  }
0xa: {  	[smem:$0x3FB0] =	sst s2  }
0xb: {  	[smem:$0x3FB1] =	sst s3  }
0xc: {  	[smem:$0x3FB2] =	sst s4  }
0xd: {  	[smem:$0x3FB3] =	sst s5  }
0xe: {  	[smem:$0x3FB4] =	sst s6  }
0xf: {  	[smem:$0x3FB5] =	sst s7  }
0x10: {  	[smem:$0x3FB6] =	sst s8  }
0x11: {  	[smem:$0x3FB7] =	sst s9;
	s0 =	simm.s32 @!p0 $0x0  }
0x12: {  	s1 =	sld [smem:$0x3F9D];
	s0 =	simm.s32 @p0 $0x1  }
0x13: {  	[smem:$0x3FB8] =	sst s0;
	s0 =	simm.s32 @!p1 $0x0  }
0x14: {  	s2 =	sld [smem:$0x3F9C];
	s0 =	simm.s32 @p1 $0x1  }
0x15: {  	[smem:$0x3FB9] =	sst s0;
	s0 =	simm.s32 @!p2 $0x0  }
0x16: {  	s3 =	sld [smem:$0x3FDB];
	s0 =	simm.s32 @p2 $0x1  }
0x17: {  	s4 =	simm.s32 $0x1BF5;
	[smem:$0x3FBB] =	sst s0  }
0x18: {  	s0 =	sld [smem:$0x3F9E];
	_ =	swait.ge [sflag:s4], $0x0  }
0x19: {  	s7 =	sld [smem:$0x3F9F]  }
0x1a: {  	s8 =	sadd.s32 $0xFFFFE003, lr  }
0x1b: {  	s9 =	sadd.s32 $0xFFFFFEF7, lr;
	s5 =	simm.s32 $0xFFFFFFFF;
	p2 =	slt.u32 s8, $0xFFFFF086  }
0x1c: {  	p1 =	slt.u32 s9, $0xF7A;
	s5 =	simm.s32 @!p2 $0x0  }
0x1d: {  	s5 =	simm.s32 @p1 $0x1;
	p0 =	seq.s32 s7, s2  }
0x1e: {  	s7 =	smul.u32 @!p0 $0xF7A, s2;
	p2 =	seq.s32 @!p0 s5, $0x0  }
0x1f: {  	s9 =	smul.u32 $0xF7A, s1;
	s8 =	simm.s32 @!p0 $0x1BF5;
	p2 =	por !p2, p0  }
0x20: {  	[sflag:s8] =	ssyncset.s32 @!p0 $0xFFFFF086;
	s6 =	sadd.s32 @!p0 s3, s7;
	s7 =	simm.s32 @!p0 $0x108  }
0x21: {  	s3 =	sadd.s32 s3, s9;
	s6 =	sadd.s32 @!p0 $0x88, s6;
	s7 =	simm.s32 @p2 $0x1082  }
0x22: {  	[simem:s7], [sflag:s8] =	dma.local @!p0 [hbm:s6], $0xF7A  }
0x23: {  	s9 =	sor.u32 $0xD0000000, s2;
	s6 =	simm.s32 $0x108;
	_ =	swait.ge @!p0 [sflag:s8], $0x0  }
0x24: {  	s3 =	sadd.s32 $0x88, s3;
	s6 =	simm.s32 @!p1 $0x1082;
	[sflag:s4] =	ssyncset.s32 $0xFFFFF086  }
0x25: {  	[simem:s6], [sflag:s4] =	dma.local [hbm:s3], $0xF7A  }
0x26: {  	[smem:$0x3F9F] =	sst s1;
	(tag) =	ssettag s2;
	_ =	strace s9  }
0x27: {  	s1 =	sld [smem:$0x3FAF]  }
0x28: {  	s2 =	sld [smem:$0x3FB0]  }
0x29: {  	s4 =	sld [smem:$0x3FB2]  }
0x2a: {  	p0 =	seq.s32 s5, $0x0;
	s5 =	sld [smem:$0x3FB3]  }
0x2b: {  	s6 =	sld [smem:$0x3FB4]  }
0x2c: {  	s7 =	sld [smem:$0x3FB5]  }
0x2d: {  	s3 =	simm.s32 $0x108;
	s8 =	sld [smem:$0x3FB6]  }
0x2e: {  	s3 =	simm.s32 @!p0 $0x1082;
	s9 =	sld [smem:$0x3FB7]  }
0x2f: {  	lr =	sadd.s32 s0, s3;
	s0 =	sld [smem:$0x3FAE]  }
0x30: {  	s3 =	sld [smem:$0x3FB1]  }
0x31: {  	[smem:$0x3FBA] =	sst s10  }
0x32: {  	s10 =	sld [smem:$0x3FB8];
	_ =	sdelay $0x3  }
0x33: {  	p0 =	seq.s32 s10, $0x1;
	s10 =	sld [smem:$0x3FBA];
	_ =	sdelay $0x3  }
0x34: {  	[smem:$0x3FBA] =	sst s10  }
0x35: {  	s10 =	sld [smem:$0x3FB9];
	_ =	sdelay $0x3  }
0x36: {  	p1 =	seq.s32 s10, $0x1;
	s10 =	sld [smem:$0x3FBA];
	_ =	sdelay $0x3  }
0x37: {  	[smem:$0x3FBA] =	sst s10  }
0x38: {  	s10 =	sld [smem:$0x3FBB]  }
0x39: {  	_ = 	snop;
	(pc) =	sbr.ind lr, $3  }
0x3a: {  	_ = 	snop  }
0x3b: {  	_ = 	snop  }
0x3c: {  	p2 =	seq.s32 s10, $0x1;
	s10 =	sld [smem:$0x3FBA]  }
0x3d: {  	_ =	shalt  }
0x3e: {  	_ =	shalt  }
0x3f: {  	_ =	shalt  }
0x40: {  	_ =	shalt  }
0x41: {  	_ =	shalt  }
0x42: {  	_ =	shalt  }
0x43: {  	_ =	shalt  }
0x44: {  	_ =	shalt  }
0x45: {  	_ =	shalt  }
0x46: {  	_ =	shalt  }
0x47: {  	_ =	shalt  }
0x48: {  	_ =	shalt  }
0x49: {  	_ =	shalt  }
0x4a: {  	_ =	shalt  }
0x4b: {  	_ =	shalt  }
0x4c: {  	_ =	shalt  }
0x4d: {  	_ =	shalt  }
0x4e: {  	_ =	shalt  }
0x4f: {  	_ =	shalt  }
0x50: {  	_ =	shalt  }
0x51: {  	_ =	shalt  }
0x52: {  	_ =	shalt  }
0x53: {  	_ =	shalt  }
0x54: {  	_ =	shalt  }
0x55: {  	_ =	shalt  }
0x56: {  	_ =	shalt  }
0x57: {  	_ =	shalt  }
0x58: {  	_ =	shalt  }
0x59: {  	_ =	shalt  }
0x5a: {  	_ =	shalt  }
0x5b: {  	_ =	shalt  }
0x5c: {  	_ =	shalt  }
0x5d: {  	_ =	shalt  }
0x5e: {  	_ =	shalt  }
0x5f: {  	_ =	shalt  }
0x60: {  	_ =	shalt  }
0x61: {  	_ =	shalt  }
0x62: {  	_ =	shalt  }
0x63: {  	_ =	shalt  }
0x64: {  	_ =	shalt  }
0x65: {  	_ =	shalt  }
0x66: {  	_ =	shalt  }
0x67: {  	_ =	shalt  }
0x68: {  	_ =	shalt  }
0x69: {  	_ =	shalt  }
0x6a: {  	_ =	shalt  }
0x6b: {  	_ =	shalt  }
0x6c: {  	_ =	shalt  }
0x6d: {  	_ =	shalt  }
0x6e: {  	_ =	shalt  }
0x6f: {  	_ =	shalt  }
0x70: {  	_ =	shalt  }
0x71: {  	_ =	shalt  }
0x72: {  	_ =	shalt  }
0x73: {  	_ =	shalt  }
0x74: {  	_ =	shalt  }
0x75: {  	_ =	shalt  }
0x76: {  	_ =	shalt  }
0x77: {  	_ =	shalt  }
0x78: {  	_ =	shalt  }
0x79: {  	_ =	shalt  }
0x7a: {  	_ =	shalt  }
0x7b: {  	_ =	shalt  }
0x7c: {  	_ =	shalt  }
0x7d: {  	_ =	shalt  }
0x7e: {  	_ =	shalt  }
0x7f: {  	_ =	shalt  }
0x80: {  	_ =	shalt  }
0x81: {  	_ =	shalt  }
0x82: {  	_ =	shalt  }
0x83: {  	_ =	shalt  }
0x84: {  	_ =	shalt  }
0x85: {  	_ =	shalt  }
0x86: {  	_ =	shalt  }
0x87: {  	_ =	shalt  }
.Lfunc_end0:
.L_simem_size_0:
called_computation.3_lowered:
.L_overlay_start_0:
0x88: {  	s2 =	sld [smem:$0x3FD9]  }
0x89: {  	s3 =	sld [smem:$0x3FFE];
	_ =	sdelay $0x1  }
0x8a: {  	s1 =	srdreg.scid  }
0x8b: {  	s0 =	sand.u32 $0x1, s1  }
0x8c: {  	s17 =	sshll.u32 s0, $0xA;
	s2 =	sadd.s32 s3, s2  }
0x8d: {  	s2 =	sadd.s32 s2, s17  }
0x8e: {  	[smem:$0x3FC6] =	sst s2  }
0x8f: {  	_ = 	snop  }
0x90: {  	(tm) =	ssettm $0x1  }
0x91: {  	s18 =	sld [smem:$0x3FFB];
	_ =	sdelay $0x3  }
0x92: {  	_ =	strace s18  }
0x93: {  	s2 =	sld [smem:$0x3FFC];
	_ =	sdelay $0x3  }
0x94: {  	_ =	strace s2  }
0x95: {  	s2 =	sld [smem:$0x3FFD];
	_ =	sdelay $0x3  }
0x96: {  	_ =	strace s2  }
0x97: {  	_ =	strace $0x8FFFFFFF  }
0x98: {  	s19 =	sld [smem:$0x3FDB];
	_ =	sdelay $0x1  }
0x99: {  	s20 =	simm.s32 $_scs_section_size  }
0x9a: {  	s4 =	simm.s32 $_size__tile_overlayer_lowered;
	s5 =	simm.s32 $_tile_overlayer_lowered  }
0x9b: {  	s6 =	simm.s32 $0x1BFF;
	s21 =	sshll.u32 s5, $0x1;
	s3 =	sadd.s32 s20, s19  }
0x9c: {  	s22 =	simm.s32 $0x0;
	s4 =	sshll.u32 s4, $0x1;
	s5 =	sadd.s32 s21, s3  }
0x9d: {  	[timem:s22], [sflag:s6] =	dma.local [hbm:s5], s4  }
0x9e: {  	_ =	swait.ge [sflag:s6], s4  }
0x9f: {  	s4 =	ssub.s32 $0x0, s4;
	[sflag:s6] =	ssyncset.done $0x0  }
0xa0: {  	[sflag:s6] =	ssyncadd.s32 s4;
	_ =	sdelay $0x1  }
0xa1: {  	s23 =	simm.s32 $0x1B8B  }
0xa2: {  	_ =	swait.ge [sflag:s23], $0x1  }
0xa3: {  	[sflag:s23] =	ssyncset.done $0x0  }
0xa4: {  	[sflag:s23] =	ssyncadd.s32 $0xFFFFFFFF  }
0xa5: {  	s4 =	sld [smem:$0x0]  }
0xa6: {  	s5 =	sand.u32 $0xFFFFFFFE, s1  }
0xa7: {  	p0 =	sne.s32 s1, s5  }
0xa8: {  	s5 =	sshll.u32 @p0 s5, $0xE  }
0xa9: {  	s5 =	sadd.s32 @p0 $0x11B8D, s5;
	s6 =	sshll.u32 @p0 s4, $0x11  }
0xaa: {  	s5 =	sor.u32 @p0 s6, s5  }
0xab: {  	[sflag:s5] =	ssyncadd.remote.s32 @p0 $0x1;
	_ =	sdelay $0x1  }
0xac: {  	s5 =	simm.s32 @p0 $0x1B8D  }
0xad: {  	_ =	swait.eq @p0 [sflag:s5], $0x1  }
0xae: {  	[sflag:s5] =	ssyncadd.s32 @p0 $0xFFFFFFFF  }
0xaf: {  	s6 =	sshll.u32 @!p0 s1, $0xE  }
0xb0: {  	s6 =	sor.u32 @!p0 $0x4000, s6;
	s5 =	simm.s32 @!p0 $0x1B8D  }
0xb1: {  	s4 =	sshll.u32 @!p0 s4, $0x11;
	s6 =	sadd.s32 @!p0 $0x11B8D, s6;
	_ =	swait.eq @!p0 [sflag:s5], $0x1  }
0xb2: {  	s4 =	sor.u32 @!p0 s4, s6;
	[sflag:s5] =	ssyncadd.s32 @!p0 $0xFFFFFFFF  }
0xb3: {  	s25 =	simm.s32 $0x1B8E;
	s24 =	sld [smem:$0x3FFE];
	[sflag:s4] =	ssyncadd.remote.s32 @!p0 $0x1  }
0xb4: {  	s26 =	simm.s32 $execute0_lowered;
	[smem:$0x3FD2] =	sst s25  }
0xb5: {  	s5 =	sshll.u32 s26, $0x1;
	_ =	strace $0x8000004C;
	[dreg:$0x1] =	wrdreg $0xFFFFFFFF  }
0xb6: {  	s28 =	simm.s32 $_size_execute0_lowered;
	s3 =	sadd.s32 s3, s5;
	[dreg:$0x0] =	wrdreg $0x0  }
0xb7: {  	s5 =	sshll.u32 s28, $0x1;
	[dreg:$0x2] =	wrdreg s3  }
0xb8: {  	[dreg:$0x3] =	wrdreg s5  }
0xb9: {  	[dreg:$0x4] =	wrdreg $0xC0  }
0xba: {  	_ =	task [dreg:s22], $0x5FFFF  }
0xbb: {  	[dreg:$0x1] =	wrdreg $0xFFFFFFFF  }
0xbc: {  	[dreg:$0x0] =	wrdreg $0x60  }
0xbd: {  	[dreg:$0x2] =	wrdreg s24  }
0xbe: {  	[dreg:$0x3] =	wrdreg $0xB  }
0xbf: {  	_ =	task.clear_ibuf [dreg:s22], $0x4FFFF;
	_ =	strace $0x9000004C  }
0xc0: {  	s29 =	simm.s32 $0xB;
	_ =	strace $0x8000004E  }
0xc1: {  	_ =	swait.ge [sflag:s29], $0x1  }
0xc2: {  	[sflag:s29] =	ssyncadd.s32 $0xFFFFFFFF  }
0xc3: {  	_ =	strace $0x9000004E  }
0xc4: {  	_ =	sfence  }
0xc5: {  	s30 =	sld [smem:$0x0];
	_ =	sdelay $0x2  }
0xc6: {  	s31 =	sshll.u32 s1, $0xD;
	s1 =	sshrl.u32 s1, $0x2  }
0xc7: {  	s4 =	sand.u32 $0x4000, s31;
	s1 =	sadd.s32 s1, s30  }
0xc8: {  	s0 =	sor.u32 s4, s0;
	s1 =	sshll.u32 s1, $0x11  }
0xc9: {  	s0 =	sor.u32 s1, s0  }
0xca: {  	s0 =	sadd.s32 $0x8F2B, s0  }
0xcb: {  	[sflag:s0] =	ssyncadd.remote.s32 $0x1  }
0xcc: {  	_ =	sfence.sel $0xFFFF  }
0xcd: {  	[dreg:$0x0] =	wrdreg $0xFFFFFFFF;
	(pc) =	sbr.abs _section_cstart, $3  }
0xce: {  	[dreg:$0x1] =	wrdreg $0xFFFFFFFF  }
0xcf: {  	_ =	task.clear_ibuf [dreg:s22], $0x2FFFF;
	_ =	strace $0x9FFFFFFF  }
0xd0: {  	(tm) =	ssettm $0x7FFFFFFF  }
0xd1: {  	_ =	shalt  }
tec
execute0_lowered:
.L_overlay_start_1:
0x0: {  	(tag) =	ssettag $0x1  }
0x1: {  	s4 =	rddreg [dreg:$0x0]  }
0x2: {  	s0 =	rddreg [dreg:$0x1]  }
0x3: {  	s1 =	simm.s32 $0x0;
	s5 =	srdreg.scid;
	s2 =	stileid.u32  }
0x4: {  	s13 =	simm.s32 $0x8400;
	s14 =	simm.s32 $0x0;
	[smem:$0x7FF] =	sst s1  }
0x5: {  	s3 =	sadd.s32 $0x1C00, s4;
	s6 =	sadd.s32 $0x106C00, s4;
	s5 =	sand.u32 $0x1, s5  }
0x6: {  	s7 =	sshll.u32 s2, $0x9;
	s9 =	sshrl.u32 s2, $0x1;
	s10 =	sadd.s32 $0x108C00, s4  }
0x7: {  	_ =	strace $0x8000004D;
	s8 =	sshll.u32 s5, $0x8;
	s7 =	sand.u32 $0x200, s7  }
0x8: {  	s5 =	ssub.s32 $0x2, s5;
	s28 =	sshll.u32 s9, $0xD;
	s7 =	sor.u32 s8, s7  }
0x9: {  	s31 =	sshll.u32 s9, $0x13;
	s29 =	sshrl.u32 s5, $0x1;
	s11 =	sor.u32 s28, s7  }
0xa: {  	s12 =	ssub.s32 s5, s29;
	s9 =	sor.u32 s31, s7;
	s7 =	sor.u32 $0x80, s7  }
0xb: {  	s30 =	sshrl.u32 s11, $0x3;
	s9 =	sshrl.u32 s9, $0x3;
	s8 =	sor.u32 s28, s7  }
0xc: {  	s7 =	sor.u32 s31, s7;
	s11 =	simm.s32 $0x400;
	s4 =	sadd.s32 s6, s30  }
0xd: {  	s5 =	sadd.s32 s10, s9;
	s8 =	sshrl.u32 s8, $0x3;
	s7 =	sshrl.u32 s7, $0x3  }
0xe: {  	s9 =	simm.s32 $0x1;
	s6 =	sadd.s32 s6, s8;
	s7 =	sadd.s32 s10, s7  }
0xf: {  	s8 =	smax.u32 s12, $0x1;
	s10 =	simm.s32 $0x80;
	s12 =	simm.s32 $0x8000  }
.LBB2_1:
0x10: {  	[tilespmem:s1], [sflag:$0x1] =	stream.linear.gather [hbm4b:s3+s1], $0x8000, $0x38;
	[tilespmem:$0x18400] =	vst v63  }
0x11: {  	_ =	swait.ge [sflag:s9], $0x8000  }
0x12: {  	[sflag:s9] =	ssyncset.done $0x0  }
0x13: {  	[sflag:s9] =	ssyncadd.s32 $0xFFFF8000  }
0x14: {  	[tilespmem:s12], [sflag:$0x1] =	stream.strided.gather [hbm4b:s4+s10], $0x400, s11, s10, $0x38;
	[tilespmem:$0x18400] =	vst v63  }
0x15: {  	_ =	swait.ge [sflag:s9], $0x400  }
0x16: {  	[sflag:s9] =	ssyncset.done $0x0  }
0x17: {  	s15 =	sand.u32 $0x380, s1;
	[sflag:s9] =	ssyncadd.s32 $0xFFFFFC00  }
0x18: {  	v0 =	vld [tilespmem:s15+$0x8070]  }
0x19: {  	v1 =	vld [tilespmem:s15+$0x8000]  }
0x1a: {  	v2 =	vld [tilespmem:s15+$0x8010]  }
0x1b: {  	v3 =	vld [tilespmem:s15+$0x8020]  }
0x1c: {  	v4 =	vld [tilespmem:s15+$0x8030]  }
0x1d: {  	v5 =	vld [tilespmem:s15+$0x8040]  }
0x1e: {  	s31 =	simm.s32 $0x80;
	v6 =	vld [tilespmem:s15+$0x8050]  }
0x1f: {  	s17 =	sand.u32 $0x380, s31;
	v7 =	vld [tilespmem:s15+$0x8060]  }
0x20: {  	v8 =	vld [tilespmem:s17+$0x8070]  }
0x21: {  	v9 =	vld [tilespmem:s17+$0x8000]  }
0x22: {  	s16 =	sand.u32 $0x7E00, s1;
	v10 =	vld [tilespmem:s17+$0x8010]  }
0x23: {  	v11 =	vld [tilespmem:s17+$0x8020];
	v0 =	vadd.s32 s16, v0  }
0x24: {  	v12 =	vld [tilespmem:s17+$0x8030];
	v1 =	vadd.s32 s16, v1  }
0x25: {  	v13 =	vld [tilespmem:s17+$0x8040];
	v2 =	vadd.s32 s16, v2  }
0x26: {  	v14 =	vld [tilespmem:s17+$0x8050];
	v3 =	vadd.s32 s16, v3  }
0x27: {  	v15 =	vld [tilespmem:s17+$0x8060];
	v4 =	vadd.s32 s16, v4  }
0x28: {  	v5 =	vadd.s32 s16, v5;
	v0 =	vld.idx.msk [tilespmem:v0+s1+$0x0], $0xffff  }
0x29: {  	s15 =	simm.s32 $0x40;
	v7 =	vadd.s32 s16, v7;
	v1 =	vld.idx.msk [tilespmem:v1+s1+$0x0], $0xffff  }
0x2a: {  	s18 =	sand.u32 $0x7E00, s15;
	v6 =	vadd.s32 s16, v6;
	v2 =	vld.idx.msk [tilespmem:v2+s1+$0x0], $0xffff  }
0x2b: {  	v8 =	vadd.s32 s18, v8;
	v3 =	vld.idx.msk [tilespmem:v3+s1+$0x0], $0xffff  }
0x2c: {  	v9 =	vadd.s32 s18, v9;
	v4 =	vld.idx.msk [tilespmem:v4+s1+$0x0], $0xffff  }
0x2d: {  	s16 =	simm.s32 $0x8440;
	v10 =	vadd.s32 s18, v10;
	v5 =	vld.idx.msk [tilespmem:v5+s1+$0x0], $0xffff  }
0x2e: {  	v7 =	vld.idx.msk [tilespmem:v7+s1+$0x0], $0xffff;
	[tilespmem:s16+$0x30] =	vst v0;
	v0 =	vadd.s32 s18, v11  }
0x2f: {  	v11 =	vld.idx.msk [tilespmem:v6+s1+$0x0], $0xffff;
	[tilespmem:s16+$0xFFFFFFC0] =	vst v1;
	v6 =	vadd.s32 s18, v12  }
0x30: {  	[tilespmem:s16+$0xFFFFFFD0] =	vst v2;
	v2 =	vld.idx.msk [tilespmem:v8+s1+$0x0], $0xffff;
	v8 =	vadd.s32 s18, v13  }
0x31: {  	[tilespmem:s16+$0xFFFFFFE0] =	vst v3;
	v3 =	vld.idx.msk [tilespmem:v9+s1+$0x0], $0xffff  }
0x32: {  	[tilespmem:s16+$0xFFFFFFF0] =	vst v4;
	v4 =	vld.idx.msk [tilespmem:v10+s1+$0x0], $0xffff  }
0x33: {  	[tilespmem:s16+$0x0] =	vst v5;
	v5 =	vld.idx.msk [tilespmem:v0+s1+$0x0], $0xffff  }
0x34: {  	s17 =	simm.s32 $0x8;
	v1 =	vadd.s32 s18, v14;
	v0 =	vadd.s32 s18, v15;
	v6 =	vld.idx.msk [tilespmem:v6+s1+$0x0], $0xffff;
	s18 =	simm.s32 $0x100;
	[tilespmem:s16+$0x10] =	vst v11  }
.LBB2_2:
0x35: {  	s19 =	sand.u32 $0x380, s18;
	s17 =	sadd.s32 $0x8, s17;
	v8 =	vld.idx.msk [tilespmem:v8+s1+$0x0], $0xffff;
	[tilespmem:s16+$0x20] =	vst v7;
	s16 =	sadd.s32 $0x80, s16  }
0x36: {  	v7 =	vld [tilespmem:s19+$0x8070];
	p0 =	slt.u32 s17, $0xFF8;
	[tilespmem:s16+$0x30] =	vst v2  }
0x37: {  	v2 =	vld [tilespmem:s19+$0x8000];
	[tilespmem:s16+$0xFFFFFFC0] =	vst v3  }
0x38: {  	v3 =	vld [tilespmem:s19+$0x8010];
	[tilespmem:s16+$0xFFFFFFD0] =	vst v4  }
0x39: {  	s15 =	sadd.s32 $0x40, s15;
	v4 =	vld [tilespmem:s19+$0x8020];
	[tilespmem:s16+$0xFFFFFFE0] =	vst v5  }
0x3a: {  	s20 =	sand.u32 $0x7E00, s15;
	v5 =	vld [tilespmem:s19+$0x8030];
	[tilespmem:s16+$0xFFFFFFF0] =	vst v6  }
0x3b: {  	v6 =	vld [tilespmem:s19+$0x8040];
	v9 =	vadd.s32 s20, v7;
	[tilespmem:s16+$0x0] =	vst v8  }
0x3c: {  	v10 =	vadd.s32 s20, v2;
	v11 =	vld [tilespmem:s19+$0x8050]  }
0x3d: {  	v12 =	vadd.s32 s20, v3;
	v13 =	vld [tilespmem:s19+$0x8060]  }
0x3e: {  	v14 =	vadd.s32 s20, v4;
	v15 =	vld.idx.msk [tilespmem:v1+s1+$0x0], $0xffff  }
0x3f: {  	v16 =	vadd.s32 s20, v5;
	v7 =	vld.idx.msk [tilespmem:v0+s1+$0x0], $0xffff  }
.Ltmp0:
0x40: {  	v8 =	vadd.s32 s20, v6;
	v2 =	vld.idx.msk [tilespmem:v9+s1+$0x0], $0xffff;
	(pc) =	sbr.rel @p0 .LBB2_2-.Ltmp0, $4  }
0x41: {  	v3 =	vld.idx.msk [tilespmem:v10+s1+$0x0], $0xffff;
	v1 =	vadd.s32 s20, v11  }
0x42: {  	v4 =	vld.idx.msk [tilespmem:v12+s1+$0x0], $0xffff;
	v0 =	vadd.s32 s20, v13  }
0x43: {  	v5 =	vld.idx.msk [tilespmem:v14+s1+$0x0], $0xffff  }
0x44: {  	s18 =	sadd.s32 $0x80, s18;
	v6 =	vld.idx.msk [tilespmem:v16+s1+$0x0], $0xffff;
	[tilespmem:s16+$0x10] =	vst v15  }
0x45: {  	_ =	sdelay $0x2  }
0x46: {  	[tilespmem:s16+$0x20] =	vst v7;
	s15 =	sadd.s32 $0x80, s16  }
0x47: {  	v7 =	vld.idx.msk [tilespmem:v8+s1+$0x0], $0xffff;
	[tilespmem:s15+$0x30] =	vst v2  }
0x48: {  	v1 =	vld.idx.msk [tilespmem:v1+s1+$0x0], $0xffff;
	[tilespmem:s15+$0xFFFFFFC0] =	vst v3  }
0x49: {  	v0 =	vld.idx.msk [tilespmem:v0+s1+$0x0], $0xffff;
	[tilespmem:s15+$0xFFFFFFD0] =	vst v4  }
0x4a: {  	[tilespmem:s15+$0xFFFFFFE0] =	vst v5  }
0x4b: {  	[tilespmem:s15+$0xFFFFFFF0] =	vst v6  }
0x4c: {  	[tilespmem:s15+$0x0] =	vst v7  }
0x4d: {  	[tilespmem:s15+$0x10] =	vst v1  }
0x4e: {  	[tilespmem:s15+$0x20] =	vst v0  }
0x4f: {  	[hbm4b:s5+s10] =	stream.strided.scatter [tilespmem:s13], [sflag:$0x1], $0x10000, s11, s10, $0x38;
	[tilespmem:$0x18400] =	vst v63  }
0x50: {  	_ =	swait.ge [sflag:s9], $0x10000  }
0x51: {  	[sflag:s9] =	ssyncset.done $0x0  }
0x52: {  	[sflag:s9] =	ssyncadd.s32 $0xFFFF0000  }
0x53: {  	[tilespmem:s12], [sflag:$0x1] =	stream.strided.gather [hbm4b:s6+s10], $0x400, s11, s10, $0x38;
	[tilespmem:$0x18400] =	vst v63  }
0x54: {  	_ =	swait.ge [sflag:s9], $0x400  }
0x55: {  	s29 =	simm.s32 $0x0;
	[sflag:s9] =	ssyncset.done $0x0  }
0x56: {  	s30 =	sand.u32 $0x380, s29;
	[sflag:s9] =	ssyncadd.s32 $0xFFFFFC00  }
0x57: {  	v0 =	vld [tilespmem:s30+$0x8070]  }
0x58: {  	v1 =	vld [tilespmem:s30+$0x8000]  }
0x59: {  	v2 =	vld [tilespmem:s30+$0x8010]  }
0x5a: {  	v3 =	vld [tilespmem:s30+$0x8020]  }
0x5b: {  	v4 =	vld [tilespmem:s30+$0x8030]  }
0x5c: {  	v5 =	vld [tilespmem:s30+$0x8040]  }
0x5d: {  	s31 =	simm.s32 $0x80;
	v6 =	vld [tilespmem:s30+$0x8050]  }
0x5e: {  	s18 =	sand.u32 $0x380, s31;
	v7 =	vld [tilespmem:s30+$0x8060]  }
0x5f: {  	v8 =	vld [tilespmem:s18+$0x8070]  }
0x60: {  	v9 =	vld [tilespmem:s18+$0x8000]  }
0x61: {  	s17 =	sand.u32 $0x7E00, s29;
	v10 =	vld [tilespmem:s18+$0x8010]  }
0x62: {  	v11 =	vld [tilespmem:s18+$0x8020];
	v0 =	vadd.s32 s17, v0  }
0x63: {  	v12 =	vld [tilespmem:s18+$0x8030];
	v1 =	vadd.s32 s17, v1  }
0x64: {  	v13 =	vld [tilespmem:s18+$0x8040];
	v2 =	vadd.s32 s17, v2  }
0x65: {  	v14 =	vld [tilespmem:s18+$0x8050];
	v3 =	vadd.s32 s17, v3  }
0x66: {  	v15 =	vld [tilespmem:s18+$0x8060];
	v4 =	vadd.s32 s17, v4  }
0x67: {  	v5 =	vadd.s32 s17, v5;
	v0 =	vld.idx.msk [tilespmem:v0+s1+$0x0], $0xffff  }
0x68: {  	s15 =	simm.s32 $0x40;
	v7 =	vadd.s32 s17, v7;
	v1 =	vld.idx.msk [tilespmem:v1+s1+$0x0], $0xffff  }
0x69: {  	s19 =	sand.u32 $0x7E00, s15;
	v6 =	vadd.s32 s17, v6;
	v2 =	vld.idx.msk [tilespmem:v2+s1+$0x0], $0xffff  }
0x6a: {  	v8 =	vadd.s32 s19, v8;
	v3 =	vld.idx.msk [tilespmem:v3+s1+$0x0], $0xffff  }
0x6b: {  	v9 =	vadd.s32 s19, v9;
	v4 =	vld.idx.msk [tilespmem:v4+s1+$0x0], $0xffff  }
0x6c: {  	s16 =	simm.s32 $0x8440;
	v10 =	vadd.s32 s19, v10;
	v5 =	vld.idx.msk [tilespmem:v5+s1+$0x0], $0xffff  }
0x6d: {  	v7 =	vld.idx.msk [tilespmem:v7+s1+$0x0], $0xffff;
	[tilespmem:s16+$0x30] =	vst v0;
	v0 =	vadd.s32 s19, v11  }
0x6e: {  	v11 =	vld.idx.msk [tilespmem:v6+s1+$0x0], $0xffff;
	[tilespmem:s16+$0xFFFFFFC0] =	vst v1;
	v6 =	vadd.s32 s19, v12  }
0x6f: {  	[tilespmem:s16+$0xFFFFFFD0] =	vst v2;
	v2 =	vld.idx.msk [tilespmem:v8+s1+$0x0], $0xffff;
	v8 =	vadd.s32 s19, v13  }
0x70: {  	[tilespmem:s16+$0xFFFFFFE0] =	vst v3;
	v3 =	vld.idx.msk [tilespmem:v9+s1+$0x0], $0xffff  }
0x71: {  	[tilespmem:s16+$0xFFFFFFF0] =	vst v4;
	v4 =	vld.idx.msk [tilespmem:v10+s1+$0x0], $0xffff  }
0x72: {  	[tilespmem:s16+$0x0] =	vst v5;
	v5 =	vld.idx.msk [tilespmem:v0+s1+$0x0], $0xffff  }
0x73: {  	s18 =	simm.s32 $0x100;
	s17 =	simm.s32 $0x8;
	v1 =	vadd.s32 s19, v14;
	v0 =	vadd.s32 s19, v15;
	v6 =	vld.idx.msk [tilespmem:v6+s1+$0x0], $0xffff;
	[tilespmem:s16+$0x10] =	vst v11  }
.LBB2_4:
0x74: {  	s19 =	sand.u32 $0x380, s18;
	s17 =	sadd.s32 $0x8, s17;
	v8 =	vld.idx.msk [tilespmem:v8+s1+$0x0], $0xffff;
	[tilespmem:s16+$0x20] =	vst v7;
	s16 =	sadd.s32 $0x80, s16  }
0x75: {  	v7 =	vld [tilespmem:s19+$0x8070];
	p0 =	slt.u32 s17, $0xFF8;
	[tilespmem:s16+$0x30] =	vst v2  }
0x76: {  	v2 =	vld [tilespmem:s19+$0x8000];
	[tilespmem:s16+$0xFFFFFFC0] =	vst v3  }
0x77: {  	v3 =	vld [tilespmem:s19+$0x8010];
	[tilespmem:s16+$0xFFFFFFD0] =	vst v4  }
0x78: {  	s15 =	sadd.s32 $0x40, s15;
	v4 =	vld [tilespmem:s19+$0x8020];
	[tilespmem:s16+$0xFFFFFFE0] =	vst v5  }
0x79: {  	s20 =	sand.u32 $0x7E00, s15;
	v5 =	vld [tilespmem:s19+$0x8030];
	[tilespmem:s16+$0xFFFFFFF0] =	vst v6  }
0x7a: {  	v6 =	vld [tilespmem:s19+$0x8040];
	v9 =	vadd.s32 s20, v7;
	[tilespmem:s16+$0x0] =	vst v8  }
0x7b: {  	v10 =	vadd.s32 s20, v2;
	v11 =	vld [tilespmem:s19+$0x8050]  }
0x7c: {  	v12 =	vadd.s32 s20, v3;
	v13 =	vld [tilespmem:s19+$0x8060]  }
0x7d: {  	v14 =	vadd.s32 s20, v4;
	v15 =	vld.idx.msk [tilespmem:v1+s1+$0x0], $0xffff  }
0x7e: {  	v16 =	vadd.s32 s20, v5;
	v7 =	vld.idx.msk [tilespmem:v0+s1+$0x0], $0xffff  }
.Ltmp1:
0x7f: {  	v8 =	vadd.s32 s20, v6;
	v2 =	vld.idx.msk [tilespmem:v9+s1+$0x0], $0xffff;
	(pc) =	sbr.rel @p0 .LBB2_4-.Ltmp1, $4  }
0x80: {  	v3 =	vld.idx.msk [tilespmem:v10+s1+$0x0], $0xffff;
	v1 =	vadd.s32 s20, v11  }
0x81: {  	v4 =	vld.idx.msk [tilespmem:v12+s1+$0x0], $0xffff;
	v0 =	vadd.s32 s20, v13  }
0x82: {  	v5 =	vld.idx.msk [tilespmem:v14+s1+$0x0], $0xffff  }
0x83: {  	s18 =	sadd.s32 $0x80, s18;
	v6 =	vld.idx.msk [tilespmem:v16+s1+$0x0], $0xffff;
	[tilespmem:s16+$0x10] =	vst v15  }
0x84: {  	_ =	sdelay $0x2  }
0x85: {  	[tilespmem:s16+$0x20] =	vst v7;
	s15 =	sadd.s32 $0x80, s16  }
0x86: {  	v63 =	vld.idx.msk [tilespmem:v8+s1+$0x0], $0xffff;
	[tilespmem:s15+$0x30] =	vst v2  }
0x87: {  	v1 =	vld.idx.msk [tilespmem:v1+s1+$0x0], $0xffff;
	[tilespmem:s15+$0xFFFFFFC0] =	vst v3  }
0x88: {  	v0 =	vld.idx.msk [tilespmem:v0+s1+$0x0], $0xffff;
	[tilespmem:s15+$0xFFFFFFD0] =	vst v4  }
0x89: {  	[tilespmem:s15+$0xFFFFFFE0] =	vst v5  }
0x8a: {  	[tilespmem:s15+$0xFFFFFFF0] =	vst v6  }
0x8b: {  	s14 =	sadd.s32 $0x1, s14;
	[tilespmem:s15+$0x0] =	vst v63  }
0x8c: {  	p0 =	sne.s32 s14, s8;
	[tilespmem:s15+$0x10] =	vst v1  }
.Ltmp2:
0x8d: {  	[tilespmem:s15+$0x20] =	vst v0;
	(pc) =	sbr.rel @p0 .LBB2_1-.Ltmp2, $4  }
0x8e: {  	[hbm4b:s7+s10] =	stream.strided.scatter [tilespmem:s13], [sflag:$0x1], $0x10000, s11, s10, $0x38;
	[tilespmem:$0x18400] =	vst v63  }
0x8f: {  	_ =	swait.ge [sflag:s9], $0x10000  }
0x90: {  	[sflag:s9] =	ssyncset.done $0x0  }
0x91: {  	[sflag:s9] =	ssyncadd.s32 $0xFFFF0000  }
0x92: {  	_ =	sfence.sel $0x180000  }
0x93: {  	[bflag:$0x0] =	sbarrier.arrive $0xFFFF  }
0x94: {  	p0 =	sne.s32 s2, $0x0;
	_ =	strace $0x9000004D  }
0x95: {  	s0 =	sadd.s32 @!p0 $0x100000, s0;
	[bflag:$0x2] =	sbarrier.arrive $0xFFFF  }
0x96: {  	[sflag:s0] =	ssyncadd.tile.s32 @!p0 $0x1;
	_ =	shalt  }
.Lfunc_end2:
_tile_overlayer_lowered:
.L_overlay_start_2:
0x97: {  	(tag) =	ssettag $0x2  }
0x98: {  	s0 =	rddreg [dreg:$0x0];
	s2 =	stileid.u32  }
0x99: {  	s1 =	rddreg [dreg:$0x1];
	p0 =	sne.s32 s2, $0x0  }
0x9a: {  	s3 =	rddreg [dreg:$0x2];
	[bflag:$0x3] =	sbarrier.arrive $0xFFFF;
	s2 =	simm.s32 @!p0 $0x1C01  }
0x9b: {  	[timem:s3], [sflag:s2] =	dma.local @!p0 [hbm:s0], s1  }
0x9c: {  	s0 =	simm.s32 @!p0 $0x1  }
0x9d: {  	_ =	swait.ge @!p0 [sflag:s0], s1  }
0x9e: {  	s1 =	ssub.s32 @!p0 $0x0, s1;
	[sflag:s0] =	ssyncset.done @!p0 $0x0  }
0x9f: {  	[sflag:s0] =	ssyncadd.s32 @!p0 s1  }
0xa0: {  	[bflag:$0x3] =	sbarrier.arrive $0xFFFF  }
0xa1: {  	_ =	shalt  }

// kernel: kernel.19.cloned.1.call-start
scs
__scs_entry_jumppad:
0x0: {  	(pc) =	sbr.rel $0x88, $3  }
0x1: {  	(tag) =	ssettag $0x0;
	lr =	simm.s32 $0x1  }
0x2: {  	[smem:$0x3F9F] =	sst lr;
	_ =	strace $0xD0000000  }
0x3: {  	_ = 	snop  }
0x4: {  	_ = 	snop  }
0x5: {  	_ = 	snop  }
0x6: {  	_ = 	snop  }
0x7: {  	_ = 	snop  }
__scs_overlays_trampoline_lowered:
0x8: {  	[smem:$0x3FAE] =	sst s0  }
0x9: {  	[smem:$0x3FAF] =	sst s1  }
0xa: {  	[smem:$0x3FB0] =	sst s2  }
0xb: {  	[smem:$0x3FB1] =	sst s3  }
0xc: {  	[smem:$0x3FB2] =	sst s4  }
0xd: {  	[smem:$0x3FB3] =	sst s5  }
0xe: {  	[smem:$0x3FB4] =	sst s6  }
0xf: {  	[smem:$0x3FB5] =	sst s7  }
0x10: {  	[smem:$0x3FB6] =	sst s8  }
0x11: {  	[smem:$0x3FB7] =	sst s9;
	s0 =	simm.s32 @!p0 $0x0  }
0x12: {  	s1 =	sld [smem:$0x3F9D];
	s0 =	simm.s32 @p0 $0x1  }
0x13: {  	[smem:$0x3FB8] =	sst s0;
	s0 =	simm.s32 @!p1 $0x0  }
0x14: {  	s2 =	sld [smem:$0x3F9C];
	s0 =	simm.s32 @p1 $0x1  }
0x15: {  	[smem:$0x3FB9] =	sst s0;
	s0 =	simm.s32 @!p2 $0x0  }
0x16: {  	s3 =	sld [smem:$0x3FDB];
	s0 =	simm.s32 @p2 $0x1  }
0x17: {  	s4 =	simm.s32 $0x1BF5;
	[smem:$0x3FBB] =	sst s0  }
0x18: {  	s0 =	sld [smem:$0x3F9E];
	_ =	swait.ge [sflag:s4], $0x0  }
0x19: {  	s7 =	sld [smem:$0x3F9F]  }
0x1a: {  	s8 =	sadd.s32 $0xFFFFE003, lr  }
0x1b: {  	s9 =	sadd.s32 $0xFFFFFEF7, lr;
	s5 =	simm.s32 $0xFFFFFFFF;
	p2 =	slt.u32 s8, $0xFFFFF086  }
0x1c: {  	p1 =	slt.u32 s9, $0xF7A;
	s5 =	simm.s32 @!p2 $0x0  }
0x1d: {  	s5 =	simm.s32 @p1 $0x1;
	p0 =	seq.s32 s7, s2  }
0x1e: {  	s7 =	smul.u32 @!p0 $0xF7A, s2;
	p2 =	seq.s32 @!p0 s5, $0x0  }
0x1f: {  	s9 =	smul.u32 $0xF7A, s1;
	s8 =	simm.s32 @!p0 $0x1BF5;
	p2 =	por !p2, p0  }
0x20: {  	[sflag:s8] =	ssyncset.s32 @!p0 $0xFFFFF086;
	s6 =	sadd.s32 @!p0 s3, s7;
	s7 =	simm.s32 @!p0 $0x108  }
0x21: {  	s3 =	sadd.s32 s3, s9;
	s6 =	sadd.s32 @!p0 $0x88, s6;
	s7 =	simm.s32 @p2 $0x1082  }
0x22: {  	[simem:s7], [sflag:s8] =	dma.local @!p0 [hbm:s6], $0xF7A  }
0x23: {  	s9 =	sor.u32 $0xD0000000, s2;
	s6 =	simm.s32 $0x108;
	_ =	swait.ge @!p0 [sflag:s8], $0x0  }
0x24: {  	s3 =	sadd.s32 $0x88, s3;
	s6 =	simm.s32 @!p1 $0x1082;
	[sflag:s4] =	ssyncset.s32 $0xFFFFF086  }
0x25: {  	[simem:s6], [sflag:s4] =	dma.local [hbm:s3], $0xF7A  }
0x26: {  	[smem:$0x3F9F] =	sst s1;
	(tag) =	ssettag s2;
	_ =	strace s9  }
0x27: {  	s1 =	sld [smem:$0x3FAF]  }
0x28: {  	s2 =	sld [smem:$0x3FB0]  }
0x29: {  	s4 =	sld [smem:$0x3FB2]  }
0x2a: {  	p0 =	seq.s32 s5, $0x0;
	s5 =	sld [smem:$0x3FB3]  }
0x2b: {  	s6 =	sld [smem:$0x3FB4]  }
0x2c: {  	s7 =	sld [smem:$0x3FB5]  }
0x2d: {  	s3 =	simm.s32 $0x108;
	s8 =	sld [smem:$0x3FB6]  }
0x2e: {  	s3 =	simm.s32 @!p0 $0x1082;
	s9 =	sld [smem:$0x3FB7]  }
0x2f: {  	lr =	sadd.s32 s0, s3;
	s0 =	sld [smem:$0x3FAE]  }
0x30: {  	s3 =	sld [smem:$0x3FB1]  }
0x31: {  	[smem:$0x3FBA] =	sst s10  }
0x32: {  	s10 =	sld [smem:$0x3FB8];
	_ =	sdelay $0x3  }
0x33: {  	p0 =	seq.s32 s10, $0x1;
	s10 =	sld [smem:$0x3FBA];
	_ =	sdelay $0x3  }
0x34: {  	[smem:$0x3FBA] =	sst s10  }
0x35: {  	s10 =	sld [smem:$0x3FB9];
	_ =	sdelay $0x3  }
0x36: {  	p1 =	seq.s32 s10, $0x1;
	s10 =	sld [smem:$0x3FBA];
	_ =	sdelay $0x3  }
0x37: {  	[smem:$0x3FBA] =	sst s10  }
0x38: {  	s10 =	sld [smem:$0x3FBB]  }
0x39: {  	_ = 	snop;
	(pc) =	sbr.ind lr, $3  }
0x3a: {  	_ = 	snop  }
0x3b: {  	_ = 	snop  }
0x3c: {  	p2 =	seq.s32 s10, $0x1;
	s10 =	sld [smem:$0x3FBA]  }
0x3d: {  	_ =	shalt  }
0x3e: {  	_ =	shalt  }
0x3f: {  	_ =	shalt  }
0x40: {  	_ =	shalt  }
0x41: {  	_ =	shalt  }
0x42: {  	_ =	shalt  }
0x43: {  	_ =	shalt  }
0x44: {  	_ =	shalt  }
0x45: {  	_ =	shalt  }
0x46: {  	_ =	shalt  }
0x47: {  	_ =	shalt  }
0x48: {  	_ =	shalt  }
0x49: {  	_ =	shalt  }
0x4a: {  	_ =	shalt  }
0x4b: {  	_ =	shalt  }
0x4c: {  	_ =	shalt  }
0x4d: {  	_ =	shalt  }
0x4e: {  	_ =	shalt  }
0x4f: {  	_ =	shalt  }
0x50: {  	_ =	shalt  }
0x51: {  	_ =	shalt  }
0x52: {  	_ =	shalt  }
0x53: {  	_ =	shalt  }
0x54: {  	_ =	shalt  }
0x55: {  	_ =	shalt  }
0x56: {  	_ =	shalt  }
0x57: {  	_ =	shalt  }
0x58: {  	_ =	shalt  }
0x59: {  	_ =	shalt  }
0x5a: {  	_ =	shalt  }
0x5b: {  	_ =	shalt  }
0x5c: {  	_ =	shalt  }
0x5d: {  	_ =	shalt  }
0x5e: {  	_ =	shalt  }
0x5f: {  	_ =	shalt  }
0x60: {  	_ =	shalt  }
0x61: {  	_ =	shalt  }
0x62: {  	_ =	shalt  }
0x63: {  	_ =	shalt  }
0x64: {  	_ =	shalt  }
0x65: {  	_ =	shalt  }
0x66: {  	_ =	shalt  }
0x67: {  	_ =	shalt  }
0x68: {  	_ =	shalt  }
0x69: {  	_ =	shalt  }
0x6a: {  	_ =	shalt  }
0x6b: {  	_ =	shalt  }
0x6c: {  	_ =	shalt  }
0x6d: {  	_ =	shalt  }
0x6e: {  	_ =	shalt  }
0x6f: {  	_ =	shalt  }
0x70: {  	_ =	shalt  }
0x71: {  	_ =	shalt  }
0x72: {  	_ =	shalt  }
0x73: {  	_ =	shalt  }
0x74: {  	_ =	shalt  }
0x75: {  	_ =	shalt  }
0x76: {  	_ =	shalt  }
0x77: {  	_ =	shalt  }
0x78: {  	_ =	shalt  }
0x79: {  	_ =	shalt  }
0x7a: {  	_ =	shalt  }
0x7b: {  	_ =	shalt  }
0x7c: {  	_ =	shalt  }
0x7d: {  	_ =	shalt  }
0x7e: {  	_ =	shalt  }
0x7f: {  	_ =	shalt  }
0x80: {  	_ =	shalt  }
0x81: {  	_ =	shalt  }
0x82: {  	_ =	shalt  }
0x83: {  	_ =	shalt  }
0x84: {  	_ =	shalt  }
0x85: {  	_ =	shalt  }
0x86: {  	_ =	shalt  }
0x87: {  	_ =	shalt  }
.Lfunc_end0:
.L_simem_size_0:
called_computation.4_lowered:
.L_overlay_start_0:
0x88: {  	s2 =	sld [smem:$0x3FD9]  }
0x89: {  	s3 =	sld [smem:$0x3FFE];
	_ =	sdelay $0x1  }
0x8a: {  	s1 =	srdreg.scid  }
0x8b: {  	s0 =	sand.u32 $0x1, s1  }
0x8c: {  	s17 =	sshll.u32 s0, $0xA;
	s2 =	sadd.s32 s3, s2  }
0x8d: {  	s2 =	sadd.s32 s2, s17  }
0x8e: {  	[smem:$0x3FC6] =	sst s2  }
0x8f: {  	_ = 	snop  }
0x90: {  	s18 =	sld [smem:$0x3FD0];
	(tm) =	ssettm $0x1  }
0x91: {  	s19 =	sld [smem:$0x3FFB];
	_ =	sdelay $0x3  }
0x92: {  	_ =	strace s19  }
0x93: {  	s2 =	sld [smem:$0x3FFC];
	_ =	sdelay $0x3  }
0x94: {  	_ =	strace s2  }
0x95: {  	s2 =	sld [smem:$0x3FFD];
	_ =	sdelay $0x3  }
0x96: {  	_ =	strace s2  }
0x97: {  	_ =	strace $0x8FFFFFFF  }
0x98: {  	s20 =	sld [smem:$0x3FDB];
	_ =	sdelay $0x1  }
0x99: {  	s4 =	simm.s32 $_scs_section_size  }
0x9a: {  	s5 =	simm.s32 $_size__tile_overlayer_lowered;
	s6 =	simm.s32 $_tile_overlayer_lowered  }
0x9b: {  	s7 =	simm.s32 $0x1BFF;
	s21 =	sshll.u32 s6, $0x1;
	s4 =	sadd.s32 s4, s20  }
0x9c: {  	s22 =	simm.s32 $0x0;
	s5 =	sshll.u32 s5, $0x1;
	s6 =	sadd.s32 s21, s4  }
0x9d: {  	[timem:s22], [sflag:s7] =	dma.local [hbm:s6], s5  }
0x9e: {  	_ =	swait.ge [sflag:s7], s5  }
0x9f: {  	s5 =	ssub.s32 $0x0, s5;
	[sflag:s7] =	ssyncset.done $0x0  }
0xa0: {  	[sflag:s7] =	ssyncadd.s32 s5;
	_ =	sdelay $0x1  }
0xa1: {  	s23 =	simm.s32 $0x1B8B  }
0xa2: {  	_ =	swait.ge [sflag:s23], $0x1  }
0xa3: {  	[sflag:s23] =	ssyncset.done $0x0  }
0xa4: {  	[sflag:s23] =	ssyncadd.s32 $0xFFFFFFFF  }
0xa5: {  	s5 =	sld [smem:$0x0]  }
0xa6: {  	s6 =	sand.u32 $0xFFFFFFFE, s1  }
0xa7: {  	p0 =	sne.s32 s1, s6  }
0xa8: {  	s6 =	sshll.u32 @p0 s6, $0xE  }
0xa9: {  	s6 =	sadd.s32 @p0 $0x11B8D, s6;
	s7 =	sshll.u32 @p0 s5, $0x11  }
0xaa: {  	s6 =	sor.u32 @p0 s7, s6  }
0xab: {  	[sflag:s6] =	ssyncadd.remote.s32 @p0 $0x1;
	_ =	sdelay $0x1  }
0xac: {  	s6 =	simm.s32 @p0 $0x1B8D  }
0xad: {  	_ =	swait.eq @p0 [sflag:s6], $0x1  }
0xae: {  	[sflag:s6] =	ssyncadd.s32 @p0 $0xFFFFFFFF  }
0xaf: {  	s7 =	sshll.u32 @!p0 s1, $0xE  }
0xb0: {  	s7 =	sor.u32 @!p0 $0x4000, s7;
	s6 =	simm.s32 @!p0 $0x1B8D  }
0xb1: {  	s5 =	sshll.u32 @!p0 s5, $0x11;
	s7 =	sadd.s32 @!p0 $0x11B8D, s7;
	_ =	swait.eq @!p0 [sflag:s6], $0x1  }
0xb2: {  	s5 =	sor.u32 @!p0 s5, s7;
	[sflag:s6] =	ssyncadd.s32 @!p0 $0xFFFFFFFF  }
0xb3: {  	s25 =	simm.s32 $0x1B8E;
	s24 =	sld [smem:$0x3FFE];
	[sflag:s5] =	ssyncadd.remote.s32 @!p0 $0x1  }
0xb4: {  	s26 =	simm.s32 $execute0_lowered;
	[smem:$0x3FD2] =	sst s25  }
0xb5: {  	s6 =	sshll.u32 s26, $0x1;
	_ =	strace $0x8000004F;
	[dreg:$0x1] =	wrdreg $0xFFFFFFFF  }
0xb6: {  	s28 =	simm.s32 $_size_execute0_lowered;
	s4 =	sadd.s32 s4, s6;
	[dreg:$0x0] =	wrdreg $0x0  }
0xb7: {  	s6 =	sshll.u32 s28, $0x1;
	[dreg:$0x2] =	wrdreg s4  }
0xb8: {  	[dreg:$0x3] =	wrdreg s6  }
0xb9: {  	[dreg:$0x4] =	wrdreg $0xC0  }
0xba: {  	_ =	task [dreg:s22], $0x5FFFF  }
0xbb: {  	[dreg:$0x1] =	wrdreg $0xFFFFFFFF  }
0xbc: {  	[dreg:$0x0] =	wrdreg $0x60  }
0xbd: {  	[dreg:$0x2] =	wrdreg s24  }
0xbe: {  	[dreg:$0x3] =	wrdreg s18  }
0xbf: {  	[dreg:$0x4] =	wrdreg $0xC  }
0xc0: {  	_ =	task.clear_ibuf [dreg:s22], $0x5FFFF;
	_ =	strace $0x9000004F  }
0xc1: {  	s29 =	simm.s32 $0xC;
	_ =	strace $0x80000051  }
0xc2: {  	_ =	swait.ge [sflag:s29], $0x1  }
0xc3: {  	[sflag:s29] =	ssyncadd.s32 $0xFFFFFFFF  }
0xc4: {  	_ =	strace $0x90000051  }
0xc5: {  	_ =	sfence  }
0xc6: {  	s30 =	sld [smem:$0x0];
	_ =	sdelay $0x2  }
0xc7: {  	s31 =	sshll.u32 s1, $0xD;
	s1 =	sshrl.u32 s1, $0x2  }
0xc8: {  	s4 =	sand.u32 $0x4000, s31;
	s1 =	sadd.s32 s1, s30  }
0xc9: {  	s0 =	sor.u32 s4, s0;
	s1 =	sshll.u32 s1, $0x11  }
0xca: {  	s0 =	sor.u32 s1, s0  }
0xcb: {  	s0 =	sadd.s32 $0x8F2B, s0  }
0xcc: {  	[sflag:s0] =	ssyncadd.remote.s32 $0x1  }
0xcd: {  	_ =	sfence.sel $0xFFFF  }
0xce: {  	[dreg:$0x0] =	wrdreg $0xFFFFFFFF;
	(pc) =	sbr.abs _section_cstart, $3  }
0xcf: {  	[dreg:$0x1] =	wrdreg $0xFFFFFFFF  }
0xd0: {  	_ =	task.clear_ibuf [dreg:s22], $0x2FFFF;
	_ =	strace $0x9FFFFFFF  }
0xd1: {  	(tm) =	ssettm $0x7FFFFFFF  }
tec
execute0_lowered:
.L_overlay_start_1:
0x0: {  	(tag) =	ssettag $0x1  }
0x1: {  	s4 =	rddreg [dreg:$0x0]  }
0x2: {  	s7 =	rddreg [dreg:$0x1]  }
0x3: {  	s0 =	rddreg [dreg:$0x2];
	s2 =	simm.s32 $0x0;
	s5 =	srdreg.scid  }
0x4: {  	s1 =	stileid.u32;
	s13 =	simm.s32 $0x8400;
	s14 =	simm.s32 $0x0  }
0x5: {  	[smem:$0x7FF] =	sst s2;
	s3 =	sadd.s32 $0x1C00, s4;
	s5 =	sand.u32 $0x1, s5  }
0x6: {  	s6 =	sshll.u32 s1, $0x9;
	s9 =	sshrl.u32 s1, $0x1;
	s10 =	sadd.s32 $0x188C00, s4  }
0x7: {  	_ =	strace $0x80000050;
	s8 =	sshll.u32 s5, $0x8;
	s6 =	sand.u32 $0x200, s6  }
0x8: {  	s5 =	ssub.s32 $0x2, s5;
	s26 =	sshll.u32 s9, $0xD;
	s6 =	sor.u32 s8, s6  }
0x9: {  	s30 =	sshll.u32 s9, $0x13;
	s28 =	sshrl.u32 s5, $0x1;
	s11 =	sor.u32 s26, s6  }
0xa: {  	s12 =	ssub.s32 s5, s28;
	s9 =	sor.u32 s30, s6;
	s6 =	sor.u32 $0x80, s6  }
0xb: {  	s29 =	sshrl.u32 s11, $0x3;
	s9 =	sshrl.u32 s9, $0x3;
	s8 =	sor.u32 s26, s6  }
0xc: {  	s6 =	sor.u32 s30, s6;
	s11 =	simm.s32 $0x400;
	s4 =	sadd.s32 s10, s29  }
0xd: {  	s5 =	sadd.s32 s7, s9;
	s8 =	sshrl.u32 s8, $0x3;
	s31 =	sshrl.u32 s6, $0x3  }
0xe: {  	s9 =	simm.s32 $0x1;
	s6 =	sadd.s32 s10, s8;
	s7 =	sadd.s32 s7, s31  }
0xf: {  	s8 =	smax.u32 s12, $0x1;
	s10 =	simm.s32 $0x80;
	s12 =	simm.s32 $0x8000  }
.LBB2_1:
0x10: {  	[tilespmem:s2], [sflag:$0x1] =	stream.linear.gather [hbm4b:s3+s2], $0x8000, $0x38;
	[tilespmem:$0x18400] =	vst v63  }
0x11: {  	_ =	swait.ge [sflag:s9], $0x8000  }
0x12: {  	[sflag:s9] =	ssyncset.done $0x0  }
0x13: {  	[sflag:s9] =	ssyncadd.s32 $0xFFFF8000  }
0x14: {  	[tilespmem:s12], [sflag:$0x1] =	stream.strided.gather [hbm4b:s4+s10], $0x400, s11, s10, $0x38;
	[tilespmem:$0x18400] =	vst v63  }
0x15: {  	_ =	swait.ge [sflag:s9], $0x400  }
0x16: {  	[sflag:s9] =	ssyncset.done $0x0  }
0x17: {  	s15 =	sand.u32 $0x380, s2;
	[sflag:s9] =	ssyncadd.s32 $0xFFFFFC00  }
0x18: {  	v0 =	vld [tilespmem:s15+$0x8070]  }
0x19: {  	v1 =	vld [tilespmem:s15+$0x8000]  }
0x1a: {  	v2 =	vld [tilespmem:s15+$0x8010]  }
0x1b: {  	v3 =	vld [tilespmem:s15+$0x8020]  }
0x1c: {  	v4 =	vld [tilespmem:s15+$0x8030]  }
0x1d: {  	v5 =	vld [tilespmem:s15+$0x8040]  }
0x1e: {  	s31 =	simm.s32 $0x80;
	v6 =	vld [tilespmem:s15+$0x8050]  }
0x1f: {  	s17 =	sand.u32 $0x380, s31;
	v7 =	vld [tilespmem:s15+$0x8060]  }
0x20: {  	v8 =	vld [tilespmem:s17+$0x8070]  }
0x21: {  	v9 =	vld [tilespmem:s17+$0x8000]  }
0x22: {  	s16 =	sand.u32 $0x7E00, s2;
	v10 =	vld [tilespmem:s17+$0x8010]  }
0x23: {  	v11 =	vld [tilespmem:s17+$0x8020];
	v0 =	vadd.s32 s16, v0  }
0x24: {  	v12 =	vld [tilespmem:s17+$0x8030];
	v1 =	vadd.s32 s16, v1  }
0x25: {  	v13 =	vld [tilespmem:s17+$0x8040];
	v2 =	vadd.s32 s16, v2  }
0x26: {  	v14 =	vld [tilespmem:s17+$0x8050];
	v3 =	vadd.s32 s16, v3  }
0x27: {  	v15 =	vld [tilespmem:s17+$0x8060];
	v4 =	vadd.s32 s16, v4  }
0x28: {  	v5 =	vadd.s32 s16, v5;
	v0 =	vld.idx.msk [tilespmem:v0+s2+$0x0], $0xffff  }
0x29: {  	s15 =	simm.s32 $0x40;
	v7 =	vadd.s32 s16, v7;
	v1 =	vld.idx.msk [tilespmem:v1+s2+$0x0], $0xffff  }
0x2a: {  	s18 =	sand.u32 $0x7E00, s15;
	v6 =	vadd.s32 s16, v6;
	v2 =	vld.idx.msk [tilespmem:v2+s2+$0x0], $0xffff  }
0x2b: {  	v8 =	vadd.s32 s18, v8;
	v3 =	vld.idx.msk [tilespmem:v3+s2+$0x0], $0xffff  }
0x2c: {  	v9 =	vadd.s32 s18, v9;
	v4 =	vld.idx.msk [tilespmem:v4+s2+$0x0], $0xffff  }
0x2d: {  	s16 =	simm.s32 $0x8440;
	v10 =	vadd.s32 s18, v10;
	v5 =	vld.idx.msk [tilespmem:v5+s2+$0x0], $0xffff  }
0x2e: {  	v7 =	vld.idx.msk [tilespmem:v7+s2+$0x0], $0xffff;
	[tilespmem:s16+$0x30] =	vst v0;
	v0 =	vadd.s32 s18, v11  }
0x2f: {  	v11 =	vld.idx.msk [tilespmem:v6+s2+$0x0], $0xffff;
	[tilespmem:s16+$0xFFFFFFC0] =	vst v1;
	v6 =	vadd.s32 s18, v12  }
0x30: {  	[tilespmem:s16+$0xFFFFFFD0] =	vst v2;
	v2 =	vld.idx.msk [tilespmem:v8+s2+$0x0], $0xffff;
	v8 =	vadd.s32 s18, v13  }
0x31: {  	[tilespmem:s16+$0xFFFFFFE0] =	vst v3;
	v3 =	vld.idx.msk [tilespmem:v9+s2+$0x0], $0xffff  }
0x32: {  	[tilespmem:s16+$0xFFFFFFF0] =	vst v4;
	v4 =	vld.idx.msk [tilespmem:v10+s2+$0x0], $0xffff  }
0x33: {  	[tilespmem:s16+$0x0] =	vst v5;
	v5 =	vld.idx.msk [tilespmem:v0+s2+$0x0], $0xffff  }
0x34: {  	s17 =	simm.s32 $0x8;
	v1 =	vadd.s32 s18, v14;
	v0 =	vadd.s32 s18, v15;
	v6 =	vld.idx.msk [tilespmem:v6+s2+$0x0], $0xffff;
	s18 =	simm.s32 $0x100;
	[tilespmem:s16+$0x10] =	vst v11  }
.LBB2_2:
0x35: {  	s19 =	sand.u32 $0x380, s18;
	s17 =	sadd.s32 $0x8, s17;
	v8 =	vld.idx.msk [tilespmem:v8+s2+$0x0], $0xffff;
	[tilespmem:s16+$0x20] =	vst v7;
	s16 =	sadd.s32 $0x80, s16  }
0x36: {  	v7 =	vld [tilespmem:s19+$0x8070];
	p0 =	slt.u32 s17, $0xFF8;
	[tilespmem:s16+$0x30] =	vst v2  }
0x37: {  	v2 =	vld [tilespmem:s19+$0x8000];
	[tilespmem:s16+$0xFFFFFFC0] =	vst v3  }
0x38: {  	v3 =	vld [tilespmem:s19+$0x8010];
	[tilespmem:s16+$0xFFFFFFD0] =	vst v4  }
0x39: {  	s15 =	sadd.s32 $0x40, s15;
	v4 =	vld [tilespmem:s19+$0x8020];
	[tilespmem:s16+$0xFFFFFFE0] =	vst v5  }
0x3a: {  	s20 =	sand.u32 $0x7E00, s15;
	v5 =	vld [tilespmem:s19+$0x8030];
	[tilespmem:s16+$0xFFFFFFF0] =	vst v6  }
0x3b: {  	v6 =	vld [tilespmem:s19+$0x8040];
	v9 =	vadd.s32 s20, v7;
	[tilespmem:s16+$0x0] =	vst v8  }
0x3c: {  	v10 =	vadd.s32 s20, v2;
	v11 =	vld [tilespmem:s19+$0x8050]  }
0x3d: {  	v12 =	vadd.s32 s20, v3;
	v13 =	vld [tilespmem:s19+$0x8060]  }
0x3e: {  	v14 =	vadd.s32 s20, v4;
	v15 =	vld.idx.msk [tilespmem:v1+s2+$0x0], $0xffff  }
0x3f: {  	v16 =	vadd.s32 s20, v5;
	v7 =	vld.idx.msk [tilespmem:v0+s2+$0x0], $0xffff  }
.Ltmp0:
0x40: {  	v8 =	vadd.s32 s20, v6;
	v2 =	vld.idx.msk [tilespmem:v9+s2+$0x0], $0xffff;
	(pc) =	sbr.rel @p0 .LBB2_2-.Ltmp0, $4  }
0x41: {  	v3 =	vld.idx.msk [tilespmem:v10+s2+$0x0], $0xffff;
	v1 =	vadd.s32 s20, v11  }
0x42: {  	v4 =	vld.idx.msk [tilespmem:v12+s2+$0x0], $0xffff;
	v0 =	vadd.s32 s20, v13  }
0x43: {  	v5 =	vld.idx.msk [tilespmem:v14+s2+$0x0], $0xffff  }
0x44: {  	s18 =	sadd.s32 $0x80, s18;
	v6 =	vld.idx.msk [tilespmem:v16+s2+$0x0], $0xffff;
	[tilespmem:s16+$0x10] =	vst v15  }
0x45: {  	_ =	sdelay $0x2  }
0x46: {  	[tilespmem:s16+$0x20] =	vst v7;
	s15 =	sadd.s32 $0x80, s16  }
0x47: {  	v7 =	vld.idx.msk [tilespmem:v8+s2+$0x0], $0xffff;
	[tilespmem:s15+$0x30] =	vst v2  }
0x48: {  	v1 =	vld.idx.msk [tilespmem:v1+s2+$0x0], $0xffff;
	[tilespmem:s15+$0xFFFFFFC0] =	vst v3  }
0x49: {  	v0 =	vld.idx.msk [tilespmem:v0+s2+$0x0], $0xffff;
	[tilespmem:s15+$0xFFFFFFD0] =	vst v4  }
0x4a: {  	[tilespmem:s15+$0xFFFFFFE0] =	vst v5  }
0x4b: {  	[tilespmem:s15+$0xFFFFFFF0] =	vst v6  }
0x4c: {  	[tilespmem:s15+$0x0] =	vst v7  }
0x4d: {  	[tilespmem:s15+$0x10] =	vst v1  }
0x4e: {  	[tilespmem:s15+$0x20] =	vst v0  }
0x4f: {  	[hbm4b:s5+s10] =	stream.strided.scatter [tilespmem:s13], [sflag:$0x1], $0x10000, s11, s10, $0x38;
	[tilespmem:$0x18400] =	vst v63  }
0x50: {  	_ =	swait.ge [sflag:s9], $0x10000  }
0x51: {  	[sflag:s9] =	ssyncset.done $0x0  }
0x52: {  	[sflag:s9] =	ssyncadd.s32 $0xFFFF0000  }
0x53: {  	[tilespmem:s12], [sflag:$0x1] =	stream.strided.gather [hbm4b:s6+s10], $0x400, s11, s10, $0x38;
	[tilespmem:$0x18400] =	vst v63  }
0x54: {  	_ =	swait.ge [sflag:s9], $0x400  }
0x55: {  	s29 =	simm.s32 $0x0;
	[sflag:s9] =	ssyncset.done $0x0  }
0x56: {  	s30 =	sand.u32 $0x380, s29;
	[sflag:s9] =	ssyncadd.s32 $0xFFFFFC00  }
0x57: {  	v0 =	vld [tilespmem:s30+$0x8070]  }
0x58: {  	v1 =	vld [tilespmem:s30+$0x8000]  }
0x59: {  	v2 =	vld [tilespmem:s30+$0x8010]  }
0x5a: {  	v3 =	vld [tilespmem:s30+$0x8020]  }
0x5b: {  	v4 =	vld [tilespmem:s30+$0x8030]  }
0x5c: {  	v5 =	vld [tilespmem:s30+$0x8040]  }
0x5d: {  	s31 =	simm.s32 $0x80;
	v6 =	vld [tilespmem:s30+$0x8050]  }
0x5e: {  	s18 =	sand.u32 $0x380, s31;
	v7 =	vld [tilespmem:s30+$0x8060]  }
0x5f: {  	v8 =	vld [tilespmem:s18+$0x8070]  }
0x60: {  	v9 =	vld [tilespmem:s18+$0x8000]  }
0x61: {  	s17 =	sand.u32 $0x7E00, s29;
	v10 =	vld [tilespmem:s18+$0x8010]  }
0x62: {  	v11 =	vld [tilespmem:s18+$0x8020];
	v0 =	vadd.s32 s17, v0  }
0x63: {  	v12 =	vld [tilespmem:s18+$0x8030];
	v1 =	vadd.s32 s17, v1  }
0x64: {  	v13 =	vld [tilespmem:s18+$0x8040];
	v2 =	vadd.s32 s17, v2  }
0x65: {  	v14 =	vld [tilespmem:s18+$0x8050];
	v3 =	vadd.s32 s17, v3  }
0x66: {  	v15 =	vld [tilespmem:s18+$0x8060];
	v4 =	vadd.s32 s17, v4  }
0x67: {  	v5 =	vadd.s32 s17, v5;
	v0 =	vld.idx.msk [tilespmem:v0+s2+$0x0], $0xffff  }
0x68: {  	s15 =	simm.s32 $0x40;
	v7 =	vadd.s32 s17, v7;
	v1 =	vld.idx.msk [tilespmem:v1+s2+$0x0], $0xffff  }
0x69: {  	s19 =	sand.u32 $0x7E00, s15;
	v6 =	vadd.s32 s17, v6;
	v2 =	vld.idx.msk [tilespmem:v2+s2+$0x0], $0xffff  }
0x6a: {  	v8 =	vadd.s32 s19, v8;
	v3 =	vld.idx.msk [tilespmem:v3+s2+$0x0], $0xffff  }
0x6b: {  	v9 =	vadd.s32 s19, v9;
	v4 =	vld.idx.msk [tilespmem:v4+s2+$0x0], $0xffff  }
0x6c: {  	s16 =	simm.s32 $0x8440;
	v10 =	vadd.s32 s19, v10;
	v5 =	vld.idx.msk [tilespmem:v5+s2+$0x0], $0xffff  }
0x6d: {  	v7 =	vld.idx.msk [tilespmem:v7+s2+$0x0], $0xffff;
	[tilespmem:s16+$0x30] =	vst v0;
	v0 =	vadd.s32 s19, v11  }
0x6e: {  	v11 =	vld.idx.msk [tilespmem:v6+s2+$0x0], $0xffff;
	[tilespmem:s16+$0xFFFFFFC0] =	vst v1;
	v6 =	vadd.s32 s19, v12  }
0x6f: {  	[tilespmem:s16+$0xFFFFFFD0] =	vst v2;
	v2 =	vld.idx.msk [tilespmem:v8+s2+$0x0], $0xffff;
	v8 =	vadd.s32 s19, v13  }
0x70: {  	[tilespmem:s16+$0xFFFFFFE0] =	vst v3;
	v3 =	vld.idx.msk [tilespmem:v9+s2+$0x0], $0xffff  }
0x71: {  	[tilespmem:s16+$0xFFFFFFF0] =	vst v4;
	v4 =	vld.idx.msk [tilespmem:v10+s2+$0x0], $0xffff  }
0x72: {  	[tilespmem:s16+$0x0] =	vst v5;
	v5 =	vld.idx.msk [tilespmem:v0+s2+$0x0], $0xffff  }
0x73: {  	s18 =	simm.s32 $0x100;
	s17 =	simm.s32 $0x8;
	v1 =	vadd.s32 s19, v14;
	v0 =	vadd.s32 s19, v15;
	v6 =	vld.idx.msk [tilespmem:v6+s2+$0x0], $0xffff;
	[tilespmem:s16+$0x10] =	vst v11  }
.LBB2_4:
0x74: {  	s19 =	sand.u32 $0x380, s18;
	s17 =	sadd.s32 $0x8, s17;
	v8 =	vld.idx.msk [tilespmem:v8+s2+$0x0], $0xffff;
	[tilespmem:s16+$0x20] =	vst v7;
	s16 =	sadd.s32 $0x80, s16  }
0x75: {  	v7 =	vld [tilespmem:s19+$0x8070];
	p0 =	slt.u32 s17, $0xFF8;
	[tilespmem:s16+$0x30] =	vst v2  }
0x76: {  	v2 =	vld [tilespmem:s19+$0x8000];
	[tilespmem:s16+$0xFFFFFFC0] =	vst v3  }
0x77: {  	v3 =	vld [tilespmem:s19+$0x8010];
	[tilespmem:s16+$0xFFFFFFD0] =	vst v4  }
0x78: {  	s15 =	sadd.s32 $0x40, s15;
	v4 =	vld [tilespmem:s19+$0x8020];
	[tilespmem:s16+$0xFFFFFFE0] =	vst v5  }
0x79: {  	s20 =	sand.u32 $0x7E00, s15;
	v5 =	vld [tilespmem:s19+$0x8030];
	[tilespmem:s16+$0xFFFFFFF0] =	vst v6  }
0x7a: {  	v6 =	vld [tilespmem:s19+$0x8040];
	v9 =	vadd.s32 s20, v7;
	[tilespmem:s16+$0x0] =	vst v8  }
0x7b: {  	v10 =	vadd.s32 s20, v2;
	v11 =	vld [tilespmem:s19+$0x8050]  }
0x7c: {  	v12 =	vadd.s32 s20, v3;
	v13 =	vld [tilespmem:s19+$0x8060]  }
0x7d: {  	v14 =	vadd.s32 s20, v4;
	v15 =	vld.idx.msk [tilespmem:v1+s2+$0x0], $0xffff  }
0x7e: {  	v16 =	vadd.s32 s20, v5;
	v7 =	vld.idx.msk [tilespmem:v0+s2+$0x0], $0xffff  }
.Ltmp1:
0x7f: {  	v8 =	vadd.s32 s20, v6;
	v2 =	vld.idx.msk [tilespmem:v9+s2+$0x0], $0xffff;
	(pc) =	sbr.rel @p0 .LBB2_4-.Ltmp1, $4  }
0x80: {  	v3 =	vld.idx.msk [tilespmem:v10+s2+$0x0], $0xffff;
	v1 =	vadd.s32 s20, v11  }
0x81: {  	v4 =	vld.idx.msk [tilespmem:v12+s2+$0x0], $0xffff;
	v0 =	vadd.s32 s20, v13  }
0x82: {  	v5 =	vld.idx.msk [tilespmem:v14+s2+$0x0], $0xffff  }
0x83: {  	s18 =	sadd.s32 $0x80, s18;
	v6 =	vld.idx.msk [tilespmem:v16+s2+$0x0], $0xffff;
	[tilespmem:s16+$0x10] =	vst v15  }
0x84: {  	_ =	sdelay $0x2  }
0x85: {  	[tilespmem:s16+$0x20] =	vst v7;
	s15 =	sadd.s32 $0x80, s16  }
0x86: {  	v63 =	vld.idx.msk [tilespmem:v8+s2+$0x0], $0xffff;
	[tilespmem:s15+$0x30] =	vst v2  }
0x87: {  	v1 =	vld.idx.msk [tilespmem:v1+s2+$0x0], $0xffff;
	[tilespmem:s15+$0xFFFFFFC0] =	vst v3  }
0x88: {  	v0 =	vld.idx.msk [tilespmem:v0+s2+$0x0], $0xffff;
	[tilespmem:s15+$0xFFFFFFD0] =	vst v4  }
0x89: {  	[tilespmem:s15+$0xFFFFFFE0] =	vst v5  }
0x8a: {  	[tilespmem:s15+$0xFFFFFFF0] =	vst v6  }
0x8b: {  	s14 =	sadd.s32 $0x1, s14;
	[tilespmem:s15+$0x0] =	vst v63  }
0x8c: {  	p0 =	sne.s32 s14, s8;
	[tilespmem:s15+$0x10] =	vst v1  }
.Ltmp2:
0x8d: {  	[tilespmem:s15+$0x20] =	vst v0;
	(pc) =	sbr.rel @p0 .LBB2_1-.Ltmp2, $4  }
0x8e: {  	[hbm4b:s7+s10] =	stream.strided.scatter [tilespmem:s13], [sflag:$0x1], $0x10000, s11, s10, $0x38;
	[tilespmem:$0x18400] =	vst v63  }
0x8f: {  	_ =	swait.ge [sflag:s9], $0x10000  }
0x90: {  	[sflag:s9] =	ssyncset.done $0x0  }
0x91: {  	[sflag:s9] =	ssyncadd.s32 $0xFFFF0000  }
0x92: {  	_ =	sfence.sel $0x180000  }
0x93: {  	[bflag:$0x0] =	sbarrier.arrive $0xFFFF  }
0x94: {  	p0 =	sne.s32 s1, $0x0;
	_ =	strace $0x90000050  }
0x95: {  	s0 =	sadd.s32 @!p0 $0x100000, s0;
	[bflag:$0x2] =	sbarrier.arrive $0xFFFF  }
0x96: {  	[sflag:s0] =	ssyncadd.tile.s32 @!p0 $0x1;
	_ =	shalt  }
.Lfunc_end2:
_tile_overlayer_lowered:
.L_overlay_start_2:
0x97: {  	(tag) =	ssettag $0x2  }
0x98: {  	s0 =	rddreg [dreg:$0x0];
	s2 =	stileid.u32  }
0x99: {  	s1 =	rddreg [dreg:$0x1];
	p0 =	sne.s32 s2, $0x0  }
0x9a: {  	s3 =	rddreg [dreg:$0x2];
	[bflag:$0x3] =	sbarrier.arrive $0xFFFF;
	s2 =	simm.s32 @!p0 $0x1C01  }
0x9b: {  	[timem:s3], [sflag:s2] =	dma.local @!p0 [hbm:s0], s1  }
0x9c: {  	s0 =	simm.s32 @!p0 $0x1  }
0x9d: {  	_ =	swait.ge @!p0 [sflag:s0], s1  }
0x9e: {  	s1 =	ssub.s32 @!p0 $0x0, s1;
	[sflag:s0] =	ssyncset.done @!p0 $0x0  }
0x9f: {  	[sflag:s0] =	ssyncadd.s32 @!p0 s1  }
0xa0: {  	[bflag:$0x3] =	sbarrier.arrive $0xFFFF  }
0xa1: {  	_ =	shalt  }

// kernel: sparse-core-data-format-call.cloned.1.call-start
scs
called_computation_lowered:
.L_overlay_start_0:
0x0: {  	s2 =	sld [smem:$0x3FD9]  }
0x1: {  	s3 =	sld [smem:$0x3FFE];
	_ =	sdelay $0x1  }
0x2: {  	s1 =	srdreg.scid  }
0x3: {  	s0 =	sand.u32 $0x1, s1  }
0x4: {  	s18 =	sshll.u32 s0, $0xA;
	s2 =	sadd.s32 s3, s2  }
0x5: {  	s2 =	sadd.s32 s2, s18  }
0x6: {  	[smem:$0x3FC6] =	sst s2  }
0x7: {  	_ = 	snop  }
0x8: {  	s2 =	sld [smem:$0x3FD0];
	(tm) =	ssettm $0x1  }
0x9: {  	s19 =	sld [smem:$0x3FFB];
	_ =	sdelay $0x3  }
0xa: {  	_ =	strace s19  }
0xb: {  	s3 =	sld [smem:$0x3FFC];
	_ =	sdelay $0x3  }
0xc: {  	_ =	strace s3  }
0xd: {  	s3 =	sld [smem:$0x3FFD];
	_ =	sdelay $0x3  }
0xe: {  	_ =	strace s3  }
0xf: {  	_ =	strace $0x8FFFFFFF  }
0x10: {  	s20 =	sld [smem:$0x3FDB];
	_ =	sdelay $0x1  }
0x11: {  	s4 =	simm.s32 $_scs_section_size  }
0x12: {  	s5 =	simm.s32 $_size__tile_overlayer_lowered;
	s6 =	simm.s32 $_tile_overlayer_lowered  }
0x13: {  	s23 =	simm.s32 $0x1BFF;
	s22 =	sshll.u32 s6, $0x1;
	s3 =	sadd.s32 s4, s20  }
0x14: {  	s7 =	simm.s32 $0x0;
	s21 =	sshll.u32 s5, $0x1;
	s5 =	sadd.s32 s22, s3  }
0x15: {  	[timem:s7], [sflag:s23] =	dma.local [hbm:s5], s21  }
0x16: {  	_ =	swait.ge [sflag:s23], s21  }
0x17: {  	s4 =	ssub.s32 $0x0, s21;
	[sflag:s23] =	ssyncset.done $0x0  }
0x18: {  	[sflag:s23] =	ssyncadd.s32 s4;
	_ =	sdelay $0x1  }
0x19: {  	s24 =	simm.s32 $0x1B8B  }
0x1a: {  	_ =	swait.ge [sflag:s24], $0x1  }
0x1b: {  	[sflag:s24] =	ssyncset.done $0x0  }
0x1c: {  	s26 =	simm.s32 $0x1B8E;
	s25 =	sld [smem:$0x3FFE];
	[sflag:s24] =	ssyncadd.s32 $0xFFFFFFFF  }
0x1d: {  	s27 =	simm.s32 $execute0_lowered;
	[smem:$0x3FD2] =	sst s26  }
0x1e: {  	s5 =	sshll.u32 s27, $0x1;
	_ =	strace $0x80000052;
	[dreg:$0x1] =	wrdreg $0xFFFFFFFF  }
0x1f: {  	s28 =	simm.s32 $_size_execute0_lowered;
	s3 =	sadd.s32 s3, s5;
	[dreg:$0x0] =	wrdreg $0x0  }
0x20: {  	s5 =	sshll.u32 s28, $0x1;
	[dreg:$0x2] =	wrdreg s3  }
0x21: {  	[dreg:$0x3] =	wrdreg s5  }
0x22: {  	[dreg:$0x4] =	wrdreg $0xC0  }
0x23: {  	_ =	task [dreg:s7], $0x5FFFF  }
0x24: {  	[dreg:$0x1] =	wrdreg $0xFFFFFFFF  }
0x25: {  	[dreg:$0x0] =	wrdreg $0x60  }
0x26: {  	[dreg:$0x2] =	wrdreg s25  }
0x27: {  	[dreg:$0x3] =	wrdreg s2  }
0x28: {  	[dreg:$0x4] =	wrdreg $0x9  }
0x29: {  	_ =	task.clear_ibuf [dreg:s7], $0x5FFFF;
	_ =	strace $0x90000052  }
0x2a: {  	s29 =	simm.s32 $0x9;
	_ =	strace $0x80000054  }
0x2b: {  	_ =	swait.ge [sflag:s29], $0x1  }
0x2c: {  	[sflag:s29] =	ssyncadd.s32 $0xFFFFFFFF  }
0x2d: {  	_ =	strace $0x90000054  }
0x2e: {  	_ =	sfence  }
0x2f: {  	s30 =	sld [smem:$0x0];
	_ =	sdelay $0x2  }
0x30: {  	s31 =	sshll.u32 s1, $0xD;
	s1 =	sshrl.u32 s1, $0x2  }
0x31: {  	s3 =	sand.u32 $0x4000, s31;
	s1 =	sadd.s32 s1, s30  }
0x32: {  	s0 =	sor.u32 s3, s0;
	s1 =	sshll.u32 s1, $0x11  }
0x33: {  	s0 =	sor.u32 s1, s0  }
0x34: {  	s0 =	sadd.s32 $0x8F2B, s0  }
0x35: {  	[sflag:s0] =	ssyncadd.remote.s32 $0x1  }
0x36: {  	_ =	sfence.sel $0xFFFF  }
0x37: {  	[dreg:$0x0] =	wrdreg $0xFFFFFFFF;
	(pc) =	sbr.abs _section_cstart, $3  }
0x38: {  	[dreg:$0x1] =	wrdreg $0xFFFFFFFF  }
0x39: {  	_ =	task.clear_ibuf [dreg:s7], $0x2FFFF;
	_ =	strace $0x9FFFFFFF  }
0x3a: {  	(tm) =	ssettm $0x7FFFFFFF  }
0x3b: {  	_ =	shalt  }
tec
execute0_lowered:
.L_overlay_start_1:
0x0: {  	(tag) =	ssettag $0x1  }
0x1: {  	s0 =	stileid.u32  }
0x2: {  	s1 =	srdreg.scid;
	s7 =	rddreg [dreg:$0x0]  }
0x3: {  	s31 =	simm.s32 $0x2;
	s14 =	simm.s32 $0x0;
	s13 =	simm.s32 $0x0  }
0x4: {  	s12 =	simm.s32 $0x0;
	s2 =	sshll.u32 s0, $0x6;
	s1 =	sshll.u32 s1, $0xA  }
0x5: {  	s3 =	sshll.u32 s0, $0x7;
	s1 =	sor.u32 s2, s1;
	s2 =	rddreg [dreg:$0x1]  }
0x6: {  	s3 =	sand.u32 $0x80, s3;
	s4 =	sand.u32 $0x780, s1;
	s1 =	rddreg [dreg:$0x2]  }
0x7: {  	s5 =	ssub.s32 $0x100, s3;
	_ =	strace $0x80000053;
	s6 =	ssub.s32 $0x10000, s4  }
0x8: {  	s8 =	sshrl.u32 s5, $0x8;
	s5 =	sshrl.u32 s5, $0x7;
	s9 =	sand.u32 $0x780, s6  }
0x9: {  	s10 =	sand.u32 $0x1, s5;
	p0 =	sne.s32 s9, $0x0;
	s9 =	simm.s32 $0x1  }
.Ltmp0:
0xa: {  	s6 =	sshrl.u32 s6, $0xB;
	s9 =	simm.s32 @!p0 $0x0;
	(pc) =	sbr.rel .LBB1_1-.Ltmp0, $4  }
0xb: {  	s5 =	simm.s32 $0x1;
	s8 =	sadd.s32 s8, s10;
	s6 =	sadd.s32 s9, s6  }
0xc: {  	s7 =	sadd.s32 $0x188C00, s7;
	[sflag:s5] =	ssyncpa.u1 $0x0;
	s6 =	smul.u32 s8, s6  }
0xd: {  	s11 =	smov.u32 s3;
	s10 =	smov.u32 s4;
	[sflag:s31] =	ssyncpa.u1 $0x0  }
0xe: {  	p0 =	por $0x0, $0x0;
	s9 =	simm.s32 $0x800;
	s8 =	sadd.s32 $0x1, s6  }
.LBB1_4:
0xf: {  	v5 =	vld [tilespmem:s18+$0xFFFFFFD0]  }
0x10: {  	[tilespmem:s17+$0x2040 ss:$0x81] =	vst.msk $0xffff, v1;
	v58 =	vld [tilespmem:s18+$0xFFFFFFE0]  }
0x11: {  	[tilespmem:s17+$0x2850 ss:$0x81] =	vst.msk $0xffff, v2;
	v59 =	vld [tilespmem:s18+$0xFFFFFFF0]  }
0x12: {  	s19 =	sshra.s32 s19, $0x2;
	[tilespmem:s17+$0x3060 ss:$0x81] =	vst.msk $0xffff, v3;
	v60 =	vld [tilespmem:s18+$0x0]  }
0x13: {  	[tilespmem:s17+$0x0 ss:$0x81] =	vst.msk $0xffff, v0;
	v61 =	vld [tilespmem:s18+$0x10];
	s16 =	sadd.s32 s19, s16  }
0x14: {  	v62 =	vld [tilespmem:s18+$0x20];
	[tilespmem:s16+$0x3870 ss:$0x81] =	vst.msk $0xffff, v4  }
0x15: {  	v63 =	vld [tilespmem:s18+$0xFFFFFFC0];
	s27 =	sshll.u32 s14, $0x8;
	s28 =	sshll.u32 s13, $0x3;
	[tilespmem:s16+$0x810 ss:$0x81] =	vst.msk $0xffff, v5  }
0x16: {  	s29 =	sshll.u32 s14, $0x7;
	s17 =	sand.u32 $0xFFF800, s27;
	s18 =	sand.u32 $0xFFFC00, s28;
	[tilespmem:s16+$0x1020 ss:$0x81] =	vst.msk $0xffff, v58  }
0x17: {  	s30 =	sand.u32 $0x78, s13;
	s14 =	sand.u32 $0x380, s29;
	s17 =	sadd.s32 s18, s17;
	[tilespmem:s16+$0x1830 ss:$0x81] =	vst.msk $0xffff, v59  }
0x18: {  	s14 =	sor.u32 s30, s14;
	s17 =	sand.u32 $0xFFFC00, s17;
	[tilespmem:s16+$0x2040 ss:$0x81] =	vst.msk $0xffff, v60  }
0x19: {  	s31 =	sand.u32 $0x7, s13;
	s14 =	sor.u32 s17, s14;
	[tilespmem:s16+$0x2850 ss:$0x81] =	vst.msk $0xffff, v61  }
0x1a: {  	s13 =	sshll.u32 s31, $0x12;
	[tilespmem:s16+$0x3060 ss:$0x81] =	vst.msk $0xffff, v62;
	s14 =	sshrl.u32 s14, $0x3  }
0x1b: {  	s13 =	sor.u32 $0x400, s13;
	[tilespmem:s16+$0x0 ss:$0x81] =	vst.msk $0xffff, v63;
	s14 =	sadd.s32 s2, s14  }
0x1c: {  	[hbm4b:s14+s13] =	stream.strided.scatter [tilespmem:s15], [sflag:$0x2], $0x4000, s9, s13, $0x20;
	[tilespmem:$0x10100] =	vst v63  }
.LBB1_5:
0x1d: {  	s15 =	sadd.s32 $0x800, s10  }
0x1e: {  	s13 =	sadd.s32 $0x100, s11;
	s17 =	smov.u32 s11;
	p2 =	sgt.s32 s15, $0xFFFF  }
0x1f: {  	s17 =	smov.u32 @p2 s13  }
0x20: {  	s15 =	smov.u32 @p2 s4;
	p2 =	sgt.s32 s17, $0xFF  }
0x21: {  	s17 =	smov.u32 @p2 s3;
	p2 =	sne.s32 s12, s8  }
.Ltmp1:
0x22: {  	p1 =	slt.u32 s12, $0x2;
	(pc) =	sbr.rel @!p2 .LBB1_6-.Ltmp1, $4  }
0x23: {  	s16 =	simm.s32 @!p1 $0x2  }
0x24: {  	s14 =	smov.u32 s10;
	p0 =	por !p0, !p0;
	_ =	swait.ge @!p1 [sflag:s16], $0x4000  }
0x25: {  	s13 =	smov.u32 s11;
	[sflag:s16] =	ssyncset.done @!p1 $0x0;
	s10 =	smov.u32 s15  }
0x26: {  	s12 =	sadd.s32 $0x1, s12;
	[sflag:s16] =	ssyncadd.s32 @!p1 $0xFFFFC000;
	s11 =	smov.u32 s17  }
.LBB1_1:
0x27: {  	p1 =	sge.u32 s12, s6;
	s31 =	sadd.s32 $0xFFFFFFFF, s12  }
0x28: {  	s15 =	sand.u32 @!p1 $0x78, s10;
	s16 =	sshll.u32 @!p1 s11, $0x10;
	s17 =	sshll.u32 @!p1 s11, $0x7  }
0x29: {  	s18 =	sshll.u32 @!p1 s10, $0x3;
	s16 =	sand.u32 @!p1 $0xF80000, s16;
	s17 =	sand.u32 @!p1 $0x380, s17  }
0x2a: {  	s16 =	sadd.s32 @!p1 s16, s18;
	s18 =	sand.u32 @!p1 $0xFC00, s18;
	s15 =	sor.u32 @!p1 s17, s15  }
0x2b: {  	s17 =	sxor.u32 @!p1 $0xFFFFFFFF, s12;
	s16 =	sand.u32 @!p1 $0xFF0000, s16;
	s15 =	sor.u32 @!p1 s18, s15  }
0x2c: {  	s17 =	sshll.u32 @!p1 s17, $0xE;
	s15 =	sor.u32 @!p1 s16, s15;
	s16 =	sand.u32 @!p1 $0x7, s10  }
0x2d: {  	s18 =	simm.s32 @!p1 $0x80000;
	s15 =	sshrl.u32 @!p1 s15, $0x3;
	s16 =	sshll.u32 @!p1 s16, $0x12  }
0x2e: {  	s17 =	sand.u32 @!p1 $0x4000, s17;
	s15 =	sadd.s32 @!p1 s7, s15;
	s16 =	sor.u32 @!p1 $0x400, s16  }
0x2f: {  	[tilespmem:s17], [sflag:$0x1] =	stream.strided.gather @!p1 [hbm4b:s15+s16], $0x4000, s18, s16, $0x38;
	[tilespmem:$0x10100] =	vst v63  }
0x30: {  	p1 =	sge.u32 s31, s6  }
.Ltmp2:
0x31: {  	_ = 	snop;
	(pc) =	sbr.rel @p1 .LBB1_5-.Ltmp2, $1  }
0x32: {  	_ =	sdelay $0x3  }
0x33: {  	s15 =	simm.s32 $0x1  }
0x34: {  	_ =	swait.ge [sflag:s5], $0x4000;
	s15 =	simm.s32 @!p0 $0x0  }
0x35: {  	[sflag:s5] =	ssyncset.done $0x0;
	s16 =	sshll.u32 s15, $0xE  }
0x36: {  	[sflag:s5] =	ssyncadd.s32 $0xFFFFC000;
	s18 =	sor.u32 $0x40, s16  }
0x37: {  	s15 =	smul.u32 $0x10200, s15;
	v0 =	vld [tilespmem:s18+$0x30]  }
0x38: {  	v3 =	vld [tilespmem:s18+$0xFFFFFFD0]  }
0x39: {  	s15 =	sshrl.u32 s15, $0x2;
	v4 =	vld [tilespmem:s18+$0xFFFFFFE0]  }
0x3a: {  	v5 =	vld [tilespmem:s18+$0xFFFFFFF0];
	s16 =	sor.u32 $0x8000, s15  }
0x3b: {  	s31 =	sand.u32 $0x1, s12;
	v1 =	vld [tilespmem:s18+$0x0];
	s17 =	sadd.s32 $0x0, s16  }
0x3c: {  	v2 =	vld [tilespmem:s18+$0x10];
	s15 =	smul.u32 $0x10200, s31;
	[tilespmem:s17+$0x3870 ss:$0x81] =	vst.msk $0xffff, v0  }
0x3d: {  	[tilespmem:s17+$0x810 ss:$0x81] =	vst.msk $0xffff, v3;
	v3 =	vld [tilespmem:s18+$0x20]  }
0x3e: {  	s15 =	sshrl.u32 s15, $0x2;
	v0 =	vld [tilespmem:s18+$0xFFFFFFC0];
	[tilespmem:s17+$0x1020 ss:$0x81] =	vst.msk $0xffff, v4;
	s18 =	sadd.s32 $0x80, s18  }
0x3f: {  	s19 =	simm.s32 $0x4;
	s20 =	simm.s32 $0x8;
	s15 =	sor.u32 $0x8000, s15;
	[tilespmem:s17+$0x1830 ss:$0x81] =	vst.msk $0xffff, v5;
	v4 =	vld [tilespmem:s18+$0x30]  }
.LBB1_3:
0x40: {  	p1 =	sne.s32 s20, $0x1FC;
	v5 =	vld [tilespmem:s18+$0xFFFFFFD0];
	[tilespmem:s17+$0x2040 ss:$0x81] =	vst.msk $0xffff, v1  }
0x41: {  	v6 =	vld [tilespmem:s18+$0xFFFFFFE0];
	[tilespmem:s17+$0x2850 ss:$0x81] =	vst.msk $0xffff, v2  }
0x42: {  	s21 =	sshra.s32 s19, $0x2;
	s19 =	smov.u32 s20;
	v7 =	vld [tilespmem:s18+$0xFFFFFFF0];
	[tilespmem:s17+$0x3060 ss:$0x81] =	vst.msk $0xffff, v3  }
.Ltmp3:
0x43: {  	v1 =	vld [tilespmem:s18+$0x0];
	[tilespmem:s17+$0x0 ss:$0x81] =	vst.msk $0xffff, v0;
	s17 =	sadd.s32 s21, s16;
	(pc) =	sbr.rel @p1 .LBB1_3-.Ltmp3, $4  }
0x44: {  	v2 =	vld [tilespmem:s18+$0x10];
	[tilespmem:s17+$0x3870 ss:$0x81] =	vst.msk $0xffff, v4  }
0x45: {  	[tilespmem:s17+$0x810 ss:$0x81] =	vst.msk $0xffff, v5;
	v3 =	vld [tilespmem:s18+$0x20]  }
0x46: {  	v0 =	vld [tilespmem:s18+$0xFFFFFFC0];
	[tilespmem:s17+$0x1020 ss:$0x81] =	vst.msk $0xffff, v6;
	s18 =	sadd.s32 $0x80, s18  }
0x47: {  	s20 =	sadd.s32 $0x4, s20;
	v4 =	vld [tilespmem:s18+$0x30];
	[tilespmem:s17+$0x1830 ss:$0x81] =	vst.msk $0xffff, v7  }
.Ltmp4:
0x48: {  	_ = 	snop;
	(pc) =	sbr.rel .LBB1_4-.Ltmp4, $1  }
0x49: {  	_ =	sdelay $0x3  }
.LBB1_6:
0x4a: {  	_ =	sfence.sel $0x180000  }
0x4b: {  	s2 =	simm.s32 $0x1;
	[bflag:$0x0] =	sbarrier.arrive $0xFFFF  }
0x4c: {  	s31 =	simm.s32 $0x2;
	[sflag:s2] =	ssyncpa.u1 $0x1  }
0x4d: {  	[sflag:s31] =	ssyncpa.u1 $0x1  }
0x4e: {  	p0 =	sne.s32 s0, $0x0;
	_ =	strace $0x90000053  }
0x4f: {  	s0 =	sadd.s32 @!p0 $0x100000, s1;
	[bflag:$0x2] =	sbarrier.arrive $0xFFFF  }
0x50: {  	[sflag:s0] =	ssyncadd.tile.s32 @!p0 $0x1;
	_ =	shalt  }
.Lfunc_end1:
_tile_overlayer_lowered:
.L_overlay_start_2:
0x51: {  	(tag) =	ssettag $0x2  }
0x52: {  	s0 =	rddreg [dreg:$0x0];
	s2 =	stileid.u32  }
0x53: {  	s1 =	rddreg [dreg:$0x1];
	p0 =	sne.s32 s2, $0x0  }
0x54: {  	s3 =	rddreg [dreg:$0x2];
	[bflag:$0x3] =	sbarrier.arrive $0xFFFF;
	s2 =	simm.s32 @!p0 $0x1C01  }
0x55: {  	[timem:s3], [sflag:s2] =	dma.local @!p0 [hbm:s0], s1  }
0x56: {  	s0 =	simm.s32 @!p0 $0x1  }
0x57: {  	_ =	swait.ge @!p0 [sflag:s0], s1  }
0x58: {  	s1 =	ssub.s32 @!p0 $0x0, s1;
	[sflag:s0] =	ssyncset.done @!p0 $0x0  }
0x59: {  	[sflag:s0] =	ssyncadd.s32 @!p0 s1  }
0x5a: {  	[bflag:$0x3] =	sbarrier.arrive $0xFFFF  }
0x5b: {  	_ =	shalt  }

</sc_bundles>
